<compile_context>
chip_gen: v7x
topology: tpu7x:2x2x1
jax: 0.10.2.dev20260603
libtpu: 0.0.44.dev20260713+nightly
codegen_flags: <defaults>
</compile_context>

<pallas_src>
import functools
import math

import jax
import jax.numpy as jnp
from jax import lax
from jax.experimental import pallas as pl
from jax.experimental.pallas import tpu as pltpu
from jax.experimental.pallas import tpu_sc as plsc

N_BINS = 500
K_FINE = 4
FINE = N_BINS * K_FINE
FINE_PAD = 2048
NC = 2
NS = 16
L = 16
NW = NC * NS
N_ELEM = 16777216
PER_W = N_ELEM // NW
CHUNK = 16384
NCHUNK = PER_W // CHUNK
MM_CHUNK = 32768
MM_NCHUNK = PER_W // MM_CHUNK
HIST_WORDS = 2 * FINE_PAD * L
NEG_HALF_LOG_2PI = -0.5 * math.log(2.0 * math.pi)

_mesh = plsc.VectorSubcoreMesh(
    core_axis_name="c", subcore_axis_name="s", num_cores=NC, num_subcores=NS
)


def _wid():
    return lax.axis_index("s") * NC + lax.axis_index("c")


def _splat(val):
    return jnp.where(lax.iota(jnp.int32, L) >= 0, jnp.float32(val), jnp.float32(0))


def _ring_scan(x_hbm, base, buf0, buf1, sem0, sem1, compute, init, chunk, nchunk):

    def start(c, buf, sem):
        s = pl.multiple_of(base + c * chunk, chunk)
        pltpu.make_async_copy(x_hbm.at[pl.ds(s, chunk)], buf, sem).start()

    def wait(buf, sem):
        pltpu.make_async_copy(x_hbm.at[pl.ds(0, chunk)], buf, sem).wait()

    start(0, buf0, sem0)
    start(1, buf1, sem1)

    def body(k, carry):
        wait(buf0, sem0)
        carry = compute(buf0, carry)

        @pl.when(2 * k + 2 < nchunk)
        def _s0():
            start(2 * k + 2, buf0, sem0)

        wait(buf1, sem1)
        carry = compute(buf1, carry)

        @pl.when(2 * k + 3 < nchunk)
        def _s1():
            start(2 * k + 3, buf1, sem1)

        return carry

    return lax.fori_loop(0, nchunk // 2, body, init)


@functools.partial(
    pl.kernel,
    out_type=jax.ShapeDtypeStruct((NW * 64,), jnp.float32),
    mesh=_mesh,
    scratch_types=[
        pltpu.VMEM((MM_CHUNK,), jnp.float32),
        pltpu.VMEM((MM_CHUNK,), jnp.float32),
        pltpu.VMEM((64,), jnp.float32),
        pltpu.SemaphoreType.DMA,
        pltpu.SemaphoreType.DMA,
    ],
)
def _minmax_sc_kernel(xa_hbm, xb_hbm, out_hbm, buf0, buf1, mmv, sem0, sem1):
    wid = _wid()
    base = wid * PER_W

    big = _splat(jnp.inf)
    nacc = 8
    nvec8 = MM_CHUNK // L // nacc

    def scan_array(x_hbm):
        def compute(buf, carry):
            def body8(i, c2):
                mns, mxs = c2
                mns, mxs = list(mns), list(mxs)
                for u in range(nacc):
                    v = buf[pl.ds((i * nacc + u) * L, L)]
                    mns[u] = jnp.minimum(mns[u], v)
                    mxs[u] = jnp.maximum(mxs[u], v)
                return tuple(mns), tuple(mxs)

            return lax.fori_loop(0, nvec8, body8, carry)

        mns, mxs = _ring_scan(
            x_hbm, base, buf0, buf1, sem0, sem1, compute,
            ((big,) * nacc, (-big,) * nacc), MM_CHUNK, MM_NCHUNK,
        )
        return (
            functools.reduce(jnp.minimum, mns),
            functools.reduce(jnp.maximum, mxs),
        )

    mna, mxa = scan_array(xa_hbm)
    mnb, mxb = scan_array(xb_hbm)
    mmv[pl.ds(0, L)] = mna
    mmv[pl.ds(16, L)] = mxa
    mmv[pl.ds(32, L)] = mnb
    mmv[pl.ds(48, L)] = mxb
    pltpu.sync_copy(mmv, out_hbm.at[pl.ds(wid * 64, 64)])


@functools.partial(
    pl.kernel,
    out_type=jax.ShapeDtypeStruct((NW * HIST_WORDS,), jnp.float32),
    mesh=_mesh,
    scratch_types=[
        pltpu.VMEM((CHUNK,), jnp.float32),
        pltpu.VMEM((CHUNK,), jnp.float32),
        pltpu.VMEM((HIST_WORDS,), jnp.float32),
        pltpu.VMEM((NW * 64,), jnp.float32),
        pltpu.SemaphoreType.DMA,
        pltpu.SemaphoreType.DMA,
    ],
    compiler_params=pltpu.CompilerParams(needs_layout_passes=False),
)
def _hist_kernel(
    xa_hbm, xb_hbm, mm_hbm, out_hbm, buf0, buf1, hist, mmv, sem0, sem1
):
    def lane_reduce(v, op):
        s = v[0]
        for i in range(1, L):
            s = op(s, v[i])
        return jnp.full((L,), s, jnp.float32)

    wid = _wid()
    base = wid * PER_W

    pltpu.sync_copy(mm_hbm, mmv)

    big = _splat(jnp.inf)

    def fold_body(w, carry):
        mna, mxa, mnb, mxb = carry
        o = w * 64
        return (
            jnp.minimum(mna, mmv[pl.ds(o, L)]),
            jnp.maximum(mxa, mmv[pl.ds(o + 16, L)]),
            jnp.minimum(mnb, mmv[pl.ds(o + 32, L)]),
            jnp.maximum(mxb, mmv[pl.ds(o + 48, L)]),
        )

    mna, mxa, mnb, mxb = lax.fori_loop(0, NW, fold_body, (big, -big, big, -big))

    fine_f = jnp.float32(FINE)
    one = _splat(1.0)

    lo_a = lane_reduce(mna, jnp.minimum)
    hi_a = lane_reduce(mxa, jnp.maximum)
    lo_b = lane_reduce(mnb, jnp.minimum)
    hi_b = lane_reduce(mxb, jnp.maximum)
    inv_a = one / ((hi_a - lo_a) / fine_f)
    inv_b = one / ((hi_b - lo_b) / fine_f)

    zeros = _splat(0.0)

    def zero_body(i, _):
        hist[pl.ds(i * L, L)] = zeros
        return 0

    lax.fori_loop(0, HIST_WORDS // L, zero_body, 0)

    lane = lax.iota(jnp.int32, L)
    fine_pad_f = jnp.float32(FINE_PAD)

    def scan_array(x_hbm, lo_own, inv_own, own_off):
        own_lanes = lane + own_off
        off_own = fine_pad_f - lo_own * inv_own

        def compute(buf, carry):
            def body(j):
                v = buf[pl.ds(j * L, L)]
                t = v * inv_own + off_own
                a = plsc.bitcast(t, jnp.int32) >> 8
                plsc.addupdate_scatter(hist, [(a & 0x7FF0) | own_lanes], one)

            plsc.parallel_loop(0, CHUNK // L, unroll=8)(body)
            return carry

        _ring_scan(x_hbm, base, buf0, buf1, sem0, sem1, compute, 0, CHUNK, NCHUNK)

    scan_array(xa_hbm, lo_a, inv_a, 0)
    scan_array(xb_hbm, lo_b, inv_b, FINE_PAD * L)

    pltpu.sync_copy(hist, out_hbm.at[pl.ds(wid * HIST_WORDS, HIST_WORDS)])


_ROWS_PER_HIST = FINE_PAD * L // 128
_GRP = 128 // L


def _finalize_body(h_ref, mm_ref, o_ref):
    mm = mm_ref[...]
    lo_a = jnp.min(mm[:, 0:16])
    hi_a = jnp.max(mm[:, 16:32])
    lo_b = jnp.min(mm[:, 32:48])
    hi_b = jnp.max(mm[:, 48:64])
    lo_ab = jnp.minimum(lo_a, lo_b)
    hi_ab = jnp.maximum(hi_a, hi_b)
    w_ab = (hi_ab - lo_ab) / N_BINS
    inv_ab = 1.0 / w_ab

    h = h_ref[...].reshape(NW, 2 * _ROWS_PER_HIST, 128).sum(axis=0)

    sel = (
        lax.broadcasted_iota(jnp.int32, (128, _GRP), 0) // L
        == lax.broadcasted_iota(jnp.int32, (128, _GRP), 1)
    ).astype(jnp.float32)

    fshape = (_ROWS_PER_HIST, _GRP)
    f_idx = (
        lax.broadcasted_iota(jnp.int32, fshape, 0) * _GRP
        + lax.broadcasted_iota(jnp.int32, fshape, 1)
    ).astype(jnp.float32)

    def lp_ab(j):
        c = lo_ab + (j + 0.5) * w_ab
        return -0.5 * c * c + NEG_HALF_LOG_2PI

    own_terms = []
    ab_parts = []
    totals = []
    for hist_i, (lo, hi) in enumerate([(lo_a, hi_a), (lo_b, hi_b)]):
        block = h[hist_i * _ROWS_PER_HIST : (hist_i + 1) * _ROWS_PER_HIST, :]
        fine_mat = jnp.dot(block, sel, preferred_element_type=jnp.float32)

        w_own = (hi - lo) / N_BINS
        ob = jnp.minimum(jnp.floor(f_idx * (1.0 / K_FINE)), N_BINS - 1.0)
        c_own = lo + (ob + 0.5) * w_own
        lp_own = -0.5 * c_own * c_own + NEG_HALF_LOG_2PI
        tot = jnp.sum(fine_mat)
        own_terms.append(jnp.sum(fine_mat * lp_own) / tot)
        totals.append(tot)

        w_fine = (hi - lo) / FINE
        u0 = lo + f_idx * w_fine
        u1 = u0 + w_fine
        j0 = jnp.clip(jnp.floor((u0 - lo_ab) * inv_ab), 0.0, N_BINS - 1.0)
        j1 = jnp.clip(jnp.floor((u1 - lo_ab) * inv_ab), 0.0, N_BINS - 1.0)
        t = jnp.clip((u1 - (lo_ab + j1 * w_ab)) / w_fine, 0.0, 1.0)
        g = lp_ab(j0) * (1.0 - t) + lp_ab(j1) * t
        ab_parts.append(jnp.sum(fine_mat * g))

    avg_ab = (ab_parts[0] + ab_parts[1]) / (totals[0] + totals[1])
    log_s = avg_ab - own_terms[0] - own_terms[1]
    o_ref[...] = jnp.reshape(log_s, (1, 1))


def kernel(XA_1d, XB_1d):
    mm = _minmax_sc_kernel(XA_1d, XB_1d)
    hists = _hist_kernel(XA_1d, XB_1d, mm)
    out = pl.pallas_call(
        _finalize_body,
        out_shape=jax.ShapeDtypeStruct((1, 1), jnp.float32),
    )(hists.reshape(NW * 2 * _ROWS_PER_HIST, 128), mm.reshape(NW, 64))
    return out[0, 0]

# --- scband reference (transcript-rebuilt; emitter-appended) ---
"""Pipeline reference for scband-log-suspiciousness-4595615007417 (READ-ONLY COPY).

The authoritative reference and input builder live on the scoring server;
editing this copy changes nothing except your own understanding.
"""

import jax, jax.numpy as jnp
import numpy as np

LIKELIHOOD_MEAN = 0.0
LIKELIHOOD_COV = 1.0  # used as the Normal scale (std), matching torch.distributions.Normal(mean, scale)
N_BINS = 500


def _binned_weights(X, n_bins):
    # Histogram of X into n_bins equal-width bins spanning [min, max].
    # Returns normalized weights (counts / total) and bin centers.
    lo = X.min()
    hi = X.max()
    width = (hi - lo) / n_bins
    idx = jnp.clip(jnp.floor((X - lo) / width).astype(jnp.int32), 0, n_bins - 1)
    counts = jnp.zeros((n_bins,), dtype=jnp.float32).at[idx].add(1.0)
    weights = counts / counts.sum()
    edges = jnp.linspace(lo, hi, n_bins + 1)
    centers = 0.5 * (edges[:-1] + edges[1:])
    return weights, centers


def _log_prob(x, mean, std):
    # Normal(mean, std).log_prob(x)
    return -0.5 * ((x - mean) / std) ** 2 - jnp.log(std) - 0.5 * jnp.log(2.0 * jnp.pi)


def setup_inputs(seed: int = 0) -> dict:
    key = jax.random.key(seed)
    kA, kB = jax.random.split(key)
    XA = jax.random.normal(kA, (16777216,), dtype=jnp.float32)
    XB = jax.random.normal(kB, (16777216,), dtype=jnp.float32) * 1.1 + 0.1
    return {"XA_1d": XA, "XB_1d": XB}


def reference(XA_1d, XB_1d):
    mean = jnp.float32(LIKELIHOOD_MEAN)
    std = jnp.float32(LIKELIHOOD_COV)
    weights_A, bins_A = _binned_weights(XA_1d, N_BINS)
    weights_B, bins_B = _binned_weights(XB_1d, N_BINS)
    XAB_1d = jnp.concatenate([XA_1d, XB_1d])
    weights_AB, bins_AB = _binned_weights(XAB_1d, N_BINS)
    avg_llhd_A = (_log_prob(bins_A, mean, std) * weights_A).sum()
    avg_llhd_B = (_log_prob(bins_B, mean, std) * weights_B).sum()
    avg_llhd_AB = (_log_prob(bins_AB, mean, std) * weights_AB).sum()
    log_S = avg_llhd_AB - avg_llhd_A - avg_llhd_B
    return log_S

if __name__ == "__main__":
    import jax
    _d = setup_inputs()
    print(jax.jit(kernel)(*tuple(_d.values())))

</pallas_src>

<mosaic_0001>
#map = affine_map<(d0, d1) -> (0)>
module attributes {stable_mosaic.version = 14 : i64} {
  func.func @_hist_kernel(%arg0: i32, %arg1: i32, %arg2: memref<16777216xf32, #tpu.memory_space<hbm>>, %arg3: memref<16777216xf32, #tpu.memory_space<hbm>>, %arg4: memref<2048xf32, #tpu.memory_space<hbm>>, %arg5: memref<2097152xf32, #tpu.memory_space<hbm>>, %arg6: memref<16384xf32, #tpu.memory_space<vmem>>, %arg7: memref<16384xf32, #tpu.memory_space<vmem>>, %arg8: memref<65536xf32, #tpu.memory_space<vmem>>, %arg9: memref<2048xf32, #tpu.memory_space<vmem>>, %arg10: memref<!tpu.dma_semaphore, #tpu.memory_space<semaphore_mem>>, %arg11: memref<!tpu.dma_semaphore, #tpu.memory_space<semaphore_mem>>) attributes {dimension_semantics = [#tpu.dimension_semantics<core_parallel>, #tpu.dimension_semantics<subcore_parallel>], iteration_bounds = array<i64: 2, 16>, scalar_prefetch = 0 : i64, scratch_operands = 6 : i64, tpu.core_type = #tpu.core_type<sc_vector_subcore>, window_params = [{transform_indices = #map}, {transform_indices = #map}, {transform_indices = #map}, {transform_indices = #map}]} {
    %mul3A = arith.constant 2 : i32
    %mul3A_0 = arith.muli %arg1, %mul3A : i32
    %add3A = arith.addi %mul3A_0, %arg0 : i32
    %mul3A_1 = arith.constant 524288 : i32
    %mul3A_2 = arith.muli %add3A, %mul3A_1 : i32
    "tpu.region"() ({
      %run_scoped3A = tpu.sem_alloc : memref<!tpu.dma_semaphore, #tpu.memory_space<semaphore_mem>>
      tpu.enqueue_dma source(%arg4 : memref<2048xf32, #tpu.memory_space<hbm>>) target(%arg9 : memref<2048xf32, #tpu.memory_space<vmem>>) target_semaphore(%run_scoped3A : memref<!tpu.dma_semaphore, #tpu.memory_space<semaphore_mem>>)
      tpu.wait_dma2 semaphore(%run_scoped3A : memref<!tpu.dma_semaphore, #tpu.memory_space<semaphore_mem>>) src(%arg4 : memref<2048xf32, #tpu.memory_space<hbm>>) dst(%arg9 : memref<2048xf32, #tpu.memory_space<vmem>>)
      tpu.yield
    }) : () -> ()
    %iota3A = tpu.iota {dimensions = array<i32: 0>} : vector<16xi32>
    %ge3A = arith.constant 0 : i32
    %ge3A_3 = vector.broadcast %ge3A : i32 to vector<16xi32>
    %ge3A_4 = arith.cmpi sge, %iota3A, %ge3A_3 : vector<16xi32>
    %jit3A = arith.constant 0x7F800000 : f32
    %jit3A_5 = arith.constant 0.000000e+00 : f32
    %broadcast_in_dim3A = vector.broadcast %jit3A : f32 to vector<16xf32>
    %broadcast_in_dim3A_6 = vector.broadcast %jit3A_5 : f32 to vector<16xf32>
    %select_n3A = arith.select %ge3A_4, %broadcast_in_dim3A, %broadcast_in_dim3A_6 : vector<16xi1>, vector<16xf32>
    %neg3A = arith.constant 0.000000e+00 : f32
    %neg3A_7 = vector.broadcast %neg3A : f32 to vector<16xf32>
    %neg3A_8 = arith.subf %neg3A_7, %select_n3A : vector<16xf32>
    %neg3A_9 = arith.constant 0.000000e+00 : f32
    %neg3A_10 = vector.broadcast %neg3A_9 : f32 to vector<16xf32>
    %neg3A_11 = arith.subf %neg3A_10, %select_n3A : vector<16xf32>
    %scan3A = arith.constant 0 : i32
    %scan3A_12 = arith.constant 32 : i32
    %scan3A_13 = arith.addi %scan3A, %scan3A_12 : i32
    %scan3A_14 = arith.constant 1 : i32
    %scan3A_15:4 = scf.for %scan3A_285 = %scan3A to %scan3A_13 step %scan3A_14 iter_args(%scan3A_286 = %select_n3A, %scan3A_287 = %neg3A_8, %scan3A_288 = %select_n3A, %scan3A_289 = %neg3A_11) -> (vector<16xf32>, vector<16xf32>, vector<16xf32>, vector<16xf32>)  : i32 {
      %mul3A_290 = arith.constant 64 : i32
      %mul3A_291 = arith.muli %scan3A_285, %mul3A_290 : i32
      %get3A = arith.index_cast %mul3A_291 : i32 to index
      %get3A_292 = tpu.vector_load %arg9[%get3A] {strides = array<i32>} : memref<2048xf32, #tpu.memory_space<vmem>>, vector<16xf32>,
      %min3A_293 = arith.minimumf %scan3A_286, %get3A_292 : vector<16xf32>
      %add3A_294 = arith.constant 16 : i32
      %add3A_295 = arith.addi %mul3A_291, %add3A_294 : i32
      %get3A_296 = arith.index_cast %add3A_295 : i32 to index
      %get3A_297 = tpu.vector_load %arg9[%get3A_296] {strides = array<i32>} : memref<2048xf32, #tpu.memory_space<vmem>>, vector<16xf32>,
      %max3A_298 = arith.maximumf %scan3A_287, %get3A_297 : vector<16xf32>
      %add3A_299 = arith.constant 32 : i32
      %add3A_300 = arith.addi %mul3A_291, %add3A_299 : i32
      %get3A_301 = arith.index_cast %add3A_300 : i32 to index
      %get3A_302 = tpu.vector_load %arg9[%get3A_301] {strides = array<i32>} : memref<2048xf32, #tpu.memory_space<vmem>>, vector<16xf32>,
      %min3A_303 = arith.minimumf %scan3A_288, %get3A_302 : vector<16xf32>
      %add3A_304 = arith.constant 48 : i32
      %add3A_305 = arith.addi %mul3A_291, %add3A_304 : i32
      %get3A_306 = arith.index_cast %add3A_305 : i32 to index
      %get3A_307 = tpu.vector_load %arg9[%get3A_306] {strides = array<i32>} : memref<2048xf32, #tpu.memory_space<vmem>>, vector<16xf32>,
      %max3A_308 = arith.maximumf %scan3A_289, %get3A_307 : vector<16xf32>
      scf.yield %min3A_293, %max3A_298, %min3A_303, %max3A_308 : vector<16xf32>, vector<16xf32>, vector<16xf32>, vector<16xf32>
    }
    %scan3A_16 = arith.constant 32 : i32
    %iota3A_17 = tpu.iota {dimensions = array<i32: 0>} : vector<16xi32>
    %ge3A_18 = arith.constant 0 : i32
    %ge3A_19 = vector.broadcast %ge3A_18 : i32 to vector<16xi32>
    %ge3A_20 = arith.cmpi sge, %iota3A_17, %ge3A_19 : vector<16xi32>
    %jit3A_21 = arith.constant 1.000000e+00 : f32
    %jit3A_22 = arith.constant 0.000000e+00 : f32
    %broadcast_in_dim3A_23 = vector.broadcast %jit3A_21 : f32 to vector<16xf32>
    %broadcast_in_dim3A_24 = vector.broadcast %jit3A_22 : f32 to vector<16xf32>
    %select_n3A_25 = arith.select %ge3A_20, %broadcast_in_dim3A_23, %broadcast_in_dim3A_24 : vector<16xi1>, vector<16xf32>
    %slice3A = vector.extract_strided_slice %scan3A_15#0 {offsets = [0], sizes = [1], strides = [1]} : vector<16xf32> to vector<1xf32>
    %squeeze3A = vector.extract %slice3A[0] : f32 from vector<1xf32>
    %slice3A_26 = vector.extract_strided_slice %scan3A_15#0 {offsets = [1], sizes = [1], strides = [1]} : vector<16xf32> to vector<1xf32>
    %squeeze3A_27 = vector.extract %slice3A_26[0] : f32 from vector<1xf32>
    %min3A = arith.minimumf %squeeze3A, %squeeze3A_27 : f32
    %slice3A_28 = vector.extract_strided_slice %scan3A_15#0 {offsets = [2], sizes = [1], strides = [1]} : vector<16xf32> to vector<1xf32>
    %squeeze3A_29 = vector.extract %slice3A_28[0] : f32 from vector<1xf32>
    %min3A_30 = arith.minimumf %min3A, %squeeze3A_29 : f32
    %slice3A_31 = vector.extract_strided_slice %scan3A_15#0 {offsets = [3], sizes = [1], strides = [1]} : vector<16xf32> to vector<1xf32>
    %squeeze3A_32 = vector.extract %slice3A_31[0] : f32 from vector<1xf32>
    %min3A_33 = arith.minimumf %min3A_30, %squeeze3A_32 : f32
    %slice3A_34 = vector.extract_strided_slice %scan3A_15#0 {offsets = [4], sizes = [1], strides = [1]} : vector<16xf32> to vector<1xf32>
    %squeeze3A_35 = vector.extract %slice3A_34[0] : f32 from vector<1xf32>
    %min3A_36 = arith.minimumf %min3A_33, %squeeze3A_35 : f32
    %slice3A_37 = vector.extract_strided_slice %scan3A_15#0 {offsets = [5], sizes = [1], strides = [1]} : vector<16xf32> to vector<1xf32>
    %squeeze3A_38 = vector.extract %slice3A_37[0] : f32 from vector<1xf32>
    %min3A_39 = arith.minimumf %min3A_36, %squeeze3A_38 : f32
    %slice3A_40 = vector.extract_strided_slice %scan3A_15#0 {offsets = [6], sizes = [1], strides = [1]} : vector<16xf32> to vector<1xf32>
    %squeeze3A_41 = vector.extract %slice3A_40[0] : f32 from vector<1xf32>
    %min3A_42 = arith.minimumf %min3A_39, %squeeze3A_41 : f32
    %slice3A_43 = vector.extract_strided_slice %scan3A_15#0 {offsets = [7], sizes = [1], strides = [1]} : vector<16xf32> to vector<1xf32>
    %squeeze3A_44 = vector.extract %slice3A_43[0] : f32 from vector<1xf32>
    %min3A_45 = arith.minimumf %min3A_42, %squeeze3A_44 : f32
    %slice3A_46 = vector.extract_strided_slice %scan3A_15#0 {offsets = [8], sizes = [1], strides = [1]} : vector<16xf32> to vector<1xf32>
    %squeeze3A_47 = vector.extract %slice3A_46[0] : f32 from vector<1xf32>
    %min3A_48 = arith.minimumf %min3A_45, %squeeze3A_47 : f32
    %slice3A_49 = vector.extract_strided_slice %scan3A_15#0 {offsets = [9], sizes = [1], strides = [1]} : vector<16xf32> to vector<1xf32>
    %squeeze3A_50 = vector.extract %slice3A_49[0] : f32 from vector<1xf32>
    %min3A_51 = arith.minimumf %min3A_48, %squeeze3A_50 : f32
    %slice3A_52 = vector.extract_strided_slice %scan3A_15#0 {offsets = [10], sizes = [1], strides = [1]} : vector<16xf32> to vector<1xf32>
    %squeeze3A_53 = vector.extract %slice3A_52[0] : f32 from vector<1xf32>
    %min3A_54 = arith.minimumf %min3A_51, %squeeze3A_53 : f32
    %slice3A_55 = vector.extract_strided_slice %scan3A_15#0 {offsets = [11], sizes = [1], strides = [1]} : vector<16xf32> to vector<1xf32>
    %squeeze3A_56 = vector.extract %slice3A_55[0] : f32 from vector<1xf32>
    %min3A_57 = arith.minimumf %min3A_54, %squeeze3A_56 : f32
    %slice3A_58 = vector.extract_strided_slice %scan3A_15#0 {offsets = [12], sizes = [1], strides = [1]} : vector<16xf32> to vector<1xf32>
    %squeeze3A_59 = vector.extract %slice3A_58[0] : f32 from vector<1xf32>
    %min3A_60 = arith.minimumf %min3A_57, %squeeze3A_59 : f32
    %slice3A_61 = vector.extract_strided_slice %scan3A_15#0 {offsets = [13], sizes = [1], strides = [1]} : vector<16xf32> to vector<1xf32>
    %squeeze3A_62 = vector.extract %slice3A_61[0] : f32 from vector<1xf32>
    %min3A_63 = arith.minimumf %min3A_60, %squeeze3A_62 : f32
    %slice3A_64 = vector.extract_strided_slice %scan3A_15#0 {offsets = [14], sizes = [1], strides = [1]} : vector<16xf32> to vector<1xf32>
    %squeeze3A_65 = vector.extract %slice3A_64[0] : f32 from vector<1xf32>
    %min3A_66 = arith.minimumf %min3A_63, %squeeze3A_65 : f32
    %slice3A_67 = vector.extract_strided_slice %scan3A_15#0 {offsets = [15], sizes = [1], strides = [1]} : vector<16xf32> to vector<1xf32>
    %squeeze3A_68 = vector.extract %slice3A_67[0] : f32 from vector<1xf32>
    %min3A_69 = arith.minimumf %min3A_66, %squeeze3A_68 : f32
    %broadcast_in_dim3A_70 = vector.broadcast %min3A_69 : f32 to vector<16xf32>
    %slice3A_71 = vector.extract_strided_slice %scan3A_15#1 {offsets = [0], sizes = [1], strides = [1]} : vector<16xf32> to vector<1xf32>
    %squeeze3A_72 = vector.extract %slice3A_71[0] : f32 from vector<1xf32>
    %slice3A_73 = vector.extract_strided_slice %scan3A_15#1 {offsets = [1], sizes = [1], strides = [1]} : vector<16xf32> to vector<1xf32>
    %squeeze3A_74 = vector.extract %slice3A_73[0] : f32 from vector<1xf32>
    %max3A = arith.maximumf %squeeze3A_72, %squeeze3A_74 : f32
    %slice3A_75 = vector.extract_strided_slice %scan3A_15#1 {offsets = [2], sizes = [1], strides = [1]} : vector<16xf32> to vector<1xf32>
    %squeeze3A_76 = vector.extract %slice3A_75[0] : f32 from vector<1xf32>
    %max3A_77 = arith.maximumf %max3A, %squeeze3A_76 : f32
    %slice3A_78 = vector.extract_strided_slice %scan3A_15#1 {offsets = [3], sizes = [1], strides = [1]} : vector<16xf32> to vector<1xf32>
    %squeeze3A_79 = vector.extract %slice3A_78[0] : f32 from vector<1xf32>
    %max3A_80 = arith.maximumf %max3A_77, %squeeze3A_79 : f32
    %slice3A_81 = vector.extract_strided_slice %scan3A_15#1 {offsets = [4], sizes = [1], strides = [1]} : vector<16xf32> to vector<1xf32>
    %squeeze3A_82 = vector.extract %slice3A_81[0] : f32 from vector<1xf32>
    %max3A_83 = arith.maximumf %max3A_80, %squeeze3A_82 : f32
    %slice3A_84 = vector.extract_strided_slice %scan3A_15#1 {offsets = [5], sizes = [1], strides = [1]} : vector<16xf32> to vector<1xf32>
    %squeeze3A_85 = vector.extract %slice3A_84[0] : f32 from vector<1xf32>
    %max3A_86 = arith.maximumf %max3A_83, %squeeze3A_85 : f32
    %slice3A_87 = vector.extract_strided_slice %scan3A_15#1 {offsets = [6], sizes = [1], strides = [1]} : vector<16xf32> to vector<1xf32>
    %squeeze3A_88 = vector.extract %slice3A_87[0] : f32 from vector<1xf32>
    %max3A_89 = arith.maximumf %max3A_86, %squeeze3A_88 : f32
    %slice3A_90 = vector.extract_strided_slice %scan3A_15#1 {offsets = [7], sizes = [1], strides = [1]} : vector<16xf32> to vector<1xf32>
    %squeeze3A_91 = vector.extract %slice3A_90[0] : f32 from vector<1xf32>
    %max3A_92 = arith.maximumf %max3A_89, %squeeze3A_91 : f32
    %slice3A_93 = vector.extract_strided_slice %scan3A_15#1 {offsets = [8], sizes = [1], strides = [1]} : vector<16xf32> to vector<1xf32>
    %squeeze3A_94 = vector.extract %slice3A_93[0] : f32 from vector<1xf32>
    %max3A_95 = arith.maximumf %max3A_92, %squeeze3A_94 : f32
    %slice3A_96 = vector.extract_strided_slice %scan3A_15#1 {offsets = [9], sizes = [1], strides = [1]} : vector<16xf32> to vector<1xf32>
    %squeeze3A_97 = vector.extract %slice3A_96[0] : f32 from vector<1xf32>
    %max3A_98 = arith.maximumf %max3A_95, %squeeze3A_97 : f32
    %slice3A_99 = vector.extract_strided_slice %scan3A_15#1 {offsets = [10], sizes = [1], strides = [1]} : vector<16xf32> to vector<1xf32>
    %squeeze3A_100 = vector.extract %slice3A_99[0] : f32 from vector<1xf32>
    %max3A_101 = arith.maximumf %max3A_98, %squeeze3A_100 : f32
    %slice3A_102 = vector.extract_strided_slice %scan3A_15#1 {offsets = [11], sizes = [1], strides = [1]} : vector<16xf32> to vector<1xf32>
    %squeeze3A_103 = vector.extract %slice3A_102[0] : f32 from vector<1xf32>
    %max3A_104 = arith.maximumf %max3A_101, %squeeze3A_103 : f32
    %slice3A_105 = vector.extract_strided_slice %scan3A_15#1 {offsets = [12], sizes = [1], strides = [1]} : vector<16xf32> to vector<1xf32>
    %squeeze3A_106 = vector.extract %slice3A_105[0] : f32 from vector<1xf32>
    %max3A_107 = arith.maximumf %max3A_104, %squeeze3A_106 : f32
    %slice3A_108 = vector.extract_strided_slice %scan3A_15#1 {offsets = [13], sizes = [1], strides = [1]} : vector<16xf32> to vector<1xf32>
    %squeeze3A_109 = vector.extract %slice3A_108[0] : f32 from vector<1xf32>
    %max3A_110 = arith.maximumf %max3A_107, %squeeze3A_109 : f32
    %slice3A_111 = vector.extract_strided_slice %scan3A_15#1 {offsets = [14], sizes = [1], strides = [1]} : vector<16xf32> to vector<1xf32>
    %squeeze3A_112 = vector.extract %slice3A_111[0] : f32 from vector<1xf32>
    %max3A_113 = arith.maximumf %max3A_110, %squeeze3A_112 : f32
    %slice3A_114 = vector.extract_strided_slice %scan3A_15#1 {offsets = [15], sizes = [1], strides = [1]} : vector<16xf32> to vector<1xf32>
    %squeeze3A_115 = vector.extract %slice3A_114[0] : f32 from vector<1xf32>
    %max3A_116 = arith.maximumf %max3A_113, %squeeze3A_115 : f32
    %broadcast_in_dim3A_117 = vector.broadcast %max3A_116 : f32 to vector<16xf32>
    %slice3A_118 = vector.extract_strided_slice %scan3A_15#2 {offsets = [0], sizes = [1], strides = [1]} : vector<16xf32> to vector<1xf32>
    %squeeze3A_119 = vector.extract %slice3A_118[0] : f32 from vector<1xf32>
    %slice3A_120 = vector.extract_strided_slice %scan3A_15#2 {offsets = [1], sizes = [1], strides = [1]} : vector<16xf32> to vector<1xf32>
    %squeeze3A_121 = vector.extract %slice3A_120[0] : f32 from vector<1xf32>
    %min3A_122 = arith.minimumf %squeeze3A_119, %squeeze3A_121 : f32
    %slice3A_123 = vector.extract_strided_slice %scan3A_15#2 {offsets = [2], sizes = [1], strides = [1]} : vector<16xf32> to vector<1xf32>
    %squeeze3A_124 = vector.extract %slice3A_123[0] : f32 from vector<1xf32>
    %min3A_125 = arith.minimumf %min3A_122, %squeeze3A_124 : f32
    %slice3A_126 = vector.extract_strided_slice %scan3A_15#2 {offsets = [3], sizes = [1], strides = [1]} : vector<16xf32> to vector<1xf32>
    %squeeze3A_127 = vector.extract %slice3A_126[0] : f32 from vector<1xf32>
    %min3A_128 = arith.minimumf %min3A_125, %squeeze3A_127 : f32
    %slice3A_129 = vector.extract_strided_slice %scan3A_15#2 {offsets = [4], sizes = [1], strides = [1]} : vector<16xf32> to vector<1xf32>
    %squeeze3A_130 = vector.extract %slice3A_129[0] : f32 from vector<1xf32>
    %min3A_131 = arith.minimumf %min3A_128, %squeeze3A_130 : f32
    %slice3A_132 = vector.extract_strided_slice %scan3A_15#2 {offsets = [5], sizes = [1], strides = [1]} : vector<16xf32> to vector<1xf32>
    %squeeze3A_133 = vector.extract %slice3A_132[0] : f32 from vector<1xf32>
    %min3A_134 = arith.minimumf %min3A_131, %squeeze3A_133 : f32
    %slice3A_135 = vector.extract_strided_slice %scan3A_15#2 {offsets = [6], sizes = [1], strides = [1]} : vector<16xf32> to vector<1xf32>
    %squeeze3A_136 = vector.extract %slice3A_135[0] : f32 from vector<1xf32>
    %min3A_137 = arith.minimumf %min3A_134, %squeeze3A_136 : f32
    %slice3A_138 = vector.extract_strided_slice %scan3A_15#2 {offsets = [7], sizes = [1], strides = [1]} : vector<16xf32> to vector<1xf32>
    %squeeze3A_139 = vector.extract %slice3A_138[0] : f32 from vector<1xf32>
    %min3A_140 = arith.minimumf %min3A_137, %squeeze3A_139 : f32
    %slice3A_141 = vector.extract_strided_slice %scan3A_15#2 {offsets = [8], sizes = [1], strides = [1]} : vector<16xf32> to vector<1xf32>
    %squeeze3A_142 = vector.extract %slice3A_141[0] : f32 from vector<1xf32>
    %min3A_143 = arith.minimumf %min3A_140, %squeeze3A_142 : f32
    %slice3A_144 = vector.extract_strided_slice %scan3A_15#2 {offsets = [9], sizes = [1], strides = [1]} : vector<16xf32> to vector<1xf32>
    %squeeze3A_145 = vector.extract %slice3A_144[0] : f32 from vector<1xf32>
    %min3A_146 = arith.minimumf %min3A_143, %squeeze3A_145 : f32
    %slice3A_147 = vector.extract_strided_slice %scan3A_15#2 {offsets = [10], sizes = [1], strides = [1]} : vector<16xf32> to vector<1xf32>
    %squeeze3A_148 = vector.extract %slice3A_147[0] : f32 from vector<1xf32>
    %min3A_149 = arith.minimumf %min3A_146, %squeeze3A_148 : f32
    %slice3A_150 = vector.extract_strided_slice %scan3A_15#2 {offsets = [11], sizes = [1], strides = [1]} : vector<16xf32> to vector<1xf32>
    %squeeze3A_151 = vector.extract %slice3A_150[0] : f32 from vector<1xf32>
    %min3A_152 = arith.minimumf %min3A_149, %squeeze3A_151 : f32
    %slice3A_153 = vector.extract_strided_slice %scan3A_15#2 {offsets = [12], sizes = [1], strides = [1]} : vector<16xf32> to vector<1xf32>
    %squeeze3A_154 = vector.extract %slice3A_153[0] : f32 from vector<1xf32>
    %min3A_155 = arith.minimumf %min3A_152, %squeeze3A_154 : f32
    %slice3A_156 = vector.extract_strided_slice %scan3A_15#2 {offsets = [13], sizes = [1], strides = [1]} : vector<16xf32> to vector<1xf32>
    %squeeze3A_157 = vector.extract %slice3A_156[0] : f32 from vector<1xf32>
    %min3A_158 = arith.minimumf %min3A_155, %squeeze3A_157 : f32
    %slice3A_159 = vector.extract_strided_slice %scan3A_15#2 {offsets = [14], sizes = [1], strides = [1]} : vector<16xf32> to vector<1xf32>
    %squeeze3A_160 = vector.extract %slice3A_159[0] : f32 from vector<1xf32>
    %min3A_161 = arith.minimumf %min3A_158, %squeeze3A_160 : f32
    %slice3A_162 = vector.extract_strided_slice %scan3A_15#2 {offsets = [15], sizes = [1], strides = [1]} : vector<16xf32> to vector<1xf32>
    %squeeze3A_163 = vector.extract %slice3A_162[0] : f32 from vector<1xf32>
    %min3A_164 = arith.minimumf %min3A_161, %squeeze3A_163 : f32
    %broadcast_in_dim3A_165 = vector.broadcast %min3A_164 : f32 to vector<16xf32>
    %slice3A_166 = vector.extract_strided_slice %scan3A_15#3 {offsets = [0], sizes = [1], strides = [1]} : vector<16xf32> to vector<1xf32>
    %squeeze3A_167 = vector.extract %slice3A_166[0] : f32 from vector<1xf32>
    %slice3A_168 = vector.extract_strided_slice %scan3A_15#3 {offsets = [1], sizes = [1], strides = [1]} : vector<16xf32> to vector<1xf32>
    %squeeze3A_169 = vector.extract %slice3A_168[0] : f32 from vector<1xf32>
    %max3A_170 = arith.maximumf %squeeze3A_167, %squeeze3A_169 : f32
    %slice3A_171 = vector.extract_strided_slice %scan3A_15#3 {offsets = [2], sizes = [1], strides = [1]} : vector<16xf32> to vector<1xf32>
    %squeeze3A_172 = vector.extract %slice3A_171[0] : f32 from vector<1xf32>
    %max3A_173 = arith.maximumf %max3A_170, %squeeze3A_172 : f32
    %slice3A_174 = vector.extract_strided_slice %scan3A_15#3 {offsets = [3], sizes = [1], strides = [1]} : vector<16xf32> to vector<1xf32>
    %squeeze3A_175 = vector.extract %slice3A_174[0] : f32 from vector<1xf32>
    %max3A_176 = arith.maximumf %max3A_173, %squeeze3A_175 : f32
    %slice3A_177 = vector.extract_strided_slice %scan3A_15#3 {offsets = [4], sizes = [1], strides = [1]} : vector<16xf32> to vector<1xf32>
    %squeeze3A_178 = vector.extract %slice3A_177[0] : f32 from vector<1xf32>
    %max3A_179 = arith.maximumf %max3A_176, %squeeze3A_178 : f32
    %slice3A_180 = vector.extract_strided_slice %scan3A_15#3 {offsets = [5], sizes = [1], strides = [1]} : vector<16xf32> to vector<1xf32>
    %squeeze3A_181 = vector.extract %slice3A_180[0] : f32 from vector<1xf32>
    %max3A_182 = arith.maximumf %max3A_179, %squeeze3A_181 : f32
    %slice3A_183 = vector.extract_strided_slice %scan3A_15#3 {offsets = [6], sizes = [1], strides = [1]} : vector<16xf32> to vector<1xf32>
    %squeeze3A_184 = vector.extract %slice3A_183[0] : f32 from vector<1xf32>
    %max3A_185 = arith.maximumf %max3A_182, %squeeze3A_184 : f32
    %slice3A_186 = vector.extract_strided_slice %scan3A_15#3 {offsets = [7], sizes = [1], strides = [1]} : vector<16xf32> to vector<1xf32>
    %squeeze3A_187 = vector.extract %slice3A_186[0] : f32 from vector<1xf32>
    %max3A_188 = arith.maximumf %max3A_185, %squeeze3A_187 : f32
    %slice3A_189 = vector.extract_strided_slice %scan3A_15#3 {offsets = [8], sizes = [1], strides = [1]} : vector<16xf32> to vector<1xf32>
    %squeeze3A_190 = vector.extract %slice3A_189[0] : f32 from vector<1xf32>
    %max3A_191 = arith.maximumf %max3A_188, %squeeze3A_190 : f32
    %slice3A_192 = vector.extract_strided_slice %scan3A_15#3 {offsets = [9], sizes = [1], strides = [1]} : vector<16xf32> to vector<1xf32>
    %squeeze3A_193 = vector.extract %slice3A_192[0] : f32 from vector<1xf32>
    %max3A_194 = arith.maximumf %max3A_191, %squeeze3A_193 : f32
    %slice3A_195 = vector.extract_strided_slice %scan3A_15#3 {offsets = [10], sizes = [1], strides = [1]} : vector<16xf32> to vector<1xf32>
    %squeeze3A_196 = vector.extract %slice3A_195[0] : f32 from vector<1xf32>
    %max3A_197 = arith.maximumf %max3A_194, %squeeze3A_196 : f32
    %slice3A_198 = vector.extract_strided_slice %scan3A_15#3 {offsets = [11], sizes = [1], strides = [1]} : vector<16xf32> to vector<1xf32>
    %squeeze3A_199 = vector.extract %slice3A_198[0] : f32 from vector<1xf32>
    %max3A_200 = arith.maximumf %max3A_197, %squeeze3A_199 : f32
    %slice3A_201 = vector.extract_strided_slice %scan3A_15#3 {offsets = [12], sizes = [1], strides = [1]} : vector<16xf32> to vector<1xf32>
    %squeeze3A_202 = vector.extract %slice3A_201[0] : f32 from vector<1xf32>
    %max3A_203 = arith.maximumf %max3A_200, %squeeze3A_202 : f32
    %slice3A_204 = vector.extract_strided_slice %scan3A_15#3 {offsets = [13], sizes = [1], strides = [1]} : vector<16xf32> to vector<1xf32>
    %squeeze3A_205 = vector.extract %slice3A_204[0] : f32 from vector<1xf32>
    %max3A_206 = arith.maximumf %max3A_203, %squeeze3A_205 : f32
    %slice3A_207 = vector.extract_strided_slice %scan3A_15#3 {offsets = [14], sizes = [1], strides = [1]} : vector<16xf32> to vector<1xf32>
    %squeeze3A_208 = vector.extract %slice3A_207[0] : f32 from vector<1xf32>
    %max3A_209 = arith.maximumf %max3A_206, %squeeze3A_208 : f32
    %slice3A_210 = vector.extract_strided_slice %scan3A_15#3 {offsets = [15], sizes = [1], strides = [1]} : vector<16xf32> to vector<1xf32>
    %squeeze3A_211 = vector.extract %slice3A_210[0] : f32 from vector<1xf32>
    %max3A_212 = arith.maximumf %max3A_209, %squeeze3A_211 : f32
    %broadcast_in_dim3A_213 = vector.broadcast %max3A_212 : f32 to vector<16xf32>
    %sub3A = arith.subf %broadcast_in_dim3A_117, %broadcast_in_dim3A_70 : vector<16xf32>
    %div3A = arith.constant 2.000000e+03 : f32
    %div3A_214 = vector.broadcast %div3A : f32 to vector<16xf32>
    %div3A_215 = arith.divf %sub3A, %div3A_214 : vector<16xf32>
    %div3A_216 = arith.divf %select_n3A_25, %div3A_215 : vector<16xf32>
    %sub3A_217 = arith.subf %broadcast_in_dim3A_213, %broadcast_in_dim3A_165 : vector<16xf32>
    %div3A_218 = arith.constant 2.000000e+03 : f32
    %div3A_219 = vector.broadcast %div3A_218 : f32 to vector<16xf32>
    %div3A_220 = arith.divf %sub3A_217, %div3A_219 : vector<16xf32>
    %div3A_221 = arith.divf %select_n3A_25, %div3A_220 : vector<16xf32>
    %iota3A_222 = tpu.iota {dimensions = array<i32: 0>} : vector<16xi32>
    %ge3A_223 = arith.constant 0 : i32
    %ge3A_224 = vector.broadcast %ge3A_223 : i32 to vector<16xi32>
    %ge3A_225 = arith.cmpi sge, %iota3A_222, %ge3A_224 : vector<16xi32>
    %jit3A_226 = arith.constant 0.000000e+00 : f32
    %jit3A_227 = arith.constant 0.000000e+00 : f32
    %broadcast_in_dim3A_228 = vector.broadcast %jit3A_226 : f32 to vector<16xf32>
    %broadcast_in_dim3A_229 = vector.broadcast %jit3A_227 : f32 to vector<16xf32>
    %select_n3A_230 = arith.select %ge3A_225, %broadcast_in_dim3A_228, %broadcast_in_dim3A_229 : vector<16xi1>, vector<16xf32>
    %scan3A_231 = arith.constant 0 : i32
    %scan3A_232 = arith.constant 0 : i32
    %scan3A_233 = arith.constant 4096 : i32
    %scan3A_234 = arith.addi %scan3A_232, %scan3A_233 : i32
    %scan3A_235 = arith.constant 1 : i32
    %scan3A_236 = scf.for %scan3A_285 = %scan3A_232 to %scan3A_234 step %scan3A_235 iter_args(%scan3A_286 = %scan3A_231) -> (i32)  : i32 {
      %mul3A_287 = arith.constant 16 : i32
      %mul3A_288 = arith.muli %scan3A_285, %mul3A_287 : i32
      %swap3A = arith.index_cast %mul3A_288 : i32 to index
      %swap3A_289 = tpu.vector_load %arg8[%swap3A] {strides = array<i32>} : memref<65536xf32, #tpu.memory_space<vmem>>, vector<16xf32>,
      tpu.vector_store %arg8[%swap3A], %select_n3A_230 {strides = array<i32>} : memref<65536xf32, #tpu.memory_space<vmem>>, vector<16xf32>,
      %scan3A_290 = arith.constant 0 : i32
      scf.yield %scan3A_290 : i32
    }
    %scan3A_237 = arith.constant 4096 : i32
    %iota3A_238 = tpu.iota {dimensions = array<i32: 0>} : vector<16xi32>
    %add3A_239 = arith.constant 0 : i32
    %add3A_240 = vector.broadcast %add3A_239 : i32 to vector<16xi32>
    %add3A_241 = arith.addi %iota3A_238, %add3A_240 : vector<16xi32>
    %mul3A_242 = arith.mulf %broadcast_in_dim3A_70, %div3A_216 : vector<16xf32>
    %sub3A_243 = arith.constant 2.048000e+03 : f32
    %sub3A_244 = vector.broadcast %sub3A_243 : f32 to vector<16xf32>
    %sub3A_245 = arith.subf %sub3A_244, %mul3A_242 : vector<16xf32>
    %add3A_246 = arith.constant 0 : i32
    %add3A_247 = arith.addi %mul3A_2, %add3A_246 : i32
    %multiple_of3A = tpu.assume_multiple %add3A_247, 16384 : i32
    %dma_start3A = tpu.memref_slice %arg2[%multiple_of3A] : memref<16777216xf32, #tpu.memory_space<hbm>> -> memref<16384xf32, #tpu.memory_space<hbm>>
    %dma_start3A_248 = tpu.memref_slice %arg2[%multiple_of3A] : memref<16777216xf32, #tpu.memory_space<hbm>> -> memref<16384xf32, #tpu.memory_space<hbm>>
    tpu.enqueue_dma source(%dma_start3A_248 : memref<16384xf32, #tpu.memory_space<hbm>>) target(%arg6 : memref<16384xf32, #tpu.memory_space<vmem>>) target_semaphore(%arg10 : memref<!tpu.dma_semaphore, #tpu.memory_space<semaphore_mem>>)
    %add3A_249 = arith.constant 16384 : i32
    %add3A_250 = arith.addi %mul3A_2, %add3A_249 : i32
    %multiple_of3A_251 = tpu.assume_multiple %add3A_250, 16384 : i32
    %dma_start3A_252 = tpu.memref_slice %arg2[%multiple_of3A_251] : memref<16777216xf32, #tpu.memory_space<hbm>> -> memref<16384xf32, #tpu.memory_space<hbm>>
    %dma_start3A_253 = tpu.memref_slice %arg2[%multiple_of3A_251] : memref<16777216xf32, #tpu.memory_space<hbm>> -> memref<16384xf32, #tpu.memory_space<hbm>>
    tpu.enqueue_dma source(%dma_start3A_253 : memref<16384xf32, #tpu.memory_space<hbm>>) target(%arg7 : memref<16384xf32, #tpu.memory_space<vmem>>) target_semaphore(%arg11 : memref<!tpu.dma_semaphore, #tpu.memory_space<semaphore_mem>>)
    %scan3A_254 = arith.constant 0 : i32
    %scan3A_255 = arith.constant 0 : i32
    %scan3A_256 = arith.constant 16 : i32
    %scan3A_257 = arith.addi %scan3A_255, %scan3A_256 : i32
    %scan3A_258 = arith.constant 1 : i32
    scf.for %scan3A_285 = %scan3A_255 to %scan3A_257 step %scan3A_258  : i32 {
      %dma_wait3A = arith.constant 0 : i32
      %dma_wait3A_286 = tpu.memref_slice %arg2[%dma_wait3A] : memref<16777216xf32, #tpu.memory_space<hbm>> -> memref<16384xf32, #tpu.memory_space<hbm>>
      %dma_wait3A_287 = arith.constant 0 : i32
      %dma_wait3A_288 = tpu.memref_slice %arg2[%dma_wait3A_287] : memref<16777216xf32, #tpu.memory_space<hbm>> -> memref<16384xf32, #tpu.memory_space<hbm>>
      tpu.wait_dma2 semaphore(%arg10 : memref<!tpu.dma_semaphore, #tpu.memory_space<semaphore_mem>>) src(%dma_wait3A_288 : memref<16384xf32, #tpu.memory_space<hbm>>) dst(%arg6 : memref<16384xf32, #tpu.memory_space<vmem>>)
      %parallel_loop3A = arith.constant 0 : i32
      %parallel_loop3A_289 = arith.constant 1024 : i32
      %parallel_loop3A_290 = arith.constant 1 : i32
      scf.for %parallel_loop3A_313 = %parallel_loop3A to %parallel_loop3A_289 step %parallel_loop3A_290  : i32 {
        %parallel_loop3A_314 = arith.constant 16 : i32
        %parallel_loop3A_315 = arith.muli %parallel_loop3A_313, %parallel_loop3A_314 : i32
        %parallel_loop3A_316 = arith.index_cast %parallel_loop3A_315 : i32 to index
        %parallel_loop3A_317 = tpu.vector_load %arg6[%parallel_loop3A_316] {strides = array<i32>} : memref<16384xf32, #tpu.memory_space<vmem>>, vector<16xf32>,
        %parallel_loop3A_318 = arith.mulf %parallel_loop3A_317, %div3A_216 : vector<16xf32>
        %parallel_loop3A_319 = arith.addf %parallel_loop3A_318, %sub3A_245 : vector<16xf32>
        %parallel_loop3A_320 = vector.bitcast %parallel_loop3A_319 : vector<16xf32> to vector<16xi32>
        %parallel_loop3A_321 = arith.constant 8 : i32
        %parallel_loop3A_322 = vector.broadcast %parallel_loop3A_321 : i32 to vector<16xi32>
        %parallel_loop3A_323 = arith.shrsi %parallel_loop3A_320, %parallel_loop3A_322 : vector<16xi32>
        %parallel_loop3A_324 = arith.constant 32752 : i32
        %parallel_loop3A_325 = vector.broadcast %parallel_loop3A_324 : i32 to vector<16xi32>
        %parallel_loop3A_326 = arith.andi %parallel_loop3A_323, %parallel_loop3A_325 : vector<16xi32>
        %parallel_loop3A_327 = arith.ori %parallel_loop3A_326, %add3A_241 : vector<16xi32>
        tpu.vector_store_idx %arg8[%parallel_loop3A_327], %select_n3A_25 {add = true} : memref<65536xf32, #tpu.memory_space<vmem>>[vector<16xi32>], vector<16xf32>,
      } {sc.loop_unroll_factor = 8 : i64, sc.parallel_access}
      %mul3A_291 = arith.constant 2 : i32
      %mul3A_292 = arith.muli %mul3A_291, %scan3A_285 : i32
      %add3A_293 = arith.constant 2 : i32
      %add3A_294 = arith.addi %mul3A_292, %add3A_293 : i32
      %lt3A = arith.constant 32 : i32
      %lt3A_295 = arith.cmpi slt, %add3A_294, %lt3A : i32
      %convert_element_type3A = arith.extui %lt3A_295 : i1 to i32
      %cond3A = arith.constant 0 : i32
      %cond3A_296 = arith.cmpi ne, %convert_element_type3A, %cond3A : i32
      scf.if %cond3A_296 {
        %mul3A_313 = arith.constant 2 : i32
        %mul3A_314 = arith.muli %mul3A_313, %scan3A_285 : i32
        %add3A_315 = arith.constant 2 : i32
        %add3A_316 = arith.addi %mul3A_314, %add3A_315 : i32
        %mul3A_317 = arith.constant 16384 : i32
        %mul3A_318 = arith.muli %add3A_316, %mul3A_317 : i32
        %add3A_319 = arith.addi %mul3A_2, %mul3A_318 : i32
        %multiple_of3A_320 = tpu.assume_multiple %add3A_319, 16384 : i32
        %dma_start3A_321 = tpu.memref_slice %arg2[%multiple_of3A_320] : memref<16777216xf32, #tpu.memory_space<hbm>> -> memref<16384xf32, #tpu.memory_space<hbm>>
        %dma_start3A_322 = tpu.memref_slice %arg2[%multiple_of3A_320] : memref<16777216xf32, #tpu.memory_space<hbm>> -> memref<16384xf32, #tpu.memory_space<hbm>>
        tpu.enqueue_dma source(%dma_start3A_322 : memref<16384xf32, #tpu.memory_space<hbm>>) target(%arg6 : memref<16384xf32, #tpu.memory_space<vmem>>) target_semaphore(%arg10 : memref<!tpu.dma_semaphore, #tpu.memory_space<semaphore_mem>>)
      } else {
      }
      %dma_wait3A_297 = arith.constant 0 : i32
      %dma_wait3A_298 = tpu.memref_slice %arg2[%dma_wait3A_297] : memref<16777216xf32, #tpu.memory_space<hbm>> -> memref<16384xf32, #tpu.memory_space<hbm>>
      %dma_wait3A_299 = arith.constant 0 : i32
      %dma_wait3A_300 = tpu.memref_slice %arg2[%dma_wait3A_299] : memref<16777216xf32, #tpu.memory_space<hbm>> -> memref<16384xf32, #tpu.memory_space<hbm>>
      tpu.wait_dma2 semaphore(%arg11 : memref<!tpu.dma_semaphore, #tpu.memory_space<semaphore_mem>>) src(%dma_wait3A_300 : memref<16384xf32, #tpu.memory_space<hbm>>) dst(%arg7 : memref<16384xf32, #tpu.memory_space<vmem>>)
      %parallel_loop3A_301 = arith.constant 0 : i32
      %parallel_loop3A_302 = arith.constant 1024 : i32
      %parallel_loop3A_303 = arith.constant 1 : i32
      scf.for %parallel_loop3A_313 = %parallel_loop3A_301 to %parallel_loop3A_302 step %parallel_loop3A_303  : i32 {
        %parallel_loop3A_314 = arith.constant 16 : i32
        %parallel_loop3A_315 = arith.muli %parallel_loop3A_313, %parallel_loop3A_314 : i32
        %parallel_loop3A_316 = arith.index_cast %parallel_loop3A_315 : i32 to index
        %parallel_loop3A_317 = tpu.vector_load %arg7[%parallel_loop3A_316] {strides = array<i32>} : memref<16384xf32, #tpu.memory_space<vmem>>, vector<16xf32>,
        %parallel_loop3A_318 = arith.mulf %parallel_loop3A_317, %div3A_216 : vector<16xf32>
        %parallel_loop3A_319 = arith.addf %parallel_loop3A_318, %sub3A_245 : vector<16xf32>
        %parallel_loop3A_320 = vector.bitcast %parallel_loop3A_319 : vector<16xf32> to vector<16xi32>
        %parallel_loop3A_321 = arith.constant 8 : i32
        %parallel_loop3A_322 = vector.broadcast %parallel_loop3A_321 : i32 to vector<16xi32>
        %parallel_loop3A_323 = arith.shrsi %parallel_loop3A_320, %parallel_loop3A_322 : vector<16xi32>
        %parallel_loop3A_324 = arith.constant 32752 : i32
        %parallel_loop3A_325 = vector.broadcast %parallel_loop3A_324 : i32 to vector<16xi32>
        %parallel_loop3A_326 = arith.andi %parallel_loop3A_323, %parallel_loop3A_325 : vector<16xi32>
        %parallel_loop3A_327 = arith.ori %parallel_loop3A_326, %add3A_241 : vector<16xi32>
        tpu.vector_store_idx %arg8[%parallel_loop3A_327], %select_n3A_25 {add = true} : memref<65536xf32, #tpu.memory_space<vmem>>[vector<16xi32>], vector<16xf32>,
      } {sc.loop_unroll_factor = 8 : i64, sc.parallel_access}
      %mul3A_304 = arith.constant 2 : i32
      %mul3A_305 = arith.muli %mul3A_304, %scan3A_285 : i32
      %add3A_306 = arith.constant 3 : i32
      %add3A_307 = arith.addi %mul3A_305, %add3A_306 : i32
      %lt3A_308 = arith.constant 32 : i32
      %lt3A_309 = arith.cmpi slt, %add3A_307, %lt3A_308 : i32
      %convert_element_type3A_310 = arith.extui %lt3A_309 : i1 to i32
      %cond3A_311 = arith.constant 0 : i32
      %cond3A_312 = arith.cmpi ne, %convert_element_type3A_310, %cond3A_311 : i32
      scf.if %cond3A_312 {
        %mul3A_313 = arith.constant 2 : i32
        %mul3A_314 = arith.muli %mul3A_313, %scan3A_285 : i32
        %add3A_315 = arith.constant 3 : i32
        %add3A_316 = arith.addi %mul3A_314, %add3A_315 : i32
        %mul3A_317 = arith.constant 16384 : i32
        %mul3A_318 = arith.muli %add3A_316, %mul3A_317 : i32
        %add3A_319 = arith.addi %mul3A_2, %mul3A_318 : i32
        %multiple_of3A_320 = tpu.assume_multiple %add3A_319, 16384 : i32
        %dma_start3A_321 = tpu.memref_slice %arg2[%multiple_of3A_320] : memref<16777216xf32, #tpu.memory_space<hbm>> -> memref<16384xf32, #tpu.memory_space<hbm>>
        %dma_start3A_322 = tpu.memref_slice %arg2[%multiple_of3A_320] : memref<16777216xf32, #tpu.memory_space<hbm>> -> memref<16384xf32, #tpu.memory_space<hbm>>
        tpu.enqueue_dma source(%dma_start3A_322 : memref<16384xf32, #tpu.memory_space<hbm>>) target(%arg7 : memref<16384xf32, #tpu.memory_space<vmem>>) target_semaphore(%arg11 : memref<!tpu.dma_semaphore, #tpu.memory_space<semaphore_mem>>)
      } else {
      }
    }
    %scan3A_259 = arith.constant 16 : i32
    %add3A_260 = arith.constant 32768 : i32
    %add3A_261 = vector.broadcast %add3A_260 : i32 to vector<16xi32>
    %add3A_262 = arith.addi %iota3A_238, %add3A_261 : vector<16xi32>
    %mul3A_263 = arith.mulf %broadcast_in_dim3A_165, %div3A_221 : vector<16xf32>
    %sub3A_264 = arith.constant 2.048000e+03 : f32
    %sub3A_265 = vector.broadcast %sub3A_264 : f32 to vector<16xf32>
    %sub3A_266 = arith.subf %sub3A_265, %mul3A_263 : vector<16xf32>
    %add3A_267 = arith.constant 0 : i32
    %add3A_268 = arith.addi %mul3A_2, %add3A_267 : i32
    %multiple_of3A_269 = tpu.assume_multiple %add3A_268, 16384 : i32
    %dma_start3A_270 = tpu.memref_slice %arg3[%multiple_of3A_269] : memref<16777216xf32, #tpu.memory_space<hbm>> -> memref<16384xf32, #tpu.memory_space<hbm>>
    %dma_start3A_271 = tpu.memref_slice %arg3[%multiple_of3A_269] : memref<16777216xf32, #tpu.memory_space<hbm>> -> memref<16384xf32, #tpu.memory_space<hbm>>
    tpu.enqueue_dma source(%dma_start3A_271 : memref<16384xf32, #tpu.memory_space<hbm>>) target(%arg6 : memref<16384xf32, #tpu.memory_space<vmem>>) target_semaphore(%arg10 : memref<!tpu.dma_semaphore, #tpu.memory_space<semaphore_mem>>)
    %add3A_272 = arith.constant 16384 : i32
    %add3A_273 = arith.addi %mul3A_2, %add3A_272 : i32
    %multiple_of3A_274 = tpu.assume_multiple %add3A_273, 16384 : i32
    %dma_start3A_275 = tpu.memref_slice %arg3[%multiple_of3A_274] : memref<16777216xf32, #tpu.memory_space<hbm>> -> memref<16384xf32, #tpu.memory_space<hbm>>
    %dma_start3A_276 = tpu.memref_slice %arg3[%multiple_of3A_274] : memref<16777216xf32, #tpu.memory_space<hbm>> -> memref<16384xf32, #tpu.memory_space<hbm>>
    tpu.enqueue_dma source(%dma_start3A_276 : memref<16384xf32, #tpu.memory_space<hbm>>) target(%arg7 : memref<16384xf32, #tpu.memory_space<vmem>>) target_semaphore(%arg11 : memref<!tpu.dma_semaphore, #tpu.memory_space<semaphore_mem>>)
    %scan3A_277 = arith.constant 0 : i32
    %scan3A_278 = arith.constant 0 : i32
    %scan3A_279 = arith.constant 16 : i32
    %scan3A_280 = arith.addi %scan3A_278, %scan3A_279 : i32
    %scan3A_281 = arith.constant 1 : i32
    scf.for %scan3A_285 = %scan3A_278 to %scan3A_280 step %scan3A_281  : i32 {
      %dma_wait3A = arith.constant 0 : i32
      %dma_wait3A_286 = tpu.memref_slice %arg3[%dma_wait3A] : memref<16777216xf32, #tpu.memory_space<hbm>> -> memref<16384xf32, #tpu.memory_space<hbm>>
      %dma_wait3A_287 = arith.constant 0 : i32
      %dma_wait3A_288 = tpu.memref_slice %arg3[%dma_wait3A_287] : memref<16777216xf32, #tpu.memory_space<hbm>> -> memref<16384xf32, #tpu.memory_space<hbm>>
      tpu.wait_dma2 semaphore(%arg10 : memref<!tpu.dma_semaphore, #tpu.memory_space<semaphore_mem>>) src(%dma_wait3A_288 : memref<16384xf32, #tpu.memory_space<hbm>>) dst(%arg6 : memref<16384xf32, #tpu.memory_space<vmem>>)
      %parallel_loop3A = arith.constant 0 : i32
      %parallel_loop3A_289 = arith.constant 1024 : i32
      %parallel_loop3A_290 = arith.constant 1 : i32
      scf.for %parallel_loop3A_313 = %parallel_loop3A to %parallel_loop3A_289 step %parallel_loop3A_290  : i32 {
        %parallel_loop3A_314 = arith.constant 16 : i32
        %parallel_loop3A_315 = arith.muli %parallel_loop3A_313, %parallel_loop3A_314 : i32
        %parallel_loop3A_316 = arith.index_cast %parallel_loop3A_315 : i32 to index
        %parallel_loop3A_317 = tpu.vector_load %arg6[%parallel_loop3A_316] {strides = array<i32>} : memref<16384xf32, #tpu.memory_space<vmem>>, vector<16xf32>,
        %parallel_loop3A_318 = arith.mulf %parallel_loop3A_317, %div3A_221 : vector<16xf32>
        %parallel_loop3A_319 = arith.addf %parallel_loop3A_318, %sub3A_266 : vector<16xf32>
        %parallel_loop3A_320 = vector.bitcast %parallel_loop3A_319 : vector<16xf32> to vector<16xi32>
        %parallel_loop3A_321 = arith.constant 8 : i32
        %parallel_loop3A_322 = vector.broadcast %parallel_loop3A_321 : i32 to vector<16xi32>
        %parallel_loop3A_323 = arith.shrsi %parallel_loop3A_320, %parallel_loop3A_322 : vector<16xi32>
        %parallel_loop3A_324 = arith.constant 32752 : i32
        %parallel_loop3A_325 = vector.broadcast %parallel_loop3A_324 : i32 to vector<16xi32>
        %parallel_loop3A_326 = arith.andi %parallel_loop3A_323, %parallel_loop3A_325 : vector<16xi32>
        %parallel_loop3A_327 = arith.ori %parallel_loop3A_326, %add3A_262 : vector<16xi32>
        tpu.vector_store_idx %arg8[%parallel_loop3A_327], %select_n3A_25 {add = true} : memref<65536xf32, #tpu.memory_space<vmem>>[vector<16xi32>], vector<16xf32>,
      } {sc.loop_unroll_factor = 8 : i64, sc.parallel_access}
      %mul3A_291 = arith.constant 2 : i32
      %mul3A_292 = arith.muli %mul3A_291, %scan3A_285 : i32
      %add3A_293 = arith.constant 2 : i32
      %add3A_294 = arith.addi %mul3A_292, %add3A_293 : i32
      %lt3A = arith.constant 32 : i32
      %lt3A_295 = arith.cmpi slt, %add3A_294, %lt3A : i32
      %convert_element_type3A = arith.extui %lt3A_295 : i1 to i32
      %cond3A = arith.constant 0 : i32
      %cond3A_296 = arith.cmpi ne, %convert_element_type3A, %cond3A : i32
      scf.if %cond3A_296 {
        %mul3A_313 = arith.constant 2 : i32
        %mul3A_314 = arith.muli %mul3A_313, %scan3A_285 : i32
        %add3A_315 = arith.constant 2 : i32
        %add3A_316 = arith.addi %mul3A_314, %add3A_315 : i32
        %mul3A_317 = arith.constant 16384 : i32
        %mul3A_318 = arith.muli %add3A_316, %mul3A_317 : i32
        %add3A_319 = arith.addi %mul3A_2, %mul3A_318 : i32
        %multiple_of3A_320 = tpu.assume_multiple %add3A_319, 16384 : i32
        %dma_start3A_321 = tpu.memref_slice %arg3[%multiple_of3A_320] : memref<16777216xf32, #tpu.memory_space<hbm>> -> memref<16384xf32, #tpu.memory_space<hbm>>
        %dma_start3A_322 = tpu.memref_slice %arg3[%multiple_of3A_320] : memref<16777216xf32, #tpu.memory_space<hbm>> -> memref<16384xf32, #tpu.memory_space<hbm>>
        tpu.enqueue_dma source(%dma_start3A_322 : memref<16384xf32, #tpu.memory_space<hbm>>) target(%arg6 : memref<16384xf32, #tpu.memory_space<vmem>>) target_semaphore(%arg10 : memref<!tpu.dma_semaphore, #tpu.memory_space<semaphore_mem>>)
      } else {
      }
      %dma_wait3A_297 = arith.constant 0 : i32
      %dma_wait3A_298 = tpu.memref_slice %arg3[%dma_wait3A_297] : memref<16777216xf32, #tpu.memory_space<hbm>> -> memref<16384xf32, #tpu.memory_space<hbm>>
      %dma_wait3A_299 = arith.constant 0 : i32
      %dma_wait3A_300 = tpu.memref_slice %arg3[%dma_wait3A_299] : memref<16777216xf32, #tpu.memory_space<hbm>> -> memref<16384xf32, #tpu.memory_space<hbm>>
      tpu.wait_dma2 semaphore(%arg11 : memref<!tpu.dma_semaphore, #tpu.memory_space<semaphore_mem>>) src(%dma_wait3A_300 : memref<16384xf32, #tpu.memory_space<hbm>>) dst(%arg7 : memref<16384xf32, #tpu.memory_space<vmem>>)
      %parallel_loop3A_301 = arith.constant 0 : i32
      %parallel_loop3A_302 = arith.constant 1024 : i32
      %parallel_loop3A_303 = arith.constant 1 : i32
      scf.for %parallel_loop3A_313 = %parallel_loop3A_301 to %parallel_loop3A_302 step %parallel_loop3A_303  : i32 {
        %parallel_loop3A_314 = arith.constant 16 : i32
        %parallel_loop3A_315 = arith.muli %parallel_loop3A_313, %parallel_loop3A_314 : i32
        %parallel_loop3A_316 = arith.index_cast %parallel_loop3A_315 : i32 to index
        %parallel_loop3A_317 = tpu.vector_load %arg7[%parallel_loop3A_316] {strides = array<i32>} : memref<16384xf32, #tpu.memory_space<vmem>>, vector<16xf32>,
        %parallel_loop3A_318 = arith.mulf %parallel_loop3A_317, %div3A_221 : vector<16xf32>
        %parallel_loop3A_319 = arith.addf %parallel_loop3A_318, %sub3A_266 : vector<16xf32>
        %parallel_loop3A_320 = vector.bitcast %parallel_loop3A_319 : vector<16xf32> to vector<16xi32>
        %parallel_loop3A_321 = arith.constant 8 : i32
        %parallel_loop3A_322 = vector.broadcast %parallel_loop3A_321 : i32 to vector<16xi32>
        %parallel_loop3A_323 = arith.shrsi %parallel_loop3A_320, %parallel_loop3A_322 : vector<16xi32>
        %parallel_loop3A_324 = arith.constant 32752 : i32
        %parallel_loop3A_325 = vector.broadcast %parallel_loop3A_324 : i32 to vector<16xi32>
        %parallel_loop3A_326 = arith.andi %parallel_loop3A_323, %parallel_loop3A_325 : vector<16xi32>
        %parallel_loop3A_327 = arith.ori %parallel_loop3A_326, %add3A_262 : vector<16xi32>
        tpu.vector_store_idx %arg8[%parallel_loop3A_327], %select_n3A_25 {add = true} : memref<65536xf32, #tpu.memory_space<vmem>>[vector<16xi32>], vector<16xf32>,
      } {sc.loop_unroll_factor = 8 : i64, sc.parallel_access}
      %mul3A_304 = arith.constant 2 : i32
      %mul3A_305 = arith.muli %mul3A_304, %scan3A_285 : i32
      %add3A_306 = arith.constant 3 : i32
      %add3A_307 = arith.addi %mul3A_305, %add3A_306 : i32
      %lt3A_308 = arith.constant 32 : i32
      %lt3A_309 = arith.cmpi slt, %add3A_307, %lt3A_308 : i32
      %convert_element_type3A_310 = arith.extui %lt3A_309 : i1 to i32
      %cond3A_311 = arith.constant 0 : i32
      %cond3A_312 = arith.cmpi ne, %convert_element_type3A_310, %cond3A_311 : i32
      scf.if %cond3A_312 {
        %mul3A_313 = arith.constant 2 : i32
        %mul3A_314 = arith.muli %mul3A_313, %scan3A_285 : i32
        %add3A_315 = arith.constant 3 : i32
        %add3A_316 = arith.addi %mul3A_314, %add3A_315 : i32
        %mul3A_317 = arith.constant 16384 : i32
        %mul3A_318 = arith.muli %add3A_316, %mul3A_317 : i32
        %add3A_319 = arith.addi %mul3A_2, %mul3A_318 : i32
        %multiple_of3A_320 = tpu.assume_multiple %add3A_319, 16384 : i32
        %dma_start3A_321 = tpu.memref_slice %arg3[%multiple_of3A_320] : memref<16777216xf32, #tpu.memory_space<hbm>> -> memref<16384xf32, #tpu.memory_space<hbm>>
        %dma_start3A_322 = tpu.memref_slice %arg3[%multiple_of3A_320] : memref<16777216xf32, #tpu.memory_space<hbm>> -> memref<16384xf32, #tpu.memory_space<hbm>>
        tpu.enqueue_dma source(%dma_start3A_322 : memref<16384xf32, #tpu.memory_space<hbm>>) target(%arg7 : memref<16384xf32, #tpu.memory_space<vmem>>) target_semaphore(%arg11 : memref<!tpu.dma_semaphore, #tpu.memory_space<semaphore_mem>>)
      } else {
      }
    }
    %scan3A_282 = arith.constant 16 : i32
    %mul3A_283 = arith.constant 65536 : i32
    %mul3A_284 = arith.muli %add3A, %mul3A_283 : i32
    "tpu.region"() ({
      %run_scoped3A = tpu.sem_alloc : memref<!tpu.dma_semaphore, #tpu.memory_space<semaphore_mem>>
      %dma_start3A_285 = tpu.memref_slice %arg5[%mul3A_284] : memref<2097152xf32, #tpu.memory_space<hbm>> -> memref<65536xf32, #tpu.memory_space<hbm>>
      %dma_start3A_286 = tpu.memref_slice %arg5[%mul3A_284] : memref<2097152xf32, #tpu.memory_space<hbm>> -> memref<65536xf32, #tpu.memory_space<hbm>>
      tpu.enqueue_dma source(%arg8 : memref<65536xf32, #tpu.memory_space<vmem>>) target(%dma_start3A_286 : memref<65536xf32, #tpu.memory_space<hbm>>) target_semaphore(%run_scoped3A : memref<!tpu.dma_semaphore, #tpu.memory_space<semaphore_mem>>)
      %dma_wait3A = tpu.memref_slice %arg5[%mul3A_284] : memref<2097152xf32, #tpu.memory_space<hbm>> -> memref<65536xf32, #tpu.memory_space<hbm>>
      %dma_wait3A_287 = tpu.memref_slice %arg5[%mul3A_284] : memref<2097152xf32, #tpu.memory_space<hbm>> -> memref<65536xf32, #tpu.memory_space<hbm>>
      tpu.wait_dma2 semaphore(%run_scoped3A : memref<!tpu.dma_semaphore, #tpu.memory_space<semaphore_mem>>) src(%arg8 : memref<65536xf32, #tpu.memory_space<vmem>>) dst(%dma_wait3A_287 : memref<65536xf32, #tpu.memory_space<hbm>>)
      tpu.yield
    }) : () -> ()
    return
  }
}

#map = affine_map<(d0, d1) -> (0)>
module attributes {stable_mosaic.version = 14 : i64} {
  func.func @_minmax_sc_kernel(%arg0: i32, %arg1: i32, %arg2: memref<16777216xf32, #tpu.memory_space<hbm>>, %arg3: memref<16777216xf32, #tpu.memory_space<hbm>>, %arg4: memref<2048xf32, #tpu.memory_space<hbm>>, %arg5: memref<32768xf32, #tpu.memory_space<vmem>>, %arg6: memref<32768xf32, #tpu.memory_space<vmem>>, %arg7: memref<64xf32, #tpu.memory_space<vmem>>, %arg8: memref<!tpu.dma_semaphore, #tpu.memory_space<semaphore_mem>>, %arg9: memref<!tpu.dma_semaphore, #tpu.memory_space<semaphore_mem>>) attributes {dimension_semantics = [#tpu.dimension_semantics<core_parallel>, #tpu.dimension_semantics<subcore_parallel>], iteration_bounds = array<i64: 2, 16>, scalar_prefetch = 0 : i64, scratch_operands = 5 : i64, tpu.core_type = #tpu.core_type<sc_vector_subcore>, window_params = [{transform_indices = #map}, {transform_indices = #map}, {transform_indices = #map}]} {
    %mul3A = arith.constant 2 : i32
    %mul3A_0 = arith.muli %arg1, %mul3A : i32
    %add3A = arith.addi %mul3A_0, %arg0 : i32
    %mul3A_1 = arith.constant 524288 : i32
    %mul3A_2 = arith.muli %add3A, %mul3A_1 : i32
    %iota3A = tpu.iota {dimensions = array<i32: 0>} : vector<16xi32>
    %ge3A = arith.constant 0 : i32
    %ge3A_3 = vector.broadcast %ge3A : i32 to vector<16xi32>
    %ge3A_4 = arith.cmpi sge, %iota3A, %ge3A_3 : vector<16xi32>
    %jit3A = arith.constant 0x7F800000 : f32
    %jit3A_5 = arith.constant 0.000000e+00 : f32
    %broadcast_in_dim3A = vector.broadcast %jit3A : f32 to vector<16xf32>
    %broadcast_in_dim3A_6 = vector.broadcast %jit3A_5 : f32 to vector<16xf32>
    %select_n3A = arith.select %ge3A_4, %broadcast_in_dim3A, %broadcast_in_dim3A_6 : vector<16xi1>, vector<16xf32>
    %neg3A = arith.constant 0.000000e+00 : f32
    %neg3A_7 = vector.broadcast %neg3A : f32 to vector<16xf32>
    %neg3A_8 = arith.subf %neg3A_7, %select_n3A : vector<16xf32>
    %add3A_9 = arith.constant 0 : i32
    %add3A_10 = arith.addi %mul3A_2, %add3A_9 : i32
    %multiple_of3A = tpu.assume_multiple %add3A_10, 32768 : i32
    %dma_start3A = tpu.memref_slice %arg2[%multiple_of3A] : memref<16777216xf32, #tpu.memory_space<hbm>> -> memref<32768xf32, #tpu.memory_space<hbm>>
    %dma_start3A_11 = tpu.memref_slice %arg2[%multiple_of3A] : memref<16777216xf32, #tpu.memory_space<hbm>> -> memref<32768xf32, #tpu.memory_space<hbm>>
    tpu.enqueue_dma source(%dma_start3A_11 : memref<32768xf32, #tpu.memory_space<hbm>>) target(%arg5 : memref<32768xf32, #tpu.memory_space<vmem>>) target_semaphore(%arg8 : memref<!tpu.dma_semaphore, #tpu.memory_space<semaphore_mem>>)
    %add3A_12 = arith.constant 32768 : i32
    %add3A_13 = arith.addi %mul3A_2, %add3A_12 : i32
    %multiple_of3A_14 = tpu.assume_multiple %add3A_13, 32768 : i32
    %dma_start3A_15 = tpu.memref_slice %arg2[%multiple_of3A_14] : memref<16777216xf32, #tpu.memory_space<hbm>> -> memref<32768xf32, #tpu.memory_space<hbm>>
    %dma_start3A_16 = tpu.memref_slice %arg2[%multiple_of3A_14] : memref<16777216xf32, #tpu.memory_space<hbm>> -> memref<32768xf32, #tpu.memory_space<hbm>>
    tpu.enqueue_dma source(%dma_start3A_16 : memref<32768xf32, #tpu.memory_space<hbm>>) target(%arg6 : memref<32768xf32, #tpu.memory_space<vmem>>) target_semaphore(%arg9 : memref<!tpu.dma_semaphore, #tpu.memory_space<semaphore_mem>>)
    %scan3A = arith.constant 0 : i32
    %scan3A_17 = arith.constant 8 : i32
    %scan3A_18 = arith.addi %scan3A, %scan3A_17 : i32
    %scan3A_19 = arith.constant 1 : i32
    %scan3A_20:16 = scf.for %scan3A_84 = %scan3A to %scan3A_18 step %scan3A_19 iter_args(%scan3A_85 = %select_n3A, %scan3A_86 = %select_n3A, %scan3A_87 = %select_n3A, %scan3A_88 = %select_n3A, %scan3A_89 = %select_n3A, %scan3A_90 = %select_n3A, %scan3A_91 = %select_n3A, %scan3A_92 = %select_n3A, %scan3A_93 = %neg3A_8, %scan3A_94 = %neg3A_8, %scan3A_95 = %neg3A_8, %scan3A_96 = %neg3A_8, %scan3A_97 = %neg3A_8, %scan3A_98 = %neg3A_8, %scan3A_99 = %neg3A_8, %scan3A_100 = %neg3A_8) -> (vector<16xf32>, vector<16xf32>, vector<16xf32>, vector<16xf32>, vector<16xf32>, vector<16xf32>, vector<16xf32>, vector<16xf32>, vector<16xf32>, vector<16xf32>, vector<16xf32>, vector<16xf32>, vector<16xf32>, vector<16xf32>, vector<16xf32>, vector<16xf32>)  : i32 {
      %dma_wait3A = arith.constant 0 : i32
      %dma_wait3A_101 = tpu.memref_slice %arg2[%dma_wait3A] : memref<16777216xf32, #tpu.memory_space<hbm>> -> memref<32768xf32, #tpu.memory_space<hbm>>
      %dma_wait3A_102 = arith.constant 0 : i32
      %dma_wait3A_103 = tpu.memref_slice %arg2[%dma_wait3A_102] : memref<16777216xf32, #tpu.memory_space<hbm>> -> memref<32768xf32, #tpu.memory_space<hbm>>
      tpu.wait_dma2 semaphore(%arg8 : memref<!tpu.dma_semaphore, #tpu.memory_space<semaphore_mem>>) src(%dma_wait3A_103 : memref<32768xf32, #tpu.memory_space<hbm>>) dst(%arg5 : memref<32768xf32, #tpu.memory_space<vmem>>)
      %scan3A_104 = arith.constant 0 : i32
      %scan3A_105 = arith.constant 256 : i32
      %scan3A_106 = arith.addi %scan3A_104, %scan3A_105 : i32
      %scan3A_107 = arith.constant 1 : i32
      %scan3A_108:16 = scf.for %scan3A_135 = %scan3A_104 to %scan3A_106 step %scan3A_107 iter_args(%scan3A_136 = %scan3A_85, %scan3A_137 = %scan3A_86, %scan3A_138 = %scan3A_87, %scan3A_139 = %scan3A_88, %scan3A_140 = %scan3A_89, %scan3A_141 = %scan3A_90, %scan3A_142 = %scan3A_91, %scan3A_143 = %scan3A_92, %scan3A_144 = %scan3A_93, %scan3A_145 = %scan3A_94, %scan3A_146 = %scan3A_95, %scan3A_147 = %scan3A_96, %scan3A_148 = %scan3A_97, %scan3A_149 = %scan3A_98, %scan3A_150 = %scan3A_99, %scan3A_151 = %scan3A_100) -> (vector<16xf32>, vector<16xf32>, vector<16xf32>, vector<16xf32>, vector<16xf32>, vector<16xf32>, vector<16xf32>, vector<16xf32>, vector<16xf32>, vector<16xf32>, vector<16xf32>, vector<16xf32>, vector<16xf32>, vector<16xf32>, vector<16xf32>, vector<16xf32>)  : i32 {
        %mul3A_152 = arith.constant 8 : i32
        %mul3A_153 = arith.muli %scan3A_135, %mul3A_152 : i32
        %add3A_154 = arith.constant 0 : i32
        %add3A_155 = arith.addi %mul3A_153, %add3A_154 : i32
        %mul3A_156 = arith.constant 16 : i32
        %mul3A_157 = arith.muli %add3A_155, %mul3A_156 : i32
        %get3A = arith.index_cast %mul3A_157 : i32 to index
        %get3A_158 = tpu.vector_load %arg5[%get3A] {strides = array<i32>} : memref<32768xf32, #tpu.memory_space<vmem>>, vector<16xf32>,
        %get3A_159 = vector.shape_cast %get3A_158 : vector<16xf32> to vector<16xf32>
        %min3A_160 = arith.minimumf %scan3A_136, %get3A_159 : vector<16xf32>
        %max3A_161 = arith.maximumf %scan3A_144, %get3A_159 : vector<16xf32>
        %mul3A_162 = arith.constant 8 : i32
        %mul3A_163 = arith.muli %scan3A_135, %mul3A_162 : i32
        %add3A_164 = arith.constant 1 : i32
        %add3A_165 = arith.addi %mul3A_163, %add3A_164 : i32
        %mul3A_166 = arith.constant 16 : i32
        %mul3A_167 = arith.muli %add3A_165, %mul3A_166 : i32
        %get3A_168 = arith.index_cast %mul3A_167 : i32 to index
        %get3A_169 = tpu.vector_load %arg5[%get3A_168] {strides = array<i32>} : memref<32768xf32, #tpu.memory_space<vmem>>, vector<16xf32>,
        %get3A_170 = vector.shape_cast %get3A_169 : vector<16xf32> to vector<16xf32>
        %min3A_171 = arith.minimumf %scan3A_137, %get3A_170 : vector<16xf32>
        %max3A_172 = arith.maximumf %scan3A_145, %get3A_170 : vector<16xf32>
        %mul3A_173 = arith.constant 8 : i32
        %mul3A_174 = arith.muli %scan3A_135, %mul3A_173 : i32
        %add3A_175 = arith.constant 2 : i32
        %add3A_176 = arith.addi %mul3A_174, %add3A_175 : i32
        %mul3A_177 = arith.constant 16 : i32
        %mul3A_178 = arith.muli %add3A_176, %mul3A_177 : i32
        %get3A_179 = arith.index_cast %mul3A_178 : i32 to index
        %get3A_180 = tpu.vector_load %arg5[%get3A_179] {strides = array<i32>} : memref<32768xf32, #tpu.memory_space<vmem>>, vector<16xf32>,
        %get3A_181 = vector.shape_cast %get3A_180 : vector<16xf32> to vector<16xf32>
        %min3A_182 = arith.minimumf %scan3A_138, %get3A_181 : vector<16xf32>
        %max3A_183 = arith.maximumf %scan3A_146, %get3A_181 : vector<16xf32>
        %mul3A_184 = arith.constant 8 : i32
        %mul3A_185 = arith.muli %scan3A_135, %mul3A_184 : i32
        %add3A_186 = arith.constant 3 : i32
        %add3A_187 = arith.addi %mul3A_185, %add3A_186 : i32
        %mul3A_188 = arith.constant 16 : i32
        %mul3A_189 = arith.muli %add3A_187, %mul3A_188 : i32
        %get3A_190 = arith.index_cast %mul3A_189 : i32 to index
        %get3A_191 = tpu.vector_load %arg5[%get3A_190] {strides = array<i32>} : memref<32768xf32, #tpu.memory_space<vmem>>, vector<16xf32>,
        %get3A_192 = vector.shape_cast %get3A_191 : vector<16xf32> to vector<16xf32>
        %min3A_193 = arith.minimumf %scan3A_139, %get3A_192 : vector<16xf32>
        %max3A_194 = arith.maximumf %scan3A_147, %get3A_192 : vector<16xf32>
        %mul3A_195 = arith.constant 8 : i32
        %mul3A_196 = arith.muli %scan3A_135, %mul3A_195 : i32
        %add3A_197 = arith.constant 4 : i32
        %add3A_198 = arith.addi %mul3A_196, %add3A_197 : i32
        %mul3A_199 = arith.constant 16 : i32
        %mul3A_200 = arith.muli %add3A_198, %mul3A_199 : i32
        %get3A_201 = arith.index_cast %mul3A_200 : i32 to index
        %get3A_202 = tpu.vector_load %arg5[%get3A_201] {strides = array<i32>} : memref<32768xf32, #tpu.memory_space<vmem>>, vector<16xf32>,
        %get3A_203 = vector.shape_cast %get3A_202 : vector<16xf32> to vector<16xf32>
        %min3A_204 = arith.minimumf %scan3A_140, %get3A_203 : vector<16xf32>
        %max3A_205 = arith.maximumf %scan3A_148, %get3A_203 : vector<16xf32>
        %mul3A_206 = arith.constant 8 : i32
        %mul3A_207 = arith.muli %scan3A_135, %mul3A_206 : i32
        %add3A_208 = arith.constant 5 : i32
        %add3A_209 = arith.addi %mul3A_207, %add3A_208 : i32
        %mul3A_210 = arith.constant 16 : i32
        %mul3A_211 = arith.muli %add3A_209, %mul3A_210 : i32
        %get3A_212 = arith.index_cast %mul3A_211 : i32 to index
        %get3A_213 = tpu.vector_load %arg5[%get3A_212] {strides = array<i32>} : memref<32768xf32, #tpu.memory_space<vmem>>, vector<16xf32>,
        %get3A_214 = vector.shape_cast %get3A_213 : vector<16xf32> to vector<16xf32>
        %min3A_215 = arith.minimumf %scan3A_141, %get3A_214 : vector<16xf32>
        %max3A_216 = arith.maximumf %scan3A_149, %get3A_214 : vector<16xf32>
        %mul3A_217 = arith.constant 8 : i32
        %mul3A_218 = arith.muli %scan3A_135, %mul3A_217 : i32
        %add3A_219 = arith.constant 6 : i32
        %add3A_220 = arith.addi %mul3A_218, %add3A_219 : i32
        %mul3A_221 = arith.constant 16 : i32
        %mul3A_222 = arith.muli %add3A_220, %mul3A_221 : i32
        %get3A_223 = arith.index_cast %mul3A_222 : i32 to index
        %get3A_224 = tpu.vector_load %arg5[%get3A_223] {strides = array<i32>} : memref<32768xf32, #tpu.memory_space<vmem>>, vector<16xf32>,
        %get3A_225 = vector.shape_cast %get3A_224 : vector<16xf32> to vector<16xf32>
        %min3A_226 = arith.minimumf %scan3A_142, %get3A_225 : vector<16xf32>
        %max3A_227 = arith.maximumf %scan3A_150, %get3A_225 : vector<16xf32>
        %mul3A_228 = arith.constant 8 : i32
        %mul3A_229 = arith.muli %scan3A_135, %mul3A_228 : i32
        %add3A_230 = arith.constant 7 : i32
        %add3A_231 = arith.addi %mul3A_229, %add3A_230 : i32
        %mul3A_232 = arith.constant 16 : i32
        %mul3A_233 = arith.muli %add3A_231, %mul3A_232 : i32
        %get3A_234 = arith.index_cast %mul3A_233 : i32 to index
        %get3A_235 = tpu.vector_load %arg5[%get3A_234] {strides = array<i32>} : memref<32768xf32, #tpu.memory_space<vmem>>, vector<16xf32>,
        %get3A_236 = vector.shape_cast %get3A_235 : vector<16xf32> to vector<16xf32>
        %min3A_237 = arith.minimumf %scan3A_143, %get3A_236 : vector<16xf32>
        %max3A_238 = arith.maximumf %scan3A_151, %get3A_236 : vector<16xf32>
        scf.yield %min3A_160, %min3A_171, %min3A_182, %min3A_193, %min3A_204, %min3A_215, %min3A_226, %min3A_237, %max3A_161, %max3A_172, %max3A_183, %max3A_194, %max3A_205, %max3A_216, %max3A_227, %max3A_238 : vector<16xf32>, vector<16xf32>, vector<16xf32>, vector<16xf32>, vector<16xf32>, vector<16xf32>, vector<16xf32>, vector<16xf32>, vector<16xf32>, vector<16xf32>, vector<16xf32>, vector<16xf32>, vector<16xf32>, vector<16xf32>, vector<16xf32>, vector<16xf32>
      }
      %scan3A_109 = arith.constant 256 : i32
      %mul3A_110 = arith.constant 2 : i32
      %mul3A_111 = arith.muli %mul3A_110, %scan3A_84 : i32
      %add3A_112 = arith.constant 2 : i32
      %add3A_113 = arith.addi %mul3A_111, %add3A_112 : i32
      %lt3A = arith.constant 16 : i32
      %lt3A_114 = arith.cmpi slt, %add3A_113, %lt3A : i32
      %convert_element_type3A = arith.extui %lt3A_114 : i1 to i32
      %cond3A = arith.constant 0 : i32
      %cond3A_115 = arith.cmpi ne, %convert_element_type3A, %cond3A : i32
      scf.if %cond3A_115 {
        %mul3A_135 = arith.constant 2 : i32
        %mul3A_136 = arith.muli %mul3A_135, %scan3A_84 : i32
        %add3A_137 = arith.constant 2 : i32
        %add3A_138 = arith.addi %mul3A_136, %add3A_137 : i32
        %mul3A_139 = arith.constant 32768 : i32
        %mul3A_140 = arith.muli %add3A_138, %mul3A_139 : i32
        %add3A_141 = arith.addi %mul3A_2, %mul3A_140 : i32
        %multiple_of3A_142 = tpu.assume_multiple %add3A_141, 32768 : i32
        %dma_start3A_143 = tpu.memref_slice %arg2[%multiple_of3A_142] : memref<16777216xf32, #tpu.memory_space<hbm>> -> memref<32768xf32, #tpu.memory_space<hbm>>
        %dma_start3A_144 = tpu.memref_slice %arg2[%multiple_of3A_142] : memref<16777216xf32, #tpu.memory_space<hbm>> -> memref<32768xf32, #tpu.memory_space<hbm>>
        tpu.enqueue_dma source(%dma_start3A_144 : memref<32768xf32, #tpu.memory_space<hbm>>) target(%arg5 : memref<32768xf32, #tpu.memory_space<vmem>>) target_semaphore(%arg8 : memref<!tpu.dma_semaphore, #tpu.memory_space<semaphore_mem>>)
      } else {
      }
      %dma_wait3A_116 = arith.constant 0 : i32
      %dma_wait3A_117 = tpu.memref_slice %arg2[%dma_wait3A_116] : memref<16777216xf32, #tpu.memory_space<hbm>> -> memref<32768xf32, #tpu.memory_space<hbm>>
      %dma_wait3A_118 = arith.constant 0 : i32
      %dma_wait3A_119 = tpu.memref_slice %arg2[%dma_wait3A_118] : memref<16777216xf32, #tpu.memory_space<hbm>> -> memref<32768xf32, #tpu.memory_space<hbm>>
      tpu.wait_dma2 semaphore(%arg9 : memref<!tpu.dma_semaphore, #tpu.memory_space<semaphore_mem>>) src(%dma_wait3A_119 : memref<32768xf32, #tpu.memory_space<hbm>>) dst(%arg6 : memref<32768xf32, #tpu.memory_space<vmem>>)
      %scan3A_120 = arith.constant 0 : i32
      %scan3A_121 = arith.constant 256 : i32
      %scan3A_122 = arith.addi %scan3A_120, %scan3A_121 : i32
      %scan3A_123 = arith.constant 1 : i32
      %scan3A_124:16 = scf.for %scan3A_135 = %scan3A_120 to %scan3A_122 step %scan3A_123 iter_args(%scan3A_136 = %scan3A_108#0, %scan3A_137 = %scan3A_108#1, %scan3A_138 = %scan3A_108#2, %scan3A_139 = %scan3A_108#3, %scan3A_140 = %scan3A_108#4, %scan3A_141 = %scan3A_108#5, %scan3A_142 = %scan3A_108#6, %scan3A_143 = %scan3A_108#7, %scan3A_144 = %scan3A_108#8, %scan3A_145 = %scan3A_108#9, %scan3A_146 = %scan3A_108#10, %scan3A_147 = %scan3A_108#11, %scan3A_148 = %scan3A_108#12, %scan3A_149 = %scan3A_108#13, %scan3A_150 = %scan3A_108#14, %scan3A_151 = %scan3A_108#15) -> (vector<16xf32>, vector<16xf32>, vector<16xf32>, vector<16xf32>, vector<16xf32>, vector<16xf32>, vector<16xf32>, vector<16xf32>, vector<16xf32>, vector<16xf32>, vector<16xf32>, vector<16xf32>, vector<16xf32>, vector<16xf32>, vector<16xf32>, vector<16xf32>)  : i32 {
        %mul3A_152 = arith.constant 8 : i32
        %mul3A_153 = arith.muli %scan3A_135, %mul3A_152 : i32
        %add3A_154 = arith.constant 0 : i32
        %add3A_155 = arith.addi %mul3A_153, %add3A_154 : i32
        %mul3A_156 = arith.constant 16 : i32
        %mul3A_157 = arith.muli %add3A_155, %mul3A_156 : i32
        %get3A = arith.index_cast %mul3A_157 : i32 to index
        %get3A_158 = tpu.vector_load %arg6[%get3A] {strides = array<i32>} : memref<32768xf32, #tpu.memory_space<vmem>>, vector<16xf32>,
        %get3A_159 = vector.shape_cast %get3A_158 : vector<16xf32> to vector<16xf32>
        %min3A_160 = arith.minimumf %scan3A_136, %get3A_159 : vector<16xf32>
        %max3A_161 = arith.maximumf %scan3A_144, %get3A_159 : vector<16xf32>
        %mul3A_162 = arith.constant 8 : i32
        %mul3A_163 = arith.muli %scan3A_135, %mul3A_162 : i32
        %add3A_164 = arith.constant 1 : i32
        %add3A_165 = arith.addi %mul3A_163, %add3A_164 : i32
        %mul3A_166 = arith.constant 16 : i32
        %mul3A_167 = arith.muli %add3A_165, %mul3A_166 : i32
        %get3A_168 = arith.index_cast %mul3A_167 : i32 to index
        %get3A_169 = tpu.vector_load %arg6[%get3A_168] {strides = array<i32>} : memref<32768xf32, #tpu.memory_space<vmem>>, vector<16xf32>,
        %get3A_170 = vector.shape_cast %get3A_169 : vector<16xf32> to vector<16xf32>
        %min3A_171 = arith.minimumf %scan3A_137, %get3A_170 : vector<16xf32>
        %max3A_172 = arith.maximumf %scan3A_145, %get3A_170 : vector<16xf32>
        %mul3A_173 = arith.constant 8 : i32
        %mul3A_174 = arith.muli %scan3A_135, %mul3A_173 : i32
        %add3A_175 = arith.constant 2 : i32
        %add3A_176 = arith.addi %mul3A_174, %add3A_175 : i32
        %mul3A_177 = arith.constant 16 : i32
        %mul3A_178 = arith.muli %add3A_176, %mul3A_177 : i32
        %get3A_179 = arith.index_cast %mul3A_178 : i32 to index
        %get3A_180 = tpu.vector_load %arg6[%get3A_179] {strides = array<i32>} : memref<32768xf32, #tpu.memory_space<vmem>>, vector<16xf32>,
        %get3A_181 = vector.shape_cast %get3A_180 : vector<16xf32> to vector<16xf32>
        %min3A_182 = arith.minimumf %scan3A_138, %get3A_181 : vector<16xf32>
        %max3A_183 = arith.maximumf %scan3A_146, %get3A_181 : vector<16xf32>
        %mul3A_184 = arith.constant 8 : i32
        %mul3A_185 = arith.muli %scan3A_135, %mul3A_184 : i32
        %add3A_186 = arith.constant 3 : i32
        %add3A_187 = arith.addi %mul3A_185, %add3A_186 : i32
        %mul3A_188 = arith.constant 16 : i32
        %mul3A_189 = arith.muli %add3A_187, %mul3A_188 : i32
        %get3A_190 = arith.index_cast %mul3A_189 : i32 to index
        %get3A_191 = tpu.vector_load %arg6[%get3A_190] {strides = array<i32>} : memref<32768xf32, #tpu.memory_space<vmem>>, vector<16xf32>,
        %get3A_192 = vector.shape_cast %get3A_191 : vector<16xf32> to vector<16xf32>
        %min3A_193 = arith.minimumf %scan3A_139, %get3A_192 : vector<16xf32>
        %max3A_194 = arith.maximumf %scan3A_147, %get3A_192 : vector<16xf32>
        %mul3A_195 = arith.constant 8 : i32
        %mul3A_196 = arith.muli %scan3A_135, %mul3A_195 : i32
        %add3A_197 = arith.constant 4 : i32
        %add3A_198 = arith.addi %mul3A_196, %add3A_197 : i32
        %mul3A_199 = arith.constant 16 : i32
        %mul3A_200 = arith.muli %add3A_198, %mul3A_199 : i32
        %get3A_201 = arith.index_cast %mul3A_200 : i32 to index
        %get3A_202 = tpu.vector_load %arg6[%get3A_201] {strides = array<i32>} : memref<32768xf32, #tpu.memory_space<vmem>>, vector<16xf32>,
        %get3A_203 = vector.shape_cast %get3A_202 : vector<16xf32> to vector<16xf32>
        %min3A_204 = arith.minimumf %scan3A_140, %get3A_203 : vector<16xf32>
        %max3A_205 = arith.maximumf %scan3A_148, %get3A_203 : vector<16xf32>
        %mul3A_206 = arith.constant 8 : i32
        %mul3A_207 = arith.muli %scan3A_135, %mul3A_206 : i32
        %add3A_208 = arith.constant 5 : i32
        %add3A_209 = arith.addi %mul3A_207, %add3A_208 : i32
        %mul3A_210 = arith.constant 16 : i32
        %mul3A_211 = arith.muli %add3A_209, %mul3A_210 : i32
        %get3A_212 = arith.index_cast %mul3A_211 : i32 to index
        %get3A_213 = tpu.vector_load %arg6[%get3A_212] {strides = array<i32>} : memref<32768xf32, #tpu.memory_space<vmem>>, vector<16xf32>,
        %get3A_214 = vector.shape_cast %get3A_213 : vector<16xf32> to vector<16xf32>
        %min3A_215 = arith.minimumf %scan3A_141, %get3A_214 : vector<16xf32>
        %max3A_216 = arith.maximumf %scan3A_149, %get3A_214 : vector<16xf32>
        %mul3A_217 = arith.constant 8 : i32
        %mul3A_218 = arith.muli %scan3A_135, %mul3A_217 : i32
        %add3A_219 = arith.constant 6 : i32
        %add3A_220 = arith.addi %mul3A_218, %add3A_219 : i32
        %mul3A_221 = arith.constant 16 : i32
        %mul3A_222 = arith.muli %add3A_220, %mul3A_221 : i32
        %get3A_223 = arith.index_cast %mul3A_222 : i32 to index
        %get3A_224 = tpu.vector_load %arg6[%get3A_223] {strides = array<i32>} : memref<32768xf32, #tpu.memory_space<vmem>>, vector<16xf32>,
        %get3A_225 = vector.shape_cast %get3A_224 : vector<16xf32> to vector<16xf32>
        %min3A_226 = arith.minimumf %scan3A_142, %get3A_225 : vector<16xf32>
        %max3A_227 = arith.maximumf %scan3A_150, %get3A_225 : vector<16xf32>
        %mul3A_228 = arith.constant 8 : i32
        %mul3A_229 = arith.muli %scan3A_135, %mul3A_228 : i32
        %add3A_230 = arith.constant 7 : i32
        %add3A_231 = arith.addi %mul3A_229, %add3A_230 : i32
        %mul3A_232 = arith.constant 16 : i32
        %mul3A_233 = arith.muli %add3A_231, %mul3A_232 : i32
        %get3A_234 = arith.index_cast %mul3A_233 : i32 to index
        %get3A_235 = tpu.vector_load %arg6[%get3A_234] {strides = array<i32>} : memref<32768xf32, #tpu.memory_space<vmem>>, vector<16xf32>,
        %get3A_236 = vector.shape_cast %get3A_235 : vector<16xf32> to vector<16xf32>
        %min3A_237 = arith.minimumf %scan3A_143, %get3A_236 : vector<16xf32>
        %max3A_238 = arith.maximumf %scan3A_151, %get3A_236 : vector<16xf32>
        scf.yield %min3A_160, %min3A_171, %min3A_182, %min3A_193, %min3A_204, %min3A_215, %min3A_226, %min3A_237, %max3A_161, %max3A_172, %max3A_183, %max3A_194, %max3A_205, %max3A_216, %max3A_227, %max3A_238 : vector<16xf32>, vector<16xf32>, vector<16xf32>, vector<16xf32>, vector<16xf32>, vector<16xf32>, vector<16xf32>, vector<16xf32>, vector<16xf32>, vector<16xf32>, vector<16xf32>, vector<16xf32>, vector<16xf32>, vector<16xf32>, vector<16xf32>, vector<16xf32>
      }
      %scan3A_125 = arith.constant 256 : i32
      %mul3A_126 = arith.constant 2 : i32
      %mul3A_127 = arith.muli %mul3A_126, %scan3A_84 : i32
      %add3A_128 = arith.constant 3 : i32
      %add3A_129 = arith.addi %mul3A_127, %add3A_128 : i32
      %lt3A_130 = arith.constant 16 : i32
      %lt3A_131 = arith.cmpi slt, %add3A_129, %lt3A_130 : i32
      %convert_element_type3A_132 = arith.extui %lt3A_131 : i1 to i32
      %cond3A_133 = arith.constant 0 : i32
      %cond3A_134 = arith.cmpi ne, %convert_element_type3A_132, %cond3A_133 : i32
      scf.if %cond3A_134 {
        %mul3A_135 = arith.constant 2 : i32
        %mul3A_136 = arith.muli %mul3A_135, %scan3A_84 : i32
        %add3A_137 = arith.constant 3 : i32
        %add3A_138 = arith.addi %mul3A_136, %add3A_137 : i32
        %mul3A_139 = arith.constant 32768 : i32
        %mul3A_140 = arith.muli %add3A_138, %mul3A_139 : i32
        %add3A_141 = arith.addi %mul3A_2, %mul3A_140 : i32
        %multiple_of3A_142 = tpu.assume_multiple %add3A_141, 32768 : i32
        %dma_start3A_143 = tpu.memref_slice %arg2[%multiple_of3A_142] : memref<16777216xf32, #tpu.memory_space<hbm>> -> memref<32768xf32, #tpu.memory_space<hbm>>
        %dma_start3A_144 = tpu.memref_slice %arg2[%multiple_of3A_142] : memref<16777216xf32, #tpu.memory_space<hbm>> -> memref<32768xf32, #tpu.memory_space<hbm>>
        tpu.enqueue_dma source(%dma_start3A_144 : memref<32768xf32, #tpu.memory_space<hbm>>) target(%arg6 : memref<32768xf32, #tpu.memory_space<vmem>>) target_semaphore(%arg9 : memref<!tpu.dma_semaphore, #tpu.memory_space<semaphore_mem>>)
      } else {
      }
      scf.yield %scan3A_124#0, %scan3A_124#1, %scan3A_124#2, %scan3A_124#3, %scan3A_124#4, %scan3A_124#5, %scan3A_124#6, %scan3A_124#7, %scan3A_124#8, %scan3A_124#9, %scan3A_124#10, %scan3A_124#11, %scan3A_124#12, %scan3A_124#13, %scan3A_124#14, %scan3A_124#15 : vector<16xf32>, vector<16xf32>, vector<16xf32>, vector<16xf32>, vector<16xf32>, vector<16xf32>, vector<16xf32>, vector<16xf32>, vector<16xf32>, vector<16xf32>, vector<16xf32>, vector<16xf32>, vector<16xf32>, vector<16xf32>, vector<16xf32>, vector<16xf32>
    }
    %scan3A_21 = arith.constant 8 : i32
    %min3A = arith.minimumf %scan3A_20#0, %scan3A_20#1 : vector<16xf32>
    %min3A_22 = arith.minimumf %min3A, %scan3A_20#2 : vector<16xf32>
    %min3A_23 = arith.minimumf %min3A_22, %scan3A_20#3 : vector<16xf32>
    %min3A_24 = arith.minimumf %min3A_23, %scan3A_20#4 : vector<16xf32>
    %min3A_25 = arith.minimumf %min3A_24, %scan3A_20#5 : vector<16xf32>
    %min3A_26 = arith.minimumf %min3A_25, %scan3A_20#6 : vector<16xf32>
    %min3A_27 = arith.minimumf %min3A_26, %scan3A_20#7 : vector<16xf32>
    %max3A = arith.maximumf %scan3A_20#8, %scan3A_20#9 : vector<16xf32>
    %max3A_28 = arith.maximumf %max3A, %scan3A_20#10 : vector<16xf32>
    %max3A_29 = arith.maximumf %max3A_28, %scan3A_20#11 : vector<16xf32>
    %max3A_30 = arith.maximumf %max3A_29, %scan3A_20#12 : vector<16xf32>
    %max3A_31 = arith.maximumf %max3A_30, %scan3A_20#13 : vector<16xf32>
    %max3A_32 = arith.maximumf %max3A_31, %scan3A_20#14 : vector<16xf32>
    %max3A_33 = arith.maximumf %max3A_32, %scan3A_20#15 : vector<16xf32>
    %neg3A_34 = arith.constant 0.000000e+00 : f32
    %neg3A_35 = vector.broadcast %neg3A_34 : f32 to vector<16xf32>
    %neg3A_36 = arith.subf %neg3A_35, %select_n3A : vector<16xf32>
    %add3A_37 = arith.constant 0 : i32
    %add3A_38 = arith.addi %mul3A_2, %add3A_37 : i32
    %multiple_of3A_39 = tpu.assume_multiple %add3A_38, 32768 : i32
    %dma_start3A_40 = tpu.memref_slice %arg3[%multiple_of3A_39] : memref<16777216xf32, #tpu.memory_space<hbm>> -> memref<32768xf32, #tpu.memory_space<hbm>>
    %dma_start3A_41 = tpu.memref_slice %arg3[%multiple_of3A_39] : memref<16777216xf32, #tpu.memory_space<hbm>> -> memref<32768xf32, #tpu.memory_space<hbm>>
    tpu.enqueue_dma source(%dma_start3A_41 : memref<32768xf32, #tpu.memory_space<hbm>>) target(%arg5 : memref<32768xf32, #tpu.memory_space<vmem>>) target_semaphore(%arg8 : memref<!tpu.dma_semaphore, #tpu.memory_space<semaphore_mem>>)
    %add3A_42 = arith.constant 32768 : i32
    %add3A_43 = arith.addi %mul3A_2, %add3A_42 : i32
    %multiple_of3A_44 = tpu.assume_multiple %add3A_43, 32768 : i32
    %dma_start3A_45 = tpu.memref_slice %arg3[%multiple_of3A_44] : memref<16777216xf32, #tpu.memory_space<hbm>> -> memref<32768xf32, #tpu.memory_space<hbm>>
    %dma_start3A_46 = tpu.memref_slice %arg3[%multiple_of3A_44] : memref<16777216xf32, #tpu.memory_space<hbm>> -> memref<32768xf32, #tpu.memory_space<hbm>>
    tpu.enqueue_dma source(%dma_start3A_46 : memref<32768xf32, #tpu.memory_space<hbm>>) target(%arg6 : memref<32768xf32, #tpu.memory_space<vmem>>) target_semaphore(%arg9 : memref<!tpu.dma_semaphore, #tpu.memory_space<semaphore_mem>>)
    %scan3A_47 = arith.constant 0 : i32
    %scan3A_48 = arith.constant 8 : i32
    %scan3A_49 = arith.addi %scan3A_47, %scan3A_48 : i32
    %scan3A_50 = arith.constant 1 : i32
    %scan3A_51:16 = scf.for %scan3A_84 = %scan3A_47 to %scan3A_49 step %scan3A_50 iter_args(%scan3A_85 = %select_n3A, %scan3A_86 = %select_n3A, %scan3A_87 = %select_n3A, %scan3A_88 = %select_n3A, %scan3A_89 = %select_n3A, %scan3A_90 = %select_n3A, %scan3A_91 = %select_n3A, %scan3A_92 = %select_n3A, %scan3A_93 = %neg3A_36, %scan3A_94 = %neg3A_36, %scan3A_95 = %neg3A_36, %scan3A_96 = %neg3A_36, %scan3A_97 = %neg3A_36, %scan3A_98 = %neg3A_36, %scan3A_99 = %neg3A_36, %scan3A_100 = %neg3A_36) -> (vector<16xf32>, vector<16xf32>, vector<16xf32>, vector<16xf32>, vector<16xf32>, vector<16xf32>, vector<16xf32>, vector<16xf32>, vector<16xf32>, vector<16xf32>, vector<16xf32>, vector<16xf32>, vector<16xf32>, vector<16xf32>, vector<16xf32>, vector<16xf32>)  : i32 {
      %dma_wait3A = arith.constant 0 : i32
      %dma_wait3A_101 = tpu.memref_slice %arg3[%dma_wait3A] : memref<16777216xf32, #tpu.memory_space<hbm>> -> memref<32768xf32, #tpu.memory_space<hbm>>
      %dma_wait3A_102 = arith.constant 0 : i32
      %dma_wait3A_103 = tpu.memref_slice %arg3[%dma_wait3A_102] : memref<16777216xf32, #tpu.memory_space<hbm>> -> memref<32768xf32, #tpu.memory_space<hbm>>
      tpu.wait_dma2 semaphore(%arg8 : memref<!tpu.dma_semaphore, #tpu.memory_space<semaphore_mem>>) src(%dma_wait3A_103 : memref<32768xf32, #tpu.memory_space<hbm>>) dst(%arg5 : memref<32768xf32, #tpu.memory_space<vmem>>)
      %scan3A_104 = arith.constant 0 : i32
      %scan3A_105 = arith.constant 256 : i32
      %scan3A_106 = arith.addi %scan3A_104, %scan3A_105 : i32
      %scan3A_107 = arith.constant 1 : i32
      %scan3A_108:16 = scf.for %scan3A_135 = %scan3A_104 to %scan3A_106 step %scan3A_107 iter_args(%scan3A_136 = %scan3A_85, %scan3A_137 = %scan3A_86, %scan3A_138 = %scan3A_87, %scan3A_139 = %scan3A_88, %scan3A_140 = %scan3A_89, %scan3A_141 = %scan3A_90, %scan3A_142 = %scan3A_91, %scan3A_143 = %scan3A_92, %scan3A_144 = %scan3A_93, %scan3A_145 = %scan3A_94, %scan3A_146 = %scan3A_95, %scan3A_147 = %scan3A_96, %scan3A_148 = %scan3A_97, %scan3A_149 = %scan3A_98, %scan3A_150 = %scan3A_99, %scan3A_151 = %scan3A_100) -> (vector<16xf32>, vector<16xf32>, vector<16xf32>, vector<16xf32>, vector<16xf32>, vector<16xf32>, vector<16xf32>, vector<16xf32>, vector<16xf32>, vector<16xf32>, vector<16xf32>, vector<16xf32>, vector<16xf32>, vector<16xf32>, vector<16xf32>, vector<16xf32>)  : i32 {
        %mul3A_152 = arith.constant 8 : i32
        %mul3A_153 = arith.muli %scan3A_135, %mul3A_152 : i32
        %add3A_154 = arith.constant 0 : i32
        %add3A_155 = arith.addi %mul3A_153, %add3A_154 : i32
        %mul3A_156 = arith.constant 16 : i32
        %mul3A_157 = arith.muli %add3A_155, %mul3A_156 : i32
        %get3A = arith.index_cast %mul3A_157 : i32 to index
        %get3A_158 = tpu.vector_load %arg5[%get3A] {strides = array<i32>} : memref<32768xf32, #tpu.memory_space<vmem>>, vector<16xf32>,
        %get3A_159 = vector.shape_cast %get3A_158 : vector<16xf32> to vector<16xf32>
        %min3A_160 = arith.minimumf %scan3A_136, %get3A_159 : vector<16xf32>
        %max3A_161 = arith.maximumf %scan3A_144, %get3A_159 : vector<16xf32>
        %mul3A_162 = arith.constant 8 : i32
        %mul3A_163 = arith.muli %scan3A_135, %mul3A_162 : i32
        %add3A_164 = arith.constant 1 : i32
        %add3A_165 = arith.addi %mul3A_163, %add3A_164 : i32
        %mul3A_166 = arith.constant 16 : i32
        %mul3A_167 = arith.muli %add3A_165, %mul3A_166 : i32
        %get3A_168 = arith.index_cast %mul3A_167 : i32 to index
        %get3A_169 = tpu.vector_load %arg5[%get3A_168] {strides = array<i32>} : memref<32768xf32, #tpu.memory_space<vmem>>, vector<16xf32>,
        %get3A_170 = vector.shape_cast %get3A_169 : vector<16xf32> to vector<16xf32>
        %min3A_171 = arith.minimumf %scan3A_137, %get3A_170 : vector<16xf32>
        %max3A_172 = arith.maximumf %scan3A_145, %get3A_170 : vector<16xf32>
        %mul3A_173 = arith.constant 8 : i32
        %mul3A_174 = arith.muli %scan3A_135, %mul3A_173 : i32
        %add3A_175 = arith.constant 2 : i32
        %add3A_176 = arith.addi %mul3A_174, %add3A_175 : i32
        %mul3A_177 = arith.constant 16 : i32
        %mul3A_178 = arith.muli %add3A_176, %mul3A_177 : i32
        %get3A_179 = arith.index_cast %mul3A_178 : i32 to index
        %get3A_180 = tpu.vector_load %arg5[%get3A_179] {strides = array<i32>} : memref<32768xf32, #tpu.memory_space<vmem>>, vector<16xf32>,
        %get3A_181 = vector.shape_cast %get3A_180 : vector<16xf32> to vector<16xf32>
        %min3A_182 = arith.minimumf %scan3A_138, %get3A_181 : vector<16xf32>
        %max3A_183 = arith.maximumf %scan3A_146, %get3A_181 : vector<16xf32>
        %mul3A_184 = arith.constant 8 : i32
        %mul3A_185 = arith.muli %scan3A_135, %mul3A_184 : i32
        %add3A_186 = arith.constant 3 : i32
        %add3A_187 = arith.addi %mul3A_185, %add3A_186 : i32
        %mul3A_188 = arith.constant 16 : i32
        %mul3A_189 = arith.muli %add3A_187, %mul3A_188 : i32
        %get3A_190 = arith.index_cast %mul3A_189 : i32 to index
        %get3A_191 = tpu.vector_load %arg5[%get3A_190] {strides = array<i32>} : memref<32768xf32, #tpu.memory_space<vmem>>, vector<16xf32>,
        %get3A_192 = vector.shape_cast %get3A_191 : vector<16xf32> to vector<16xf32>
        %min3A_193 = arith.minimumf %scan3A_139, %get3A_192 : vector<16xf32>
        %max3A_194 = arith.maximumf %scan3A_147, %get3A_192 : vector<16xf32>
        %mul3A_195 = arith.constant 8 : i32
        %mul3A_196 = arith.muli %scan3A_135, %mul3A_195 : i32
        %add3A_197 = arith.constant 4 : i32
        %add3A_198 = arith.addi %mul3A_196, %add3A_197 : i32
        %mul3A_199 = arith.constant 16 : i32
        %mul3A_200 = arith.muli %add3A_198, %mul3A_199 : i32
        %get3A_201 = arith.index_cast %mul3A_200 : i32 to index
        %get3A_202 = tpu.vector_load %arg5[%get3A_201] {strides = array<i32>} : memref<32768xf32, #tpu.memory_space<vmem>>, vector<16xf32>,
        %get3A_203 = vector.shape_cast %get3A_202 : vector<16xf32> to vector<16xf32>
        %min3A_204 = arith.minimumf %scan3A_140, %get3A_203 : vector<16xf32>
        %max3A_205 = arith.maximumf %scan3A_148, %get3A_203 : vector<16xf32>
        %mul3A_206 = arith.constant 8 : i32
        %mul3A_207 = arith.muli %scan3A_135, %mul3A_206 : i32
        %add3A_208 = arith.constant 5 : i32
        %add3A_209 = arith.addi %mul3A_207, %add3A_208 : i32
        %mul3A_210 = arith.constant 16 : i32
        %mul3A_211 = arith.muli %add3A_209, %mul3A_210 : i32
        %get3A_212 = arith.index_cast %mul3A_211 : i32 to index
        %get3A_213 = tpu.vector_load %arg5[%get3A_212] {strides = array<i32>} : memref<32768xf32, #tpu.memory_space<vmem>>, vector<16xf32>,
        %get3A_214 = vector.shape_cast %get3A_213 : vector<16xf32> to vector<16xf32>
        %min3A_215 = arith.minimumf %scan3A_141, %get3A_214 : vector<16xf32>
        %max3A_216 = arith.maximumf %scan3A_149, %get3A_214 : vector<16xf32>
        %mul3A_217 = arith.constant 8 : i32
        %mul3A_218 = arith.muli %scan3A_135, %mul3A_217 : i32
        %add3A_219 = arith.constant 6 : i32
        %add3A_220 = arith.addi %mul3A_218, %add3A_219 : i32
        %mul3A_221 = arith.constant 16 : i32
        %mul3A_222 = arith.muli %add3A_220, %mul3A_221 : i32
        %get3A_223 = arith.index_cast %mul3A_222 : i32 to index
        %get3A_224 = tpu.vector_load %arg5[%get3A_223] {strides = array<i32>} : memref<32768xf32, #tpu.memory_space<vmem>>, vector<16xf32>,
        %get3A_225 = vector.shape_cast %get3A_224 : vector<16xf32> to vector<16xf32>
        %min3A_226 = arith.minimumf %scan3A_142, %get3A_225 : vector<16xf32>
        %max3A_227 = arith.maximumf %scan3A_150, %get3A_225 : vector<16xf32>
        %mul3A_228 = arith.constant 8 : i32
        %mul3A_229 = arith.muli %scan3A_135, %mul3A_228 : i32
        %add3A_230 = arith.constant 7 : i32
        %add3A_231 = arith.addi %mul3A_229, %add3A_230 : i32
        %mul3A_232 = arith.constant 16 : i32
        %mul3A_233 = arith.muli %add3A_231, %mul3A_232 : i32
        %get3A_234 = arith.index_cast %mul3A_233 : i32 to index
        %get3A_235 = tpu.vector_load %arg5[%get3A_234] {strides = array<i32>} : memref<32768xf32, #tpu.memory_space<vmem>>, vector<16xf32>,
        %get3A_236 = vector.shape_cast %get3A_235 : vector<16xf32> to vector<16xf32>
        %min3A_237 = arith.minimumf %scan3A_143, %get3A_236 : vector<16xf32>
        %max3A_238 = arith.maximumf %scan3A_151, %get3A_236 : vector<16xf32>
        scf.yield %min3A_160, %min3A_171, %min3A_182, %min3A_193, %min3A_204, %min3A_215, %min3A_226, %min3A_237, %max3A_161, %max3A_172, %max3A_183, %max3A_194, %max3A_205, %max3A_216, %max3A_227, %max3A_238 : vector<16xf32>, vector<16xf32>, vector<16xf32>, vector<16xf32>, vector<16xf32>, vector<16xf32>, vector<16xf32>, vector<16xf32>, vector<16xf32>, vector<16xf32>, vector<16xf32>, vector<16xf32>, vector<16xf32>, vector<16xf32>, vector<16xf32>, vector<16xf32>
      }
      %scan3A_109 = arith.constant 256 : i32
      %mul3A_110 = arith.constant 2 : i32
      %mul3A_111 = arith.muli %mul3A_110, %scan3A_84 : i32
      %add3A_112 = arith.constant 2 : i32
      %add3A_113 = arith.addi %mul3A_111, %add3A_112 : i32
      %lt3A = arith.constant 16 : i32
      %lt3A_114 = arith.cmpi slt, %add3A_113, %lt3A : i32
      %convert_element_type3A = arith.extui %lt3A_114 : i1 to i32
      %cond3A = arith.constant 0 : i32
      %cond3A_115 = arith.cmpi ne, %convert_element_type3A, %cond3A : i32
      scf.if %cond3A_115 {
        %mul3A_135 = arith.constant 2 : i32
        %mul3A_136 = arith.muli %mul3A_135, %scan3A_84 : i32
        %add3A_137 = arith.constant 2 : i32
        %add3A_138 = arith.addi %mul3A_136, %add3A_137 : i32
        %mul3A_139 = arith.constant 32768 : i32
        %mul3A_140 = arith.muli %add3A_138, %mul3A_139 : i32
        %add3A_141 = arith.addi %mul3A_2, %mul3A_140 : i32
        %multiple_of3A_142 = tpu.assume_multiple %add3A_141, 32768 : i32
        %dma_start3A_143 = tpu.memref_slice %arg3[%multiple_of3A_142] : memref<16777216xf32, #tpu.memory_space<hbm>> -> memref<32768xf32, #tpu.memory_space<hbm>>
        %dma_start3A_144 = tpu.memref_slice %arg3[%multiple_of3A_142] : memref<16777216xf32, #tpu.memory_space<hbm>> -> memref<32768xf32, #tpu.memory_space<hbm>>
        tpu.enqueue_dma source(%dma_start3A_144 : memref<32768xf32, #tpu.memory_space<hbm>>) target(%arg5 : memref<32768xf32, #tpu.memory_space<vmem>>) target_semaphore(%arg8 : memref<!tpu.dma_semaphore, #tpu.memory_space<semaphore_mem>>)
      } else {
      }
      %dma_wait3A_116 = arith.constant 0 : i32
      %dma_wait3A_117 = tpu.memref_slice %arg3[%dma_wait3A_116] : memref<16777216xf32, #tpu.memory_space<hbm>> -> memref<32768xf32, #tpu.memory_space<hbm>>
      %dma_wait3A_118 = arith.constant 0 : i32
      %dma_wait3A_119 = tpu.memref_slice %arg3[%dma_wait3A_118] : memref<16777216xf32, #tpu.memory_space<hbm>> -> memref<32768xf32, #tpu.memory_space<hbm>>
      tpu.wait_dma2 semaphore(%arg9 : memref<!tpu.dma_semaphore, #tpu.memory_space<semaphore_mem>>) src(%dma_wait3A_119 : memref<32768xf32, #tpu.memory_space<hbm>>) dst(%arg6 : memref<32768xf32, #tpu.memory_space<vmem>>)
      %scan3A_120 = arith.constant 0 : i32
      %scan3A_121 = arith.constant 256 : i32
      %scan3A_122 = arith.addi %scan3A_120, %scan3A_121 : i32
      %scan3A_123 = arith.constant 1 : i32
      %scan3A_124:16 = scf.for %scan3A_135 = %scan3A_120 to %scan3A_122 step %scan3A_123 iter_args(%scan3A_136 = %scan3A_108#0, %scan3A_137 = %scan3A_108#1, %scan3A_138 = %scan3A_108#2, %scan3A_139 = %scan3A_108#3, %scan3A_140 = %scan3A_108#4, %scan3A_141 = %scan3A_108#5, %scan3A_142 = %scan3A_108#6, %scan3A_143 = %scan3A_108#7, %scan3A_144 = %scan3A_108#8, %scan3A_145 = %scan3A_108#9, %scan3A_146 = %scan3A_108#10, %scan3A_147 = %scan3A_108#11, %scan3A_148 = %scan3A_108#12, %scan3A_149 = %scan3A_108#13, %scan3A_150 = %scan3A_108#14, %scan3A_151 = %scan3A_108#15) -> (vector<16xf32>, vector<16xf32>, vector<16xf32>, vector<16xf32>, vector<16xf32>, vector<16xf32>, vector<16xf32>, vector<16xf32>, vector<16xf32>, vector<16xf32>, vector<16xf32>, vector<16xf32>, vector<16xf32>, vector<16xf32>, vector<16xf32>, vector<16xf32>)  : i32 {
        %mul3A_152 = arith.constant 8 : i32
        %mul3A_153 = arith.muli %scan3A_135, %mul3A_152 : i32
        %add3A_154 = arith.constant 0 : i32
        %add3A_155 = arith.addi %mul3A_153, %add3A_154 : i32
        %mul3A_156 = arith.constant 16 : i32
        %mul3A_157 = arith.muli %add3A_155, %mul3A_156 : i32
        %get3A = arith.index_cast %mul3A_157 : i32 to index
        %get3A_158 = tpu.vector_load %arg6[%get3A] {strides = array<i32>} : memref<32768xf32, #tpu.memory_space<vmem>>, vector<16xf32>,
        %get3A_159 = vector.shape_cast %get3A_158 : vector<16xf32> to vector<16xf32>
        %min3A_160 = arith.minimumf %scan3A_136, %get3A_159 : vector<16xf32>
        %max3A_161 = arith.maximumf %scan3A_144, %get3A_159 : vector<16xf32>
        %mul3A_162 = arith.constant 8 : i32
        %mul3A_163 = arith.muli %scan3A_135, %mul3A_162 : i32
        %add3A_164 = arith.constant 1 : i32
        %add3A_165 = arith.addi %mul3A_163, %add3A_164 : i32
        %mul3A_166 = arith.constant 16 : i32
        %mul3A_167 = arith.muli %add3A_165, %mul3A_166 : i32
        %get3A_168 = arith.index_cast %mul3A_167 : i32 to index
        %get3A_169 = tpu.vector_load %arg6[%get3A_168] {strides = array<i32>} : memref<32768xf32, #tpu.memory_space<vmem>>, vector<16xf32>,
        %get3A_170 = vector.shape_cast %get3A_169 : vector<16xf32> to vector<16xf32>
        %min3A_171 = arith.minimumf %scan3A_137, %get3A_170 : vector<16xf32>
        %max3A_172 = arith.maximumf %scan3A_145, %get3A_170 : vector<16xf32>
        %mul3A_173 = arith.constant 8 : i32
        %mul3A_174 = arith.muli %scan3A_135, %mul3A_173 : i32
        %add3A_175 = arith.constant 2 : i32
        %add3A_176 = arith.addi %mul3A_174, %add3A_175 : i32
        %mul3A_177 = arith.constant 16 : i32
        %mul3A_178 = arith.muli %add3A_176, %mul3A_177 : i32
        %get3A_179 = arith.index_cast %mul3A_178 : i32 to index
        %get3A_180 = tpu.vector_load %arg6[%get3A_179] {strides = array<i32>} : memref<32768xf32, #tpu.memory_space<vmem>>, vector<16xf32>,
        %get3A_181 = vector.shape_cast %get3A_180 : vector<16xf32> to vector<16xf32>
        %min3A_182 = arith.minimumf %scan3A_138, %get3A_181 : vector<16xf32>
        %max3A_183 = arith.maximumf %scan3A_146, %get3A_181 : vector<16xf32>
        %mul3A_184 = arith.constant 8 : i32
        %mul3A_185 = arith.muli %scan3A_135, %mul3A_184 : i32
        %add3A_186 = arith.constant 3 : i32
        %add3A_187 = arith.addi %mul3A_185, %add3A_186 : i32
        %mul3A_188 = arith.constant 16 : i32
        %mul3A_189 = arith.muli %add3A_187, %mul3A_188 : i32
        %get3A_190 = arith.index_cast %mul3A_189 : i32 to index
        %get3A_191 = tpu.vector_load %arg6[%get3A_190] {strides = array<i32>} : memref<32768xf32, #tpu.memory_space<vmem>>, vector<16xf32>,
        %get3A_192 = vector.shape_cast %get3A_191 : vector<16xf32> to vector<16xf32>
        %min3A_193 = arith.minimumf %scan3A_139, %get3A_192 : vector<16xf32>
        %max3A_194 = arith.maximumf %scan3A_147, %get3A_192 : vector<16xf32>
        %mul3A_195 = arith.constant 8 : i32
        %mul3A_196 = arith.muli %scan3A_135, %mul3A_195 : i32
        %add3A_197 = arith.constant 4 : i32
        %add3A_198 = arith.addi %mul3A_196, %add3A_197 : i32
        %mul3A_199 = arith.constant 16 : i32
        %mul3A_200 = arith.muli %add3A_198, %mul3A_199 : i32
        %get3A_201 = arith.index_cast %mul3A_200 : i32 to index
        %get3A_202 = tpu.vector_load %arg6[%get3A_201] {strides = array<i32>} : memref<32768xf32, #tpu.memory_space<vmem>>, vector<16xf32>,
        %get3A_203 = vector.shape_cast %get3A_202 : vector<16xf32> to vector<16xf32>
        %min3A_204 = arith.minimumf %scan3A_140, %get3A_203 : vector<16xf32>
        %max3A_205 = arith.maximumf %scan3A_148, %get3A_203 : vector<16xf32>
        %mul3A_206 = arith.constant 8 : i32
        %mul3A_207 = arith.muli %scan3A_135, %mul3A_206 : i32
        %add3A_208 = arith.constant 5 : i32
        %add3A_209 = arith.addi %mul3A_207, %add3A_208 : i32
        %mul3A_210 = arith.constant 16 : i32
        %mul3A_211 = arith.muli %add3A_209, %mul3A_210 : i32
        %get3A_212 = arith.index_cast %mul3A_211 : i32 to index
        %get3A_213 = tpu.vector_load %arg6[%get3A_212] {strides = array<i32>} : memref<32768xf32, #tpu.memory_space<vmem>>, vector<16xf32>,
        %get3A_214 = vector.shape_cast %get3A_213 : vector<16xf32> to vector<16xf32>
        %min3A_215 = arith.minimumf %scan3A_141, %get3A_214 : vector<16xf32>
        %max3A_216 = arith.maximumf %scan3A_149, %get3A_214 : vector<16xf32>
        %mul3A_217 = arith.constant 8 : i32
        %mul3A_218 = arith.muli %scan3A_135, %mul3A_217 : i32
        %add3A_219 = arith.constant 6 : i32
        %add3A_220 = arith.addi %mul3A_218, %add3A_219 : i32
        %mul3A_221 = arith.constant 16 : i32
        %mul3A_222 = arith.muli %add3A_220, %mul3A_221 : i32
        %get3A_223 = arith.index_cast %mul3A_222 : i32 to index
        %get3A_224 = tpu.vector_load %arg6[%get3A_223] {strides = array<i32>} : memref<32768xf32, #tpu.memory_space<vmem>>, vector<16xf32>,
        %get3A_225 = vector.shape_cast %get3A_224 : vector<16xf32> to vector<16xf32>
        %min3A_226 = arith.minimumf %scan3A_142, %get3A_225 : vector<16xf32>
        %max3A_227 = arith.maximumf %scan3A_150, %get3A_225 : vector<16xf32>
        %mul3A_228 = arith.constant 8 : i32
        %mul3A_229 = arith.muli %scan3A_135, %mul3A_228 : i32
        %add3A_230 = arith.constant 7 : i32
        %add3A_231 = arith.addi %mul3A_229, %add3A_230 : i32
        %mul3A_232 = arith.constant 16 : i32
        %mul3A_233 = arith.muli %add3A_231, %mul3A_232 : i32
        %get3A_234 = arith.index_cast %mul3A_233 : i32 to index
        %get3A_235 = tpu.vector_load %arg6[%get3A_234] {strides = array<i32>} : memref<32768xf32, #tpu.memory_space<vmem>>, vector<16xf32>,
        %get3A_236 = vector.shape_cast %get3A_235 : vector<16xf32> to vector<16xf32>
        %min3A_237 = arith.minimumf %scan3A_143, %get3A_236 : vector<16xf32>
        %max3A_238 = arith.maximumf %scan3A_151, %get3A_236 : vector<16xf32>
        scf.yield %min3A_160, %min3A_171, %min3A_182, %min3A_193, %min3A_204, %min3A_215, %min3A_226, %min3A_237, %max3A_161, %max3A_172, %max3A_183, %max3A_194, %max3A_205, %max3A_216, %max3A_227, %max3A_238 : vector<16xf32>, vector<16xf32>, vector<16xf32>, vector<16xf32>, vector<16xf32>, vector<16xf32>, vector<16xf32>, vector<16xf32>, vector<16xf32>, vector<16xf32>, vector<16xf32>, vector<16xf32>, vector<16xf32>, vector<16xf32>, vector<16xf32>, vector<16xf32>
      }
      %scan3A_125 = arith.constant 256 : i32
      %mul3A_126 = arith.constant 2 : i32
      %mul3A_127 = arith.muli %mul3A_126, %scan3A_84 : i32
      %add3A_128 = arith.constant 3 : i32
      %add3A_129 = arith.addi %mul3A_127, %add3A_128 : i32
      %lt3A_130 = arith.constant 16 : i32
      %lt3A_131 = arith.cmpi slt, %add3A_129, %lt3A_130 : i32
      %convert_element_type3A_132 = arith.extui %lt3A_131 : i1 to i32
      %cond3A_133 = arith.constant 0 : i32
      %cond3A_134 = arith.cmpi ne, %convert_element_type3A_132, %cond3A_133 : i32
      scf.if %cond3A_134 {
        %mul3A_135 = arith.constant 2 : i32
        %mul3A_136 = arith.muli %mul3A_135, %scan3A_84 : i32
        %add3A_137 = arith.constant 3 : i32
        %add3A_138 = arith.addi %mul3A_136, %add3A_137 : i32
        %mul3A_139 = arith.constant 32768 : i32
        %mul3A_140 = arith.muli %add3A_138, %mul3A_139 : i32
        %add3A_141 = arith.addi %mul3A_2, %mul3A_140 : i32
        %multiple_of3A_142 = tpu.assume_multiple %add3A_141, 32768 : i32
        %dma_start3A_143 = tpu.memref_slice %arg3[%multiple_of3A_142] : memref<16777216xf32, #tpu.memory_space<hbm>> -> memref<32768xf32, #tpu.memory_space<hbm>>
        %dma_start3A_144 = tpu.memref_slice %arg3[%multiple_of3A_142] : memref<16777216xf32, #tpu.memory_space<hbm>> -> memref<32768xf32, #tpu.memory_space<hbm>>
        tpu.enqueue_dma source(%dma_start3A_144 : memref<32768xf32, #tpu.memory_space<hbm>>) target(%arg6 : memref<32768xf32, #tpu.memory_space<vmem>>) target_semaphore(%arg9 : memref<!tpu.dma_semaphore, #tpu.memory_space<semaphore_mem>>)
      } else {
      }
      scf.yield %scan3A_124#0, %scan3A_124#1, %scan3A_124#2, %scan3A_124#3, %scan3A_124#4, %scan3A_124#5, %scan3A_124#6, %scan3A_124#7, %scan3A_124#8, %scan3A_124#9, %scan3A_124#10, %scan3A_124#11, %scan3A_124#12, %scan3A_124#13, %scan3A_124#14, %scan3A_124#15 : vector<16xf32>, vector<16xf32>, vector<16xf32>, vector<16xf32>, vector<16xf32>, vector<16xf32>, vector<16xf32>, vector<16xf32>, vector<16xf32>, vector<16xf32>, vector<16xf32>, vector<16xf32>, vector<16xf32>, vector<16xf32>, vector<16xf32>, vector<16xf32>
    }
    %scan3A_52 = arith.constant 8 : i32
    %min3A_53 = arith.minimumf %scan3A_51#0, %scan3A_51#1 : vector<16xf32>
    %min3A_54 = arith.minimumf %min3A_53, %scan3A_51#2 : vector<16xf32>
    %min3A_55 = arith.minimumf %min3A_54, %scan3A_51#3 : vector<16xf32>
    %min3A_56 = arith.minimumf %min3A_55, %scan3A_51#4 : vector<16xf32>
    %min3A_57 = arith.minimumf %min3A_56, %scan3A_51#5 : vector<16xf32>
    %min3A_58 = arith.minimumf %min3A_57, %scan3A_51#6 : vector<16xf32>
    %min3A_59 = arith.minimumf %min3A_58, %scan3A_51#7 : vector<16xf32>
    %max3A_60 = arith.maximumf %scan3A_51#8, %scan3A_51#9 : vector<16xf32>
    %max3A_61 = arith.maximumf %max3A_60, %scan3A_51#10 : vector<16xf32>
    %max3A_62 = arith.maximumf %max3A_61, %scan3A_51#11 : vector<16xf32>
    %max3A_63 = arith.maximumf %max3A_62, %scan3A_51#12 : vector<16xf32>
    %max3A_64 = arith.maximumf %max3A_63, %scan3A_51#13 : vector<16xf32>
    %max3A_65 = arith.maximumf %max3A_64, %scan3A_51#14 : vector<16xf32>
    %max3A_66 = arith.maximumf %max3A_65, %scan3A_51#15 : vector<16xf32>
    %swap3A = arith.constant 0 : index
    %swap3A_67 = tpu.vector_load %arg7[%swap3A] {strides = array<i32>} : memref<64xf32, #tpu.memory_space<vmem>>, vector<16xf32>,
    %swap3A_68 = vector.shape_cast %swap3A_67 : vector<16xf32> to vector<16xf32>
    %swap3A_69 = vector.shape_cast %min3A_27 : vector<16xf32> to vector<16xf32>
    tpu.vector_store %arg7[%swap3A], %swap3A_69 {strides = array<i32>} : memref<64xf32, #tpu.memory_space<vmem>>, vector<16xf32>,
    %swap3A_70 = arith.constant 16 : index
    %swap3A_71 = tpu.vector_load %arg7[%swap3A_70] {strides = array<i32>} : memref<64xf32, #tpu.memory_space<vmem>>, vector<16xf32>,
    %swap3A_72 = vector.shape_cast %swap3A_71 : vector<16xf32> to vector<16xf32>
    %swap3A_73 = vector.shape_cast %max3A_33 : vector<16xf32> to vector<16xf32>
    tpu.vector_store %arg7[%swap3A_70], %swap3A_73 {strides = array<i32>} : memref<64xf32, #tpu.memory_space<vmem>>, vector<16xf32>,
    %swap3A_74 = arith.constant 32 : index
    %swap3A_75 = tpu.vector_load %arg7[%swap3A_74] {strides = array<i32>} : memref<64xf32, #tpu.memory_space<vmem>>, vector<16xf32>,
    %swap3A_76 = vector.shape_cast %swap3A_75 : vector<16xf32> to vector<16xf32>
    %swap3A_77 = vector.shape_cast %min3A_59 : vector<16xf32> to vector<16xf32>
    tpu.vector_store %arg7[%swap3A_74], %swap3A_77 {strides = array<i32>} : memref<64xf32, #tpu.memory_space<vmem>>, vector<16xf32>,
    %swap3A_78 = arith.constant 48 : index
    %swap3A_79 = tpu.vector_load %arg7[%swap3A_78] {strides = array<i32>} : memref<64xf32, #tpu.memory_space<vmem>>, vector<16xf32>,
    %swap3A_80 = vector.shape_cast %swap3A_79 : vector<16xf32> to vector<16xf32>
    %swap3A_81 = vector.shape_cast %max3A_66 : vector<16xf32> to vector<16xf32>
    tpu.vector_store %arg7[%swap3A_78], %swap3A_81 {strides = array<i32>} : memref<64xf32, #tpu.memory_space<vmem>>, vector<16xf32>,
    %mul3A_82 = arith.constant 64 : i32
    %mul3A_83 = arith.muli %add3A, %mul3A_82 : i32
    "tpu.region"() ({
      %run_scoped3A = tpu.sem_alloc : memref<!tpu.dma_semaphore, #tpu.memory_space<semaphore_mem>>
      %dma_start3A_84 = tpu.memref_slice %arg4[%mul3A_83] : memref<2048xf32, #tpu.memory_space<hbm>> -> memref<64xf32, #tpu.memory_space<hbm>>
      %dma_start3A_85 = tpu.memref_slice %arg4[%mul3A_83] : memref<2048xf32, #tpu.memory_space<hbm>> -> memref<64xf32, #tpu.memory_space<hbm>>
      tpu.enqueue_dma source(%arg7 : memref<64xf32, #tpu.memory_space<vmem>>) target(%dma_start3A_85 : memref<64xf32, #tpu.memory_space<hbm>>) target_semaphore(%run_scoped3A : memref<!tpu.dma_semaphore, #tpu.memory_space<semaphore_mem>>)
      %dma_wait3A = tpu.memref_slice %arg4[%mul3A_83] : memref<2048xf32, #tpu.memory_space<hbm>> -> memref<64xf32, #tpu.memory_space<hbm>>
      %dma_wait3A_86 = tpu.memref_slice %arg4[%mul3A_83] : memref<2048xf32, #tpu.memory_space<hbm>> -> memref<64xf32, #tpu.memory_space<hbm>>
      tpu.wait_dma2 semaphore(%run_scoped3A : memref<!tpu.dma_semaphore, #tpu.memory_space<semaphore_mem>>) src(%arg7 : memref<64xf32, #tpu.memory_space<vmem>>) dst(%dma_wait3A_86 : memref<64xf32, #tpu.memory_space<hbm>>)
      tpu.yield
    }) : () -> ()
    return
  }
}

module attributes {stable_mosaic.version = 14 : i64} {
  func.func @_finalize_body(%arg0: memref<16384x128xf32, #tpu.memory_space<vmem>>, %arg1: memref<32x64xf32, #tpu.memory_space<vmem>>, %arg2: memref<1x1xf32, #tpu.memory_space<vmem>>) attributes {dimension_semantics = [], scalar_prefetch = 0 : i64, scratch_operands = 0 : i64, tpu.core_type = #tpu.core_type<tc>} {
    %get3A = arith.constant 0 : index
    %get3A_0 = arith.constant 0 : index
    %get3A_1 = vector.load %arg1[%get3A, %get3A_0] : memref<32x64xf32, #tpu.memory_space<vmem>>, vector<32x64xf32>
    %slice3A = vector.extract_strided_slice %get3A_1 {offsets = [0, 0], sizes = [32, 16], strides = [1, 1]} : vector<32x64xf32> to vector<32x16xf32>
    %reduce_min3A = vector.shape_cast %slice3A : vector<32x16xf32> to vector<1x32x16xf32>
    %reduce_min3A_2 = arith.constant dense<0x7F800000> : vector<1xf32>
    %reduce_min3A_3 = vector.multi_reduction <minimumf>, %reduce_min3A, %reduce_min3A_2 [1, 2] : vector<1x32x16xf32> to vector<1xf32>
    %reduce_min3A_4 = vector.shape_cast %reduce_min3A_3 : vector<1xf32> to vector<1x1x1xf32>
    %reduce_min3A_5 = vector.extract %reduce_min3A_4[0, 0, 0] : f32 from vector<1x1x1xf32>
    %slice3A_6 = vector.extract_strided_slice %get3A_1 {offsets = [0, 16], sizes = [32, 16], strides = [1, 1]} : vector<32x64xf32> to vector<32x16xf32>
    %reduce_max3A = vector.shape_cast %slice3A_6 : vector<32x16xf32> to vector<1x32x16xf32>
    %reduce_max3A_7 = arith.constant dense<0xFF800000> : vector<1xf32>
    %reduce_max3A_8 = vector.multi_reduction <maximumf>, %reduce_max3A, %reduce_max3A_7 [1, 2] : vector<1x32x16xf32> to vector<1xf32>
    %reduce_max3A_9 = vector.shape_cast %reduce_max3A_8 : vector<1xf32> to vector<1x1x1xf32>
    %reduce_max3A_10 = vector.extract %reduce_max3A_9[0, 0, 0] : f32 from vector<1x1x1xf32>
    %slice3A_11 = vector.extract_strided_slice %get3A_1 {offsets = [0, 32], sizes = [32, 16], strides = [1, 1]} : vector<32x64xf32> to vector<32x16xf32>
    %reduce_min3A_12 = vector.shape_cast %slice3A_11 : vector<32x16xf32> to vector<1x32x16xf32>
    %reduce_min3A_13 = arith.constant dense<0x7F800000> : vector<1xf32>
    %reduce_min3A_14 = vector.multi_reduction <minimumf>, %reduce_min3A_12, %reduce_min3A_13 [1, 2] : vector<1x32x16xf32> to vector<1xf32>
    %reduce_min3A_15 = vector.shape_cast %reduce_min3A_14 : vector<1xf32> to vector<1x1x1xf32>
    %reduce_min3A_16 = vector.extract %reduce_min3A_15[0, 0, 0] : f32 from vector<1x1x1xf32>
    %slice3A_17 = vector.extract_strided_slice %get3A_1 {offsets = [0, 48], sizes = [32, 16], strides = [1, 1]} : vector<32x64xf32> to vector<32x16xf32>
    %reduce_max3A_18 = vector.shape_cast %slice3A_17 : vector<32x16xf32> to vector<1x32x16xf32>
    %reduce_max3A_19 = arith.constant dense<0xFF800000> : vector<1xf32>
    %reduce_max3A_20 = vector.multi_reduction <maximumf>, %reduce_max3A_18, %reduce_max3A_19 [1, 2] : vector<1x32x16xf32> to vector<1xf32>
    %reduce_max3A_21 = vector.shape_cast %reduce_max3A_20 : vector<1xf32> to vector<1x1x1xf32>
    %reduce_max3A_22 = vector.extract %reduce_max3A_21[0, 0, 0] : f32 from vector<1x1x1xf32>
    %min3A = arith.minimumf %reduce_min3A_5, %reduce_min3A_16 : f32
    %max3A = arith.maximumf %reduce_max3A_10, %reduce_max3A_22 : f32
    %sub3A = arith.subf %max3A, %min3A : f32
    %div3A = arith.constant 5.000000e+02 : f32
    %div3A_23 = arith.divf %sub3A, %div3A : f32
    %div3A_24 = arith.constant 1.000000e+00 : f32
    %div3A_25 = arith.divf %div3A_24, %div3A_23 : f32
    %get3A_26 = arith.constant 0 : index
    %get3A_27 = arith.constant 0 : index
    %get3A_28 = vector.load %arg0[%get3A_26, %get3A_27] : memref<16384x128xf32, #tpu.memory_space<vmem>>, vector<16384x128xf32>
    %reshape3A = vector.shape_cast %get3A_28 : vector<16384x128xf32> to vector<32x512x128xf32>
    %reduce_sum3A = arith.constant dense<0.000000e+00> : vector<512x128xf32>
    %reduce_sum3A_29 = vector.multi_reduction <add>, %reshape3A, %reduce_sum3A [0] : vector<32x512x128xf32> to vector<512x128xf32>
    %iota3A = tpu.iota {dimensions = array<i32: 0>} : vector<128x8xi32>
    %jit3A = arith.constant 16 : i32
    %div3A_30 = vector.broadcast %jit3A : i32 to vector<128x8xi32>
    %div3A_31 = arith.divsi %iota3A, %div3A_30 : vector<128x8xi32>
    %sign3A = arith.constant 0 : i32
    %sign3A_32 = vector.broadcast %sign3A : i32 to vector<128x8xi32>
    %sign3A_33 = arith.cmpi sgt, %iota3A, %sign3A_32 : vector<128x8xi32>
    %sign3A_34 = arith.extui %sign3A_33 : vector<128x8xi1> to vector<128x8xi32>
    %sign3A_35 = arith.constant 0 : i32
    %sign3A_36 = vector.broadcast %sign3A_35 : i32 to vector<128x8xi32>
    %sign3A_37 = arith.cmpi slt, %iota3A, %sign3A_36 : vector<128x8xi32>
    %sign3A_38 = arith.extui %sign3A_37 : vector<128x8xi1> to vector<128x8xi32>
    %sign3A_39 = arith.subi %sign3A_34, %sign3A_38 : vector<128x8xi32>
    %sign3A_40 = arith.constant 0 : i32
    %sign3A_41 = arith.cmpi sgt, %jit3A, %sign3A_40 : i32
    %sign3A_42 = arith.extui %sign3A_41 : i1 to i32
    %sign3A_43 = arith.constant 0 : i32
    %sign3A_44 = arith.cmpi slt, %jit3A, %sign3A_43 : i32
    %sign3A_45 = arith.extui %sign3A_44 : i1 to i32
    %sign3A_46 = arith.subi %sign3A_42, %sign3A_45 : i32
    %ne3A = vector.broadcast %sign3A_46 : i32 to vector<128x8xi32>
    %ne3A_47 = arith.cmpi ne, %sign3A_39, %ne3A : vector<128x8xi32>
    %rem3A = vector.broadcast %jit3A : i32 to vector<128x8xi32>
    %rem3A_48 = arith.remsi %iota3A, %rem3A : vector<128x8xi32>
    %ne3A_49 = arith.constant 0 : i32
    %ne3A_50 = vector.broadcast %ne3A_49 : i32 to vector<128x8xi32>
    %ne3A_51 = arith.cmpi ne, %rem3A_48, %ne3A_50 : vector<128x8xi32>
    %and3A = arith.andi %ne3A_47, %ne3A_51 : vector<128x8xi1>
    %sub3A_52 = arith.constant 1 : i32
    %sub3A_53 = vector.broadcast %sub3A_52 : i32 to vector<128x8xi32>
    %sub3A_54 = arith.subi %div3A_31, %sub3A_53 : vector<128x8xi32>
    %select_n3A = arith.select %and3A, %sub3A_54, %div3A_31 : vector<128x8xi1>, vector<128x8xi32>
    %iota3A_55 = tpu.iota {dimensions = array<i32: 1>} : vector<128x8xi32>
    %eq3A = arith.cmpi eq, %select_n3A, %iota3A_55 : vector<128x8xi32>
    %convert_element_type3A = arith.extui %eq3A : vector<128x8xi1> to vector<128x8xi32>
    %convert_element_type3A_56 = arith.sitofp %convert_element_type3A : vector<128x8xi32> to vector<128x8xf32>
    %iota3A_57 = tpu.iota {dimensions = array<i32: 0>} : vector<256x8xi32>
    %mul3A = arith.constant 8 : i32
    %mul3A_58 = vector.broadcast %mul3A : i32 to vector<256x8xi32>
    %mul3A_59 = arith.muli %iota3A_57, %mul3A_58 : vector<256x8xi32>
    %iota3A_60 = tpu.iota {dimensions = array<i32: 1>} : vector<256x8xi32>
    %add3A = arith.addi %mul3A_59, %iota3A_60 : vector<256x8xi32>
    %convert_element_type3A_61 = arith.sitofp %add3A : vector<256x8xi32> to vector<256x8xf32>
    %slice3A_62 = vector.extract_strided_slice %reduce_sum3A_29 {offsets = [0, 0], sizes = [256, 128], strides = [1, 1]} : vector<512x128xf32> to vector<256x128xf32>
    %dot_general3A = arith.constant dense<0.000000e+00> : vector<256x8xf32>
    %dot_general3A_63 = tpu.matmul %slice3A_62, %convert_element_type3A_56, %dot_general3A {dimension_numbers = #tpu.dot_dimension_numbers<[1], [0], [0], [1], [0, 0, 1, 1], [], []>, transpose_lhs_hint = false} : vector<256x128xf32>, vector<128x8xf32>, vector<256x8xf32> -> vector<256x8xf32>
    %sub3A_64 = arith.subf %reduce_max3A_10, %reduce_min3A_5 : f32
    %div3A_65 = arith.constant 5.000000e+02 : f32
    %div3A_66 = arith.divf %sub3A_64, %div3A_65 : f32
    %mul3A_67 = arith.constant 2.500000e-01 : f32
    %mul3A_68 = vector.broadcast %mul3A_67 : f32 to vector<256x8xf32>
    %mul3A_69 = arith.mulf %convert_element_type3A_61, %mul3A_68 : vector<256x8xf32>
    %floor3A = math.floor %mul3A_69 : vector<256x8xf32>
    %min3A_70 = arith.constant 4.990000e+02 : f32
    %min3A_71 = vector.broadcast %min3A_70 : f32 to vector<256x8xf32>
    %min3A_72 = arith.minimumf %floor3A, %min3A_71 : vector<256x8xf32>
    %add3A_73 = arith.constant 5.000000e-01 : f32
    %add3A_74 = vector.broadcast %add3A_73 : f32 to vector<256x8xf32>
    %add3A_75 = arith.addf %min3A_72, %add3A_74 : vector<256x8xf32>
    %mul3A_76 = vector.broadcast %div3A_66 : f32 to vector<256x8xf32>
    %mul3A_77 = arith.mulf %add3A_75, %mul3A_76 : vector<256x8xf32>
    %add3A_78 = vector.broadcast %reduce_min3A_5 : f32 to vector<256x8xf32>
    %add3A_79 = arith.addf %add3A_78, %mul3A_77 : vector<256x8xf32>
    %mul3A_80 = arith.constant -5.000000e-01 : f32
    %mul3A_81 = vector.broadcast %mul3A_80 : f32 to vector<256x8xf32>
    %mul3A_82 = arith.mulf %mul3A_81, %add3A_79 : vector<256x8xf32>
    %mul3A_83 = arith.mulf %mul3A_82, %add3A_79 : vector<256x8xf32>
    %add3A_84 = arith.constant -0.918938517 : f32
    %add3A_85 = vector.broadcast %add3A_84 : f32 to vector<256x8xf32>
    %add3A_86 = arith.addf %mul3A_83, %add3A_85 : vector<256x8xf32>
    %reduce_sum3A_87 = vector.shape_cast %dot_general3A_63 : vector<256x8xf32> to vector<1x256x8xf32>
    %reduce_sum3A_88 = arith.constant dense<0.000000e+00> : vector<1xf32>
    %reduce_sum3A_89 = vector.multi_reduction <add>, %reduce_sum3A_87, %reduce_sum3A_88 [1, 2] : vector<1x256x8xf32> to vector<1xf32>
    %reduce_sum3A_90 = vector.shape_cast %reduce_sum3A_89 : vector<1xf32> to vector<1x1x1xf32>
    %reduce_sum3A_91 = vector.extract %reduce_sum3A_90[0, 0, 0] : f32 from vector<1x1x1xf32>
    %mul3A_92 = arith.mulf %dot_general3A_63, %add3A_86 : vector<256x8xf32>
    %reduce_sum3A_93 = vector.shape_cast %mul3A_92 : vector<256x8xf32> to vector<1x256x8xf32>
    %reduce_sum3A_94 = arith.constant dense<0.000000e+00> : vector<1xf32>
    %reduce_sum3A_95 = vector.multi_reduction <add>, %reduce_sum3A_93, %reduce_sum3A_94 [1, 2] : vector<1x256x8xf32> to vector<1xf32>
    %reduce_sum3A_96 = vector.shape_cast %reduce_sum3A_95 : vector<1xf32> to vector<1x1x1xf32>
    %reduce_sum3A_97 = vector.extract %reduce_sum3A_96[0, 0, 0] : f32 from vector<1x1x1xf32>
    %div3A_98 = arith.divf %reduce_sum3A_97, %reduce_sum3A_91 : f32
    %sub3A_99 = arith.subf %reduce_max3A_10, %reduce_min3A_5 : f32
    %div3A_100 = arith.constant 2.000000e+03 : f32
    %div3A_101 = arith.divf %sub3A_99, %div3A_100 : f32
    %mul3A_102 = vector.broadcast %div3A_101 : f32 to vector<256x8xf32>
    %mul3A_103 = arith.mulf %convert_element_type3A_61, %mul3A_102 : vector<256x8xf32>
    %add3A_104 = vector.broadcast %reduce_min3A_5 : f32 to vector<256x8xf32>
    %add3A_105 = arith.addf %add3A_104, %mul3A_103 : vector<256x8xf32>
    %add3A_106 = vector.broadcast %div3A_101 : f32 to vector<256x8xf32>
    %add3A_107 = arith.addf %add3A_105, %add3A_106 : vector<256x8xf32>
    %sub3A_108 = vector.broadcast %min3A : f32 to vector<256x8xf32>
    %sub3A_109 = arith.subf %add3A_105, %sub3A_108 : vector<256x8xf32>
    %mul3A_110 = vector.broadcast %div3A_25 : f32 to vector<256x8xf32>
    %mul3A_111 = arith.mulf %sub3A_109, %mul3A_110 : vector<256x8xf32>
    %floor3A_112 = math.floor %mul3A_111 : vector<256x8xf32>
    %jit3A_113 = arith.constant 0.000000e+00 : f32
    %jit3A_114 = arith.constant 4.990000e+02 : f32
    %max3A_115 = vector.broadcast %jit3A_113 : f32 to vector<256x8xf32>
    %max3A_116 = arith.maximumf %max3A_115, %floor3A_112 : vector<256x8xf32>
    %min3A_117 = vector.broadcast %jit3A_114 : f32 to vector<256x8xf32>
    %min3A_118 = arith.minimumf %min3A_117, %max3A_116 : vector<256x8xf32>
    %sub3A_119 = vector.broadcast %min3A : f32 to vector<256x8xf32>
    %sub3A_120 = arith.subf %add3A_107, %sub3A_119 : vector<256x8xf32>
    %mul3A_121 = vector.broadcast %div3A_25 : f32 to vector<256x8xf32>
    %mul3A_122 = arith.mulf %sub3A_120, %mul3A_121 : vector<256x8xf32>
    %floor3A_123 = math.floor %mul3A_122 : vector<256x8xf32>
    %jit3A_124 = arith.constant 0.000000e+00 : f32
    %jit3A_125 = arith.constant 4.990000e+02 : f32
    %max3A_126 = vector.broadcast %jit3A_124 : f32 to vector<256x8xf32>
    %max3A_127 = arith.maximumf %max3A_126, %floor3A_123 : vector<256x8xf32>
    %min3A_128 = vector.broadcast %jit3A_125 : f32 to vector<256x8xf32>
    %min3A_129 = arith.minimumf %min3A_128, %max3A_127 : vector<256x8xf32>
    %mul3A_130 = vector.broadcast %div3A_23 : f32 to vector<256x8xf32>
    %mul3A_131 = arith.mulf %min3A_129, %mul3A_130 : vector<256x8xf32>
    %add3A_132 = vector.broadcast %min3A : f32 to vector<256x8xf32>
    %add3A_133 = arith.addf %add3A_132, %mul3A_131 : vector<256x8xf32>
    %sub3A_134 = arith.subf %add3A_107, %add3A_133 : vector<256x8xf32>
    %div3A_135 = vector.broadcast %div3A_101 : f32 to vector<256x8xf32>
    %div3A_136 = arith.divf %sub3A_134, %div3A_135 : vector<256x8xf32>
    %jit3A_137 = arith.constant 0.000000e+00 : f32
    %jit3A_138 = arith.constant 1.000000e+00 : f32
    %max3A_139 = vector.broadcast %jit3A_137 : f32 to vector<256x8xf32>
    %max3A_140 = arith.maximumf %max3A_139, %div3A_136 : vector<256x8xf32>
    %min3A_141 = vector.broadcast %jit3A_138 : f32 to vector<256x8xf32>
    %min3A_142 = arith.minimumf %min3A_141, %max3A_140 : vector<256x8xf32>
    %add3A_143 = arith.constant 5.000000e-01 : f32
    %add3A_144 = vector.broadcast %add3A_143 : f32 to vector<256x8xf32>
    %add3A_145 = arith.addf %min3A_118, %add3A_144 : vector<256x8xf32>
    %mul3A_146 = vector.broadcast %div3A_23 : f32 to vector<256x8xf32>
    %mul3A_147 = arith.mulf %add3A_145, %mul3A_146 : vector<256x8xf32>
    %add3A_148 = vector.broadcast %min3A : f32 to vector<256x8xf32>
    %add3A_149 = arith.addf %add3A_148, %mul3A_147 : vector<256x8xf32>
    %mul3A_150 = arith.constant -5.000000e-01 : f32
    %mul3A_151 = vector.broadcast %mul3A_150 : f32 to vector<256x8xf32>
    %mul3A_152 = arith.mulf %mul3A_151, %add3A_149 : vector<256x8xf32>
    %mul3A_153 = arith.mulf %mul3A_152, %add3A_149 : vector<256x8xf32>
    %add3A_154 = arith.constant -0.918938517 : f32
    %add3A_155 = vector.broadcast %add3A_154 : f32 to vector<256x8xf32>
    %add3A_156 = arith.addf %mul3A_153, %add3A_155 : vector<256x8xf32>
    %sub3A_157 = arith.constant 1.000000e+00 : f32
    %sub3A_158 = vector.broadcast %sub3A_157 : f32 to vector<256x8xf32>
    %sub3A_159 = arith.subf %sub3A_158, %min3A_142 : vector<256x8xf32>
    %mul3A_160 = arith.mulf %add3A_156, %sub3A_159 : vector<256x8xf32>
    %add3A_161 = arith.constant 5.000000e-01 : f32
    %add3A_162 = vector.broadcast %add3A_161 : f32 to vector<256x8xf32>
    %add3A_163 = arith.addf %min3A_129, %add3A_162 : vector<256x8xf32>
    %mul3A_164 = vector.broadcast %div3A_23 : f32 to vector<256x8xf32>
    %mul3A_165 = arith.mulf %add3A_163, %mul3A_164 : vector<256x8xf32>
    %add3A_166 = vector.broadcast %min3A : f32 to vector<256x8xf32>
    %add3A_167 = arith.addf %add3A_166, %mul3A_165 : vector<256x8xf32>
    %mul3A_168 = arith.constant -5.000000e-01 : f32
    %mul3A_169 = vector.broadcast %mul3A_168 : f32 to vector<256x8xf32>
    %mul3A_170 = arith.mulf %mul3A_169, %add3A_167 : vector<256x8xf32>
    %mul3A_171 = arith.mulf %mul3A_170, %add3A_167 : vector<256x8xf32>
    %add3A_172 = arith.constant -0.918938517 : f32
    %add3A_173 = vector.broadcast %add3A_172 : f32 to vector<256x8xf32>
    %add3A_174 = arith.addf %mul3A_171, %add3A_173 : vector<256x8xf32>
    %mul3A_175 = arith.mulf %add3A_174, %min3A_142 : vector<256x8xf32>
    %add3A_176 = arith.addf %mul3A_160, %mul3A_175 : vector<256x8xf32>
    %mul3A_177 = arith.mulf %dot_general3A_63, %add3A_176 : vector<256x8xf32>
    %reduce_sum3A_178 = vector.shape_cast %mul3A_177 : vector<256x8xf32> to vector<1x256x8xf32>
    %reduce_sum3A_179 = arith.constant dense<0.000000e+00> : vector<1xf32>
    %reduce_sum3A_180 = vector.multi_reduction <add>, %reduce_sum3A_178, %reduce_sum3A_179 [1, 2] : vector<1x256x8xf32> to vector<1xf32>
    %reduce_sum3A_181 = vector.shape_cast %reduce_sum3A_180 : vector<1xf32> to vector<1x1x1xf32>
    %reduce_sum3A_182 = vector.extract %reduce_sum3A_181[0, 0, 0] : f32 from vector<1x1x1xf32>
    %slice3A_183 = vector.extract_strided_slice %reduce_sum3A_29 {offsets = [256, 0], sizes = [256, 128], strides = [1, 1]} : vector<512x128xf32> to vector<256x128xf32>
    %dot_general3A_184 = arith.constant dense<0.000000e+00> : vector<256x8xf32>
    %dot_general3A_185 = tpu.matmul %slice3A_183, %convert_element_type3A_56, %dot_general3A_184 {dimension_numbers = #tpu.dot_dimension_numbers<[1], [0], [0], [1], [0, 0, 1, 1], [], []>, transpose_lhs_hint = false} : vector<256x128xf32>, vector<128x8xf32>, vector<256x8xf32> -> vector<256x8xf32>
    %sub3A_186 = arith.subf %reduce_max3A_22, %reduce_min3A_16 : f32
    %div3A_187 = arith.constant 5.000000e+02 : f32
    %div3A_188 = arith.divf %sub3A_186, %div3A_187 : f32
    %mul3A_189 = arith.constant 2.500000e-01 : f32
    %mul3A_190 = vector.broadcast %mul3A_189 : f32 to vector<256x8xf32>
    %mul3A_191 = arith.mulf %convert_element_type3A_61, %mul3A_190 : vector<256x8xf32>
    %floor3A_192 = math.floor %mul3A_191 : vector<256x8xf32>
    %min3A_193 = arith.constant 4.990000e+02 : f32
    %min3A_194 = vector.broadcast %min3A_193 : f32 to vector<256x8xf32>
    %min3A_195 = arith.minimumf %floor3A_192, %min3A_194 : vector<256x8xf32>
    %add3A_196 = arith.constant 5.000000e-01 : f32
    %add3A_197 = vector.broadcast %add3A_196 : f32 to vector<256x8xf32>
    %add3A_198 = arith.addf %min3A_195, %add3A_197 : vector<256x8xf32>
    %mul3A_199 = vector.broadcast %div3A_188 : f32 to vector<256x8xf32>
    %mul3A_200 = arith.mulf %add3A_198, %mul3A_199 : vector<256x8xf32>
    %add3A_201 = vector.broadcast %reduce_min3A_16 : f32 to vector<256x8xf32>
    %add3A_202 = arith.addf %add3A_201, %mul3A_200 : vector<256x8xf32>
    %mul3A_203 = arith.constant -5.000000e-01 : f32
    %mul3A_204 = vector.broadcast %mul3A_203 : f32 to vector<256x8xf32>
    %mul3A_205 = arith.mulf %mul3A_204, %add3A_202 : vector<256x8xf32>
    %mul3A_206 = arith.mulf %mul3A_205, %add3A_202 : vector<256x8xf32>
    %add3A_207 = arith.constant -0.918938517 : f32
    %add3A_208 = vector.broadcast %add3A_207 : f32 to vector<256x8xf32>
    %add3A_209 = arith.addf %mul3A_206, %add3A_208 : vector<256x8xf32>
    %reduce_sum3A_210 = vector.shape_cast %dot_general3A_185 : vector<256x8xf32> to vector<1x256x8xf32>
    %reduce_sum3A_211 = arith.constant dense<0.000000e+00> : vector<1xf32>
    %reduce_sum3A_212 = vector.multi_reduction <add>, %reduce_sum3A_210, %reduce_sum3A_211 [1, 2] : vector<1x256x8xf32> to vector<1xf32>
    %reduce_sum3A_213 = vector.shape_cast %reduce_sum3A_212 : vector<1xf32> to vector<1x1x1xf32>
    %reduce_sum3A_214 = vector.extract %reduce_sum3A_213[0, 0, 0] : f32 from vector<1x1x1xf32>
    %mul3A_215 = arith.mulf %dot_general3A_185, %add3A_209 : vector<256x8xf32>
    %reduce_sum3A_216 = vector.shape_cast %mul3A_215 : vector<256x8xf32> to vector<1x256x8xf32>
    %reduce_sum3A_217 = arith.constant dense<0.000000e+00> : vector<1xf32>
    %reduce_sum3A_218 = vector.multi_reduction <add>, %reduce_sum3A_216, %reduce_sum3A_217 [1, 2] : vector<1x256x8xf32> to vector<1xf32>
    %reduce_sum3A_219 = vector.shape_cast %reduce_sum3A_218 : vector<1xf32> to vector<1x1x1xf32>
    %reduce_sum3A_220 = vector.extract %reduce_sum3A_219[0, 0, 0] : f32 from vector<1x1x1xf32>
    %div3A_221 = arith.divf %reduce_sum3A_220, %reduce_sum3A_214 : f32
    %sub3A_222 = arith.subf %reduce_max3A_22, %reduce_min3A_16 : f32
    %div3A_223 = arith.constant 2.000000e+03 : f32
    %div3A_224 = arith.divf %sub3A_222, %div3A_223 : f32
    %mul3A_225 = vector.broadcast %div3A_224 : f32 to vector<256x8xf32>
    %mul3A_226 = arith.mulf %convert_element_type3A_61, %mul3A_225 : vector<256x8xf32>
    %add3A_227 = vector.broadcast %reduce_min3A_16 : f32 to vector<256x8xf32>
    %add3A_228 = arith.addf %add3A_227, %mul3A_226 : vector<256x8xf32>
    %add3A_229 = vector.broadcast %div3A_224 : f32 to vector<256x8xf32>
    %add3A_230 = arith.addf %add3A_228, %add3A_229 : vector<256x8xf32>
    %sub3A_231 = vector.broadcast %min3A : f32 to vector<256x8xf32>
    %sub3A_232 = arith.subf %add3A_228, %sub3A_231 : vector<256x8xf32>
    %mul3A_233 = vector.broadcast %div3A_25 : f32 to vector<256x8xf32>
    %mul3A_234 = arith.mulf %sub3A_232, %mul3A_233 : vector<256x8xf32>
    %floor3A_235 = math.floor %mul3A_234 : vector<256x8xf32>
    %jit3A_236 = arith.constant 0.000000e+00 : f32
    %jit3A_237 = arith.constant 4.990000e+02 : f32
    %max3A_238 = vector.broadcast %jit3A_236 : f32 to vector<256x8xf32>
    %max3A_239 = arith.maximumf %max3A_238, %floor3A_235 : vector<256x8xf32>
    %min3A_240 = vector.broadcast %jit3A_237 : f32 to vector<256x8xf32>
    %min3A_241 = arith.minimumf %min3A_240, %max3A_239 : vector<256x8xf32>
    %sub3A_242 = vector.broadcast %min3A : f32 to vector<256x8xf32>
    %sub3A_243 = arith.subf %add3A_230, %sub3A_242 : vector<256x8xf32>
    %mul3A_244 = vector.broadcast %div3A_25 : f32 to vector<256x8xf32>
    %mul3A_245 = arith.mulf %sub3A_243, %mul3A_244 : vector<256x8xf32>
    %floor3A_246 = math.floor %mul3A_245 : vector<256x8xf32>
    %jit3A_247 = arith.constant 0.000000e+00 : f32
    %jit3A_248 = arith.constant 4.990000e+02 : f32
    %max3A_249 = vector.broadcast %jit3A_247 : f32 to vector<256x8xf32>
    %max3A_250 = arith.maximumf %max3A_249, %floor3A_246 : vector<256x8xf32>
    %min3A_251 = vector.broadcast %jit3A_248 : f32 to vector<256x8xf32>
    %min3A_252 = arith.minimumf %min3A_251, %max3A_250 : vector<256x8xf32>
    %mul3A_253 = vector.broadcast %div3A_23 : f32 to vector<256x8xf32>
    %mul3A_254 = arith.mulf %min3A_252, %mul3A_253 : vector<256x8xf32>
    %add3A_255 = vector.broadcast %min3A : f32 to vector<256x8xf32>
    %add3A_256 = arith.addf %add3A_255, %mul3A_254 : vector<256x8xf32>
    %sub3A_257 = arith.subf %add3A_230, %add3A_256 : vector<256x8xf32>
    %div3A_258 = vector.broadcast %div3A_224 : f32 to vector<256x8xf32>
    %div3A_259 = arith.divf %sub3A_257, %div3A_258 : vector<256x8xf32>
    %jit3A_260 = arith.constant 0.000000e+00 : f32
    %jit3A_261 = arith.constant 1.000000e+00 : f32
    %max3A_262 = vector.broadcast %jit3A_260 : f32 to vector<256x8xf32>
    %max3A_263 = arith.maximumf %max3A_262, %div3A_259 : vector<256x8xf32>
    %min3A_264 = vector.broadcast %jit3A_261 : f32 to vector<256x8xf32>
    %min3A_265 = arith.minimumf %min3A_264, %max3A_263 : vector<256x8xf32>
    %add3A_266 = arith.constant 5.000000e-01 : f32
    %add3A_267 = vector.broadcast %add3A_266 : f32 to vector<256x8xf32>
    %add3A_268 = arith.addf %min3A_241, %add3A_267 : vector<256x8xf32>
    %mul3A_269 = vector.broadcast %div3A_23 : f32 to vector<256x8xf32>
    %mul3A_270 = arith.mulf %add3A_268, %mul3A_269 : vector<256x8xf32>
    %add3A_271 = vector.broadcast %min3A : f32 to vector<256x8xf32>
    %add3A_272 = arith.addf %add3A_271, %mul3A_270 : vector<256x8xf32>
    %mul3A_273 = arith.constant -5.000000e-01 : f32
    %mul3A_274 = vector.broadcast %mul3A_273 : f32 to vector<256x8xf32>
    %mul3A_275 = arith.mulf %mul3A_274, %add3A_272 : vector<256x8xf32>
    %mul3A_276 = arith.mulf %mul3A_275, %add3A_272 : vector<256x8xf32>
    %add3A_277 = arith.constant -0.918938517 : f32
    %add3A_278 = vector.broadcast %add3A_277 : f32 to vector<256x8xf32>
    %add3A_279 = arith.addf %mul3A_276, %add3A_278 : vector<256x8xf32>
    %sub3A_280 = arith.constant 1.000000e+00 : f32
    %sub3A_281 = vector.broadcast %sub3A_280 : f32 to vector<256x8xf32>
    %sub3A_282 = arith.subf %sub3A_281, %min3A_265 : vector<256x8xf32>
    %mul3A_283 = arith.mulf %add3A_279, %sub3A_282 : vector<256x8xf32>
    %add3A_284 = arith.constant 5.000000e-01 : f32
    %add3A_285 = vector.broadcast %add3A_284 : f32 to vector<256x8xf32>
    %add3A_286 = arith.addf %min3A_252, %add3A_285 : vector<256x8xf32>
    %mul3A_287 = vector.broadcast %div3A_23 : f32 to vector<256x8xf32>
    %mul3A_288 = arith.mulf %add3A_286, %mul3A_287 : vector<256x8xf32>
    %add3A_289 = vector.broadcast %min3A : f32 to vector<256x8xf32>
    %add3A_290 = arith.addf %add3A_289, %mul3A_288 : vector<256x8xf32>
    %mul3A_291 = arith.constant -5.000000e-01 : f32
    %mul3A_292 = vector.broadcast %mul3A_291 : f32 to vector<256x8xf32>
    %mul3A_293 = arith.mulf %mul3A_292, %add3A_290 : vector<256x8xf32>
    %mul3A_294 = arith.mulf %mul3A_293, %add3A_290 : vector<256x8xf32>
    %add3A_295 = arith.constant -0.918938517 : f32
    %add3A_296 = vector.broadcast %add3A_295 : f32 to vector<256x8xf32>
    %add3A_297 = arith.addf %mul3A_294, %add3A_296 : vector<256x8xf32>
    %mul3A_298 = arith.mulf %add3A_297, %min3A_265 : vector<256x8xf32>
    %add3A_299 = arith.addf %mul3A_283, %mul3A_298 : vector<256x8xf32>
    %mul3A_300 = arith.mulf %dot_general3A_185, %add3A_299 : vector<256x8xf32>
    %reduce_sum3A_301 = vector.shape_cast %mul3A_300 : vector<256x8xf32> to vector<1x256x8xf32>
    %reduce_sum3A_302 = arith.constant dense<0.000000e+00> : vector<1xf32>
    %reduce_sum3A_303 = vector.multi_reduction <add>, %reduce_sum3A_301, %reduce_sum3A_302 [1, 2] : vector<1x256x8xf32> to vector<1xf32>
    %reduce_sum3A_304 = vector.shape_cast %reduce_sum3A_303 : vector<1xf32> to vector<1x1x1xf32>
    %reduce_sum3A_305 = vector.extract %reduce_sum3A_304[0, 0, 0] : f32 from vector<1x1x1xf32>
    %add3A_306 = arith.addf %reduce_sum3A_182, %reduce_sum3A_305 : f32
    %add3A_307 = arith.addf %reduce_sum3A_91, %reduce_sum3A_214 : f32
    %div3A_308 = arith.divf %add3A_306, %add3A_307 : f32
    %sub3A_309 = arith.subf %div3A_308, %div3A_98 : f32
    %sub3A_310 = arith.subf %sub3A_309, %div3A_221 : f32
    %reshape3A_311 = vector.broadcast %sub3A_310 : f32 to vector<1x1xf32>
    %swap3A = arith.constant 0 : index
    %swap3A_312 = arith.constant 0 : index
    %swap3A_313 = vector.load %arg2[%swap3A, %swap3A_312] : memref<1x1xf32, #tpu.memory_space<vmem>>, vector<1x1xf32>
    tpu.vector_store %arg2[%swap3A, %swap3A_312], %reshape3A_311 {strides = array<i32>} : memref<1x1xf32, #tpu.memory_space<vmem>>, vector<1x1xf32>,
    return
  }
}

</mosaic_0001>

<sc_bundles>
// kernel: kernel.5.cloned.1.call-start
scs
__scs_entry_jumppad:
0x0: {  	(pc) =	sbr.rel $0x88, $3  }
0x1: {  	(tag) =	ssettag $0x0;
	lr =	simm.s32 $0x1  }
0x2: {  	[smem:$0x3F9F] =	sst lr;
	_ =	strace $0xD0000000  }
0x3: {  	_ = 	snop  }
0x4: {  	_ = 	snop  }
0x5: {  	_ = 	snop  }
0x6: {  	_ = 	snop  }
0x7: {  	_ = 	snop  }
__scs_overlays_trampoline_lowered:
0x8: {  	[smem:$0x3FAE] =	sst s0  }
0x9: {  	[smem:$0x3FAF] =	sst s1  }
0xa: {  	[smem:$0x3FB0] =	sst s2  }
0xb: {  	[smem:$0x3FB1] =	sst s3  }
0xc: {  	[smem:$0x3FB2] =	sst s4  }
0xd: {  	[smem:$0x3FB3] =	sst s5  }
0xe: {  	[smem:$0x3FB4] =	sst s6  }
0xf: {  	[smem:$0x3FB5] =	sst s7  }
0x10: {  	[smem:$0x3FB6] =	sst s8  }
0x11: {  	[smem:$0x3FB7] =	sst s9;
	s0 =	simm.s32 @!p0 $0x0  }
0x12: {  	s1 =	sld [smem:$0x3F9D];
	s0 =	simm.s32 @p0 $0x1  }
0x13: {  	[smem:$0x3FB8] =	sst s0;
	s0 =	simm.s32 @!p1 $0x0  }
0x14: {  	s2 =	sld [smem:$0x3F9C];
	s0 =	simm.s32 @p1 $0x1  }
0x15: {  	[smem:$0x3FB9] =	sst s0;
	s0 =	simm.s32 @!p2 $0x0  }
0x16: {  	s3 =	sld [smem:$0x3FDB];
	s0 =	simm.s32 @p2 $0x1  }
0x17: {  	s4 =	simm.s32 $0x1BF5;
	[smem:$0x3FBB] =	sst s0  }
0x18: {  	s0 =	sld [smem:$0x3F9E];
	_ =	swait.ge [sflag:s4], $0x0  }
0x19: {  	s7 =	sld [smem:$0x3F9F]  }
0x1a: {  	s8 =	sadd.s32 $0xFFFFE003, lr  }
0x1b: {  	s9 =	sadd.s32 $0xFFFFFEF7, lr;
	s5 =	simm.s32 $0xFFFFFFFF;
	p2 =	slt.u32 s8, $0xFFFFF086  }
0x1c: {  	p1 =	slt.u32 s9, $0xF7A;
	s5 =	simm.s32 @!p2 $0x0  }
0x1d: {  	s5 =	simm.s32 @p1 $0x1;
	p0 =	seq.s32 s7, s2  }
0x1e: {  	s7 =	smul.u32 @!p0 $0xF7A, s2;
	p2 =	seq.s32 @!p0 s5, $0x0  }
0x1f: {  	s9 =	smul.u32 $0xF7A, s1;
	s8 =	simm.s32 @!p0 $0x1BF5;
	p2 =	por !p2, p0  }
0x20: {  	[sflag:s8] =	ssyncset.s32 @!p0 $0xFFFFF086;
	s6 =	sadd.s32 @!p0 s3, s7;
	s7 =	simm.s32 @!p0 $0x108  }
0x21: {  	s3 =	sadd.s32 s3, s9;
	s6 =	sadd.s32 @!p0 $0x88, s6;
	s7 =	simm.s32 @p2 $0x1082  }
0x22: {  	[simem:s7], [sflag:s8] =	dma.local @!p0 [hbm:s6], $0xF7A  }
0x23: {  	s9 =	sor.u32 $0xD0000000, s2;
	s6 =	simm.s32 $0x108;
	_ =	swait.ge @!p0 [sflag:s8], $0x0  }
0x24: {  	s3 =	sadd.s32 $0x88, s3;
	s6 =	simm.s32 @!p1 $0x1082;
	[sflag:s4] =	ssyncset.s32 $0xFFFFF086  }
0x25: {  	[simem:s6], [sflag:s4] =	dma.local [hbm:s3], $0xF7A  }
0x26: {  	[smem:$0x3F9F] =	sst s1;
	(tag) =	ssettag s2;
	_ =	strace s9  }
0x27: {  	s1 =	sld [smem:$0x3FAF]  }
0x28: {  	s2 =	sld [smem:$0x3FB0]  }
0x29: {  	s4 =	sld [smem:$0x3FB2]  }
0x2a: {  	p0 =	seq.s32 s5, $0x0;
	s5 =	sld [smem:$0x3FB3]  }
0x2b: {  	s6 =	sld [smem:$0x3FB4]  }
0x2c: {  	s7 =	sld [smem:$0x3FB5]  }
0x2d: {  	s3 =	simm.s32 $0x108;
	s8 =	sld [smem:$0x3FB6]  }
0x2e: {  	s3 =	simm.s32 @!p0 $0x1082;
	s9 =	sld [smem:$0x3FB7]  }
0x2f: {  	lr =	sadd.s32 s0, s3;
	s0 =	sld [smem:$0x3FAE]  }
0x30: {  	s3 =	sld [smem:$0x3FB1]  }
0x31: {  	[smem:$0x3FBA] =	sst s10  }
0x32: {  	s10 =	sld [smem:$0x3FB8];
	_ =	sdelay $0x3  }
0x33: {  	p0 =	seq.s32 s10, $0x1;
	s10 =	sld [smem:$0x3FBA];
	_ =	sdelay $0x3  }
0x34: {  	[smem:$0x3FBA] =	sst s10  }
0x35: {  	s10 =	sld [smem:$0x3FB9];
	_ =	sdelay $0x3  }
0x36: {  	p1 =	seq.s32 s10, $0x1;
	s10 =	sld [smem:$0x3FBA];
	_ =	sdelay $0x3  }
0x37: {  	[smem:$0x3FBA] =	sst s10  }
0x38: {  	s10 =	sld [smem:$0x3FBB]  }
0x39: {  	_ = 	snop;
	(pc) =	sbr.ind lr, $3  }
0x3a: {  	_ = 	snop  }
0x3b: {  	_ = 	snop  }
0x3c: {  	p2 =	seq.s32 s10, $0x1;
	s10 =	sld [smem:$0x3FBA]  }
0x3d: {  	_ =	shalt  }
0x3e: {  	_ =	shalt  }
0x3f: {  	_ =	shalt  }
0x40: {  	_ =	shalt  }
0x41: {  	_ =	shalt  }
0x42: {  	_ =	shalt  }
0x43: {  	_ =	shalt  }
0x44: {  	_ =	shalt  }
0x45: {  	_ =	shalt  }
0x46: {  	_ =	shalt  }
0x47: {  	_ =	shalt  }
0x48: {  	_ =	shalt  }
0x49: {  	_ =	shalt  }
0x4a: {  	_ =	shalt  }
0x4b: {  	_ =	shalt  }
0x4c: {  	_ =	shalt  }
0x4d: {  	_ =	shalt  }
0x4e: {  	_ =	shalt  }
0x4f: {  	_ =	shalt  }
0x50: {  	_ =	shalt  }
0x51: {  	_ =	shalt  }
0x52: {  	_ =	shalt  }
0x53: {  	_ =	shalt  }
0x54: {  	_ =	shalt  }
0x55: {  	_ =	shalt  }
0x56: {  	_ =	shalt  }
0x57: {  	_ =	shalt  }
0x58: {  	_ =	shalt  }
0x59: {  	_ =	shalt  }
0x5a: {  	_ =	shalt  }
0x5b: {  	_ =	shalt  }
0x5c: {  	_ =	shalt  }
0x5d: {  	_ =	shalt  }
0x5e: {  	_ =	shalt  }
0x5f: {  	_ =	shalt  }
0x60: {  	_ =	shalt  }
0x61: {  	_ =	shalt  }
0x62: {  	_ =	shalt  }
0x63: {  	_ =	shalt  }
0x64: {  	_ =	shalt  }
0x65: {  	_ =	shalt  }
0x66: {  	_ =	shalt  }
0x67: {  	_ =	shalt  }
0x68: {  	_ =	shalt  }
0x69: {  	_ =	shalt  }
0x6a: {  	_ =	shalt  }
0x6b: {  	_ =	shalt  }
0x6c: {  	_ =	shalt  }
0x6d: {  	_ =	shalt  }
0x6e: {  	_ =	shalt  }
0x6f: {  	_ =	shalt  }
0x70: {  	_ =	shalt  }
0x71: {  	_ =	shalt  }
0x72: {  	_ =	shalt  }
0x73: {  	_ =	shalt  }
0x74: {  	_ =	shalt  }
0x75: {  	_ =	shalt  }
0x76: {  	_ =	shalt  }
0x77: {  	_ =	shalt  }
0x78: {  	_ =	shalt  }
0x79: {  	_ =	shalt  }
0x7a: {  	_ =	shalt  }
0x7b: {  	_ =	shalt  }
0x7c: {  	_ =	shalt  }
0x7d: {  	_ =	shalt  }
0x7e: {  	_ =	shalt  }
0x7f: {  	_ =	shalt  }
0x80: {  	_ =	shalt  }
0x81: {  	_ =	shalt  }
0x82: {  	_ =	shalt  }
0x83: {  	_ =	shalt  }
0x84: {  	_ =	shalt  }
0x85: {  	_ =	shalt  }
0x86: {  	_ =	shalt  }
0x87: {  	_ =	shalt  }
.Lfunc_end0:
.L_simem_size_0:
called_computation_lowered:
.L_overlay_start_0:
0x88: {  	s2 =	sld [smem:$0x3FD9]  }
0x89: {  	s3 =	sld [smem:$0x3FFE];
	_ =	sdelay $0x1  }
0x8a: {  	s1 =	srdreg.scid  }
0x8b: {  	s0 =	sand.u32 $0x1, s1  }
0x8c: {  	s17 =	sshll.u32 s0, $0xA;
	s2 =	sadd.s32 s3, s2  }
0x8d: {  	s2 =	sadd.s32 s2, s17  }
0x8e: {  	[smem:$0x3FC6] =	sst s2  }
0x8f: {  	_ = 	snop  }
0x90: {  	s2 =	sld [smem:$0x3FC9]  }
0x91: {  	s18 =	sld [smem:$0x3FC8];
	(tm) =	ssettm $0x1  }
0x92: {  	s4 =	sld [smem:$0x3FFB];
	_ =	sdelay $0x3  }
0x93: {  	_ =	strace s4  }
0x94: {  	s4 =	sld [smem:$0x3FFC];
	_ =	sdelay $0x3  }
0x95: {  	_ =	strace s4  }
0x96: {  	s4 =	sld [smem:$0x3FFD];
	_ =	sdelay $0x3  }
0x97: {  	_ =	strace s4  }
0x98: {  	_ =	strace $0x8FFFFFFF  }
0x99: {  	s19 =	sld [smem:$0x3FDB];
	_ =	sdelay $0x1  }
0x9a: {  	s5 =	simm.s32 $_scs_section_size  }
0x9b: {  	s6 =	simm.s32 $_size__tile_overlayer_lowered;
	s7 =	simm.s32 $_tile_overlayer_lowered  }
0x9c: {  	s22 =	simm.s32 $0x1BFF;
	s21 =	sshll.u32 s7, $0x1;
	s4 =	sadd.s32 s5, s19  }
0x9d: {  	s8 =	simm.s32 $0x0;
	s20 =	sshll.u32 s6, $0x1;
	s6 =	sadd.s32 s21, s4  }
0x9e: {  	[timem:s8], [sflag:s22] =	dma.local [hbm:s6], s20  }
0x9f: {  	_ =	swait.ge [sflag:s22], s20  }
0xa0: {  	s5 =	ssub.s32 $0x0, s20;
	[sflag:s22] =	ssyncset.done $0x0  }
0xa1: {  	[sflag:s22] =	ssyncadd.s32 s5;
	_ =	sdelay $0x1  }
0xa2: {  	s23 =	simm.s32 $0x1B8B  }
0xa3: {  	_ =	swait.ge [sflag:s23], $0x1  }
0xa4: {  	[sflag:s23] =	ssyncset.done $0x0  }
0xa5: {  	s25 =	simm.s32 $0x1B8E;
	s24 =	sld [smem:$0x3FFE];
	[sflag:s23] =	ssyncadd.s32 $0xFFFFFFFF  }
0xa6: {  	s26 =	simm.s32 $execute0_lowered;
	[smem:$0x3FD2] =	sst s25  }
0xa7: {  	s6 =	sshll.u32 s26, $0x1;
	_ =	strace $0x80000046;
	[dreg:$0x1] =	wrdreg $0xFFFFFFFF  }
0xa8: {  	s28 =	simm.s32 $_size_execute0_lowered;
	s4 =	sadd.s32 s4, s6;
	[dreg:$0x0] =	wrdreg $0x0  }
0xa9: {  	s6 =	sshll.u32 s28, $0x1;
	[dreg:$0x2] =	wrdreg s4  }
0xaa: {  	[dreg:$0x3] =	wrdreg s6  }
0xab: {  	[dreg:$0x4] =	wrdreg $0xC0  }
0xac: {  	_ =	task [dreg:s8], $0x5FFFF  }
0xad: {  	[dreg:$0x1] =	wrdreg $0xFFFFFFFF  }
0xae: {  	[dreg:$0x0] =	wrdreg $0x60  }
0xaf: {  	[dreg:$0x2] =	wrdreg s2  }
0xb0: {  	[dreg:$0x3] =	wrdreg s18  }
0xb1: {  	[dreg:$0x4] =	wrdreg s24  }
0xb2: {  	[dreg:$0x5] =	wrdreg $0x9  }
0xb3: {  	_ =	task.clear_ibuf [dreg:s8], $0x6FFFF;
	_ =	strace $0x90000046  }
0xb4: {  	s29 =	simm.s32 $0x9;
	_ =	strace $0x80000048  }
0xb5: {  	_ =	swait.ge [sflag:s29], $0x1  }
0xb6: {  	[sflag:s29] =	ssyncadd.s32 $0xFFFFFFFF  }
0xb7: {  	_ =	strace $0x90000048  }
0xb8: {  	_ =	sfence  }
0xb9: {  	s30 =	sld [smem:$0x0];
	_ =	sdelay $0x2  }
0xba: {  	s31 =	sshll.u32 s1, $0xD;
	s1 =	sshrl.u32 s1, $0x2  }
0xbb: {  	s3 =	sand.u32 $0x4000, s31;
	s1 =	sadd.s32 s1, s30  }
0xbc: {  	s0 =	sor.u32 s3, s0;
	s1 =	sshll.u32 s1, $0x11  }
0xbd: {  	s0 =	sor.u32 s1, s0  }
0xbe: {  	s0 =	sadd.s32 $0x8F2B, s0  }
0xbf: {  	[sflag:s0] =	ssyncadd.remote.s32 $0x1  }
0xc0: {  	_ =	sfence.sel $0xFFFF  }
0xc1: {  	[dreg:$0x0] =	wrdreg $0xFFFFFFFF;
	(pc) =	sbr.abs _section_cstart, $3  }
0xc2: {  	[dreg:$0x1] =	wrdreg $0xFFFFFFFF  }
0xc3: {  	_ =	task.clear_ibuf [dreg:s8], $0x2FFFF;
	_ =	strace $0x9FFFFFFF  }
0xc4: {  	(tm) =	ssettm $0x7FFFFFFF  }
0xc5: {  	_ =	shalt  }
tec
execute0_lowered:
.L_overlay_start_1:
0x0: {  	(tag) =	ssettag $0x1  }
0x1: {  	s1 =	rddreg [dreg:$0x0]  }
0x2: {  	s2 =	rddreg [dreg:$0x1]  }
0x3: {  	s5 =	rddreg [dreg:$0x2]  }
0x4: {  	s0 =	rddreg [dreg:$0x3];
	s4 =	simm.s32 $0x0  }
0x5: {  	s6 =	srdreg.scid;
	s3 =	stileid.u32;
	s14 =	simm.s32 $0x1  }
0x6: {  	s15 =	simm.s32 $0x2;
	s16 =	simm.s32 $0x10000;
	s17 =	simm.s32 $0x3  }
0x7: {  	s18 =	simm.s32 $0x0;
	s6 =	sand.u32 $0x1, s6;
	s7 =	sshll.u32 s3, $0x1  }
0x8: {  	[smem:$0x7FF] =	sst s4;
	s7 =	sor.u32 s6, s7;
	s6 =	ssub.s32 $0x2, s6  }
0x9: {  	_ =	strace $0x80000047;
	s8 =	sshll.u32 s7, $0x3;
	s9 =	sshrl.u32 s6, $0x1  }
.Ltmp0:
0xa: {  	s10 =	sshll.u32 s7, $0x10;
	s31 =	sshll.u32 s7, $0x13;
	(pc) =	sbr.rel .LBB2_1-.Ltmp0, $4  }
0xb: {  	s11 =	sadd.s32 s8, s5;
	s12 =	ssub.s32 s6, s9;
	s13 =	sor.u32 $0x1000, s10  }
0xc: {  	s5 =	sadd.s32 s1, s10;
	s7 =	sor.u32 $0x10000, s31;
	s8 =	sor.u32 $0x18000, s31  }
0xd: {  	s9 =	sadd.s32 s2, s10;
	s6 =	sadd.s32 s1, s13;
	s10 =	sadd.s32 s2, s13  }
0xe: {  	s11 =	sadd.s32 $0xC00, s11;
	s12 =	smax.u32 s12, $0x1;
	s13 =	simm.s32 $0x8000  }
.LBB2_15:
0xf: {  	v14 =	vmin.f32 v15, v14  }
0x10: {  	v53 =	vmax.f32 v13, v12;
	v54 =	vmin.f32 v35, v30;
	v56 =	vmax.f32 v29, v31  }
0x11: {  	v9 =	vmin.f32 v14, v9;
	v4 =	vmax.f32 v53, v4;
	v55 =	vmin.f32 v54, v25  }
0x12: {  	v58 =	vmax.f32 v56, v22;
	v8 =	vmin.f32 v9, v8;
	v3 =	vmax.f32 v4, v3  }
0x13: {  	v57 =	vmin.f32 v55, v24;
	v60 =	vmax.f32 v58, v20;
	v7 =	vmin.f32 v8, v7  }
0x14: {  	v2 =	vmax.f32 v3, v2;
	v59 =	vmin.f32 v57, v23;
	v6 =	vmin.f32 v7, v6  }
0x15: {  	v62 =	vmax.f32 v60, v18;
	v1 =	vmax.f32 v2, v1;
	v5 =	vmin.f32 v6, v5  }
0x16: {  	v61 =	vmin.f32 v59, v21;
	v0 =	vmax.f32 v1, v0;
	v5 =	vmin.f32 v5, v11  }
0x17: {  	v2 =	vmax.f32 v62, v17;
	v1 =	vmin.f32 v61, v19;
	v0 =	vmax.f32 v0, v10;
	[tilespmem:$0x10000] =	vst v5  }
0x18: {  	s18 =	sadd.s32 $0x1, s18;
	v2 =	vmax.f32 v2, v16;
	v1 =	vmin.f32 v1, v27;
	[tilespmem:$0x10010] =	vst v0  }
0x19: {  	p0 =	sne.s32 s18, s12;
	v63 =	vmax.f32 v2, v26;
	[tilespmem:$0x10020] =	vst v1  }
.Ltmp1:
0x1a: {  	[tilespmem:$0x10030] =	vst v63;
	(pc) =	sbr.rel @!p0 .LBB2_16-.Ltmp1, $4  }
0x1b: {  	[hbm4b:s11+s4] =	stream.linear.scatter [tilespmem:s16], [sflag:$0x3], $0x40, $0x38;
	[tilespmem:$0x10080] =	vst v63  }
0x1c: {  	_ =	swait.ge [sflag:s17], $0x40  }
0x1d: {  	[sflag:s17] =	ssyncset.done $0x0  }
0x1e: {  	[sflag:s17] =	ssyncadd.s32 $0xFFFFFFC0  }
.LBB2_1:
0x1f: {  	v11 =	vimm.f32 $+Inf  }
0x20: {  	v10 =	vimm.f32 $-Inf;
	v0 =	vimm.f32 $-Inf;
	v1 =	vimm.f32 $-Inf  }
0x21: {  	v2 =	vimm.f32 $-Inf;
	v3 =	vimm.f32 $-Inf;
	v4 =	vimm.f32 $-Inf  }
0x22: {  	[tilespmem:s4], [sflag:$0x1] =	stream.linear.gather [hbm4b:s5+s4], $0x8000, $0x38;
	v12 =	vimm.f32 $-Inf;
	v13 =	vimm.f32 $-Inf;
	v5 =	vimm.f32 $+Inf;
	[tilespmem:$0x10080] =	vst v63  }
0x23: {  	v6 =	vimm.f32 $+Inf;
	v7 =	vimm.f32 $+Inf;
	v8 =	vimm.f32 $+Inf;
	s19 =	simm.s32 $0x0  }
0x24: {  	v9 =	vimm.f32 $+Inf;
	v14 =	vimm.f32 $+Inf;
	v15 =	vimm.f32 $+Inf;
	[tilespmem:s13], [sflag:$0x2] =	stream.linear.gather [hbm4b:s6+s4], $0x8000, $0x38;
	[tilespmem:$0x10080] =	vst v63  }
.LBB2_2:
0x25: {  	_ =	swait.ge [sflag:s14], $0x8000  }
0x26: {  	[sflag:s14] =	ssyncset.done $0x0  }
0x27: {  	s22 =	simm.s32 $0x0;
	[sflag:s14] =	ssyncadd.s32 $0xFFFF8000  }
0x28: {  	v20 =	vld [tilespmem:s22+$0x70]  }
0x29: {  	v21 =	vld [tilespmem:s22+$0x0]  }
0x2a: {  	v22 =	vld [tilespmem:s22+$0x10]  }
0x2b: {  	v19 =	vld [tilespmem:s22+$0x20]  }
0x2c: {  	v18 =	vld [tilespmem:s22+$0x30]  }
0x2d: {  	v17 =	vld [tilespmem:s22+$0x40]  }
0x2e: {  	v16 =	vmin.f32 v11, v20;
	v10 =	vmax.f32 v10, v20;
	v11 =	vmin.f32 v15, v21;
	v15 =	vld [tilespmem:s22+$0x50]  }
0x2f: {  	s21 =	simm.s32 $0x80;
	s20 =	simm.s32 $0x400;
	v13 =	vmax.f32 v13, v21;
	v14 =	vmin.f32 v14, v22;
	v12 =	vmax.f32 v12, v22;
	v20 =	vld [tilespmem:s22+$0x60]  }
.LBB2_3:
0x30: {  	p0 =	sne.s32 s20, $0x1FE00;
	v21 =	vld [tilespmem:s21+$0x70];
	v9 =	vmin.f32 v9, v19;
	v4 =	vmax.f32 v4, v19  }
0x31: {  	v22 =	vld [tilespmem:s21+$0x0];
	v8 =	vmin.f32 v8, v18;
	v3 =	vmax.f32 v3, v18  }
0x32: {  	v23 =	vld [tilespmem:s21+$0x10];
	v7 =	vmin.f32 v7, v17;
	v2 =	vmax.f32 v2, v17  }
.Ltmp2:
0x33: {  	v19 =	vld [tilespmem:s21+$0x20];
	v6 =	vmin.f32 v6, v15;
	v1 =	vmax.f32 v1, v15;
	(pc) =	sbr.rel @p0 .LBB2_3-.Ltmp2, $4  }
0x34: {  	v18 =	vld [tilespmem:s21+$0x30];
	v5 =	vmin.f32 v5, v20;
	v0 =	vmax.f32 v0, v20  }
0x35: {  	v17 =	vld [tilespmem:s21+$0x40];
	v16 =	vmin.f32 v16, v21;
	v10 =	vmax.f32 v10, v21  }
0x36: {  	v11 =	vmin.f32 v11, v22;
	v13 =	vmax.f32 v13, v22;
	v15 =	vld [tilespmem:s21+$0x50]  }
0x37: {  	v14 =	vmin.f32 v14, v23;
	v12 =	vmax.f32 v12, v23;
	v20 =	vld [tilespmem:s21+$0x60];
	s21 =	sshra.s32 s20, $0x2;
	s20 =	sadd.s32 $0x200, s20  }
0x38: {  	v21 =	vld [tilespmem:s21+$0x70]  }
0x39: {  	v22 =	vld [tilespmem:s21+$0x0]  }
0x3a: {  	v23 =	vld [tilespmem:s21+$0x10]  }
0x3b: {  	v24 =	vld [tilespmem:s21+$0x20]  }
0x3c: {  	v25 =	vld [tilespmem:s21+$0x30];
	s20 =	sshll.u32 s19, $0x10;
	p0 =	seq.s32 s19, $0x7  }
0x3d: {  	v26 =	vld [tilespmem:s21+$0x40];
	s22 =	sadd.s32 @!p0 s20, s7  }
0x3e: {  	v27 =	vld [tilespmem:s21+$0x50];
	s22 =	sshrl.u32 @!p0 s22, $0x3  }
0x3f: {  	v28 =	vld [tilespmem:s21+$0x60];
	s21 =	sadd.s32 @!p0 s1, s22;
	s22 =	simm.s32 @!p0 $0x0  }
0x40: {  	[tilespmem:s22], [sflag:$0x1] =	stream.linear.gather @!p0 [hbm4b:s21+s22], $0x8000, $0x38;
	[tilespmem:$0x10080] =	vst v63  }
0x41: {  	v9 =	vmin.f32 v9, v19;
	v4 =	vmax.f32 v4, v19;
	_ =	swait.ge [sflag:s15], $0x8000  }
0x42: {  	v8 =	vmin.f32 v8, v18;
	v3 =	vmax.f32 v3, v18;
	v7 =	vmin.f32 v7, v17;
	[sflag:s15] =	ssyncset.done $0x0  }
0x43: {  	s23 =	simm.s32 $0x0;
	v17 =	vmax.f32 v2, v17;
	v6 =	vmin.f32 v6, v15;
	v18 =	vmax.f32 v1, v15;
	[sflag:s15] =	ssyncadd.s32 $0xFFFF8000  }
0x44: {  	v5 =	vmin.f32 v5, v20;
	v19 =	vmax.f32 v0, v20;
	v16 =	vmin.f32 v16, v21;
	v20 =	vld [tilespmem:s23+$0x8070]  }
0x45: {  	v21 =	vmax.f32 v10, v21;
	v29 =	vmin.f32 v11, v22;
	v13 =	vmax.f32 v13, v22;
	v22 =	vld [tilespmem:s23+$0x8000]  }
0x46: {  	v14 =	vmin.f32 v14, v23;
	v23 =	vmax.f32 v12, v23;
	v0 =	vmin.f32 v9, v24;
	v30 =	vld [tilespmem:s23+$0x8010]  }
0x47: {  	v9 =	vmax.f32 v4, v24;
	v1 =	vmin.f32 v8, v25;
	v2 =	vmax.f32 v3, v25;
	v15 =	vld [tilespmem:s23+$0x8020]  }
0x48: {  	v10 =	vmin.f32 v7, v26;
	v3 =	vmax.f32 v17, v26;
	v4 =	vmin.f32 v6, v27;
	v17 =	vld [tilespmem:s23+$0x8030]  }
0x49: {  	v11 =	vmax.f32 v18, v27;
	v5 =	vmin.f32 v5, v28;
	v6 =	vmax.f32 v19, v28;
	v18 =	vld [tilespmem:s23+$0x8040]  }
0x4a: {  	v19 =	vld [tilespmem:s23+$0x8050];
	v12 =	vmin.f32 v16, v20;
	v7 =	vmax.f32 v21, v20;
	v8 =	vmin.f32 v29, v22  }
0x4b: {  	s21 =	simm.s32 $0x80;
	s22 =	simm.s32 $0x400;
	v13 =	vmax.f32 v13, v22;
	v14 =	vmin.f32 v14, v30;
	v16 =	vmax.f32 v23, v30;
	v20 =	vld [tilespmem:s23+$0x8060]  }
.LBB2_5:
0x4c: {  	p1 =	sne.s32 s22, $0x1FE00;
	v21 =	vld [tilespmem:s21+$0x8070];
	v0 =	vmin.f32 v0, v15;
	v9 =	vmax.f32 v9, v15  }
0x4d: {  	v22 =	vld [tilespmem:s21+$0x8000];
	v1 =	vmin.f32 v1, v17;
	v2 =	vmax.f32 v2, v17  }
0x4e: {  	v23 =	vld [tilespmem:s21+$0x8010];
	v10 =	vmin.f32 v10, v18;
	v3 =	vmax.f32 v3, v18  }
.Ltmp3:
0x4f: {  	v15 =	vld [tilespmem:s21+$0x8020];
	v4 =	vmin.f32 v4, v19;
	v11 =	vmax.f32 v11, v19;
	(pc) =	sbr.rel @p1 .LBB2_5-.Ltmp3, $4  }
0x50: {  	v17 =	vld [tilespmem:s21+$0x8030];
	v5 =	vmin.f32 v5, v20;
	v6 =	vmax.f32 v6, v20  }
0x51: {  	v18 =	vld [tilespmem:s21+$0x8040];
	v12 =	vmin.f32 v12, v21;
	v7 =	vmax.f32 v7, v21  }
0x52: {  	v8 =	vmin.f32 v8, v22;
	v13 =	vmax.f32 v13, v22;
	v19 =	vld [tilespmem:s21+$0x8050]  }
0x53: {  	v14 =	vmin.f32 v14, v23;
	v16 =	vmax.f32 v16, v23;
	v20 =	vld [tilespmem:s21+$0x8060];
	s21 =	sshra.s32 s22, $0x2;
	s22 =	sadd.s32 $0x200, s22  }
0x54: {  	v21 =	vld [tilespmem:s21+$0x8070]  }
0x55: {  	v22 =	vld [tilespmem:s21+$0x8000]  }
0x56: {  	v23 =	vld [tilespmem:s21+$0x8010]  }
0x57: {  	v24 =	vld [tilespmem:s21+$0x8020]  }
0x58: {  	v0 =	vmin.f32 v0, v15;
	v25 =	vmax.f32 v9, v15;
	v26 =	vld [tilespmem:s21+$0x8030]  }
0x59: {  	v27 =	vld [tilespmem:s21+$0x8040];
	v1 =	vmin.f32 v1, v17;
	v2 =	vmax.f32 v2, v17;
	v17 =	vmin.f32 v10, v18  }
0x5a: {  	v29 =	vld [tilespmem:s21+$0x8050];
	v61 =	vmax.f32 v3, v18;
	v28 =	vmin.f32 v4, v19;
	v62 =	vmax.f32 v11, v19  }
0x5b: {  	v30 =	vld [tilespmem:s21+$0x8060];
	v5 =	vmin.f32 v5, v20;
	v63 =	vmax.f32 v6, v20;
	v11 =	vmin.f32 v12, v21  }
.Ltmp4:
0x5c: {  	v10 =	vmax.f32 v7, v21;
	v15 =	vmin.f32 v8, v22;
	v13 =	vmax.f32 v13, v22;
	(pc) =	sbr.rel @p0 .LBB2_8-.Ltmp4, $4  }
0x5d: {  	v14 =	vmin.f32 v14, v23;
	v12 =	vmax.f32 v16, v23;
	v9 =	vmin.f32 v0, v24  }
0x5e: {  	v4 =	vmax.f32 v25, v24;
	v8 =	vmin.f32 v1, v26;
	v3 =	vmax.f32 v2, v26  }
0x5f: {  	v7 =	vmin.f32 v17, v27;
	v2 =	vmax.f32 v61, v27;
	v6 =	vmin.f32 v28, v29  }
0x60: {  	v1 =	vmax.f32 v62, v29;
	v5 =	vmin.f32 v5, v30;
	v0 =	vmax.f32 v63, v30  }
.Ltmp5:
0x61: {  	(pc) =	sbr.rel .LBB2_2-.Ltmp5, $4  }
0x62: {  	s20 =	sadd.s32 s20, s8  }
0x63: {  	s20 =	sshrl.u32 s20, $0x3  }
0x64: {  	s19 =	sadd.s32 $0x1, s19;
	s20 =	sadd.s32 s1, s20  }
0x65: {  	[tilespmem:s13], [sflag:$0x2] =	stream.linear.gather [hbm4b:s20+s4], $0x8000, $0x38;
	[tilespmem:$0x10080] =	vst v63  }
.LBB2_8:
0x66: {  	v27 =	vimm.f32 $+Inf  }
0x67: {  	v26 =	vimm.f32 $-Inf;
	v16 =	vimm.f32 $-Inf;
	v17 =	vimm.f32 $-Inf  }
0x68: {  	s19 =	simm.s32 $0x0;
	v18 =	vimm.f32 $-Inf;
	v20 =	vimm.f32 $-Inf;
	v22 =	vimm.f32 $-Inf  }
0x69: {  	v31 =	vimm.f32 $-Inf;
	v29 =	vimm.f32 $-Inf;
	v19 =	vimm.f32 $+Inf;
	[tilespmem:s19], [sflag:$0x1] =	stream.linear.gather [hbm4b:s9+s19], $0x8000, $0x38;
	[tilespmem:$0x10080] =	vst v63  }
0x6a: {  	v21 =	vimm.f32 $+Inf;
	v23 =	vimm.f32 $+Inf;
	v24 =	vimm.f32 $+Inf  }
0x6b: {  	v25 =	vimm.f32 $+Inf;
	v30 =	vimm.f32 $+Inf;
	v35 =	vimm.f32 $+Inf;
	[tilespmem:s13], [sflag:$0x2] =	stream.linear.gather [hbm4b:s10+s19], $0x8000, $0x38;
	[tilespmem:$0x10080] =	vst v63  }
.LBB2_9:
0x6c: {  	_ =	swait.ge [sflag:s14], $0x8000  }
0x6d: {  	[sflag:s14] =	ssyncset.done $0x0  }
0x6e: {  	s22 =	simm.s32 $0x0;
	[sflag:s14] =	ssyncadd.s32 $0xFFFF8000  }
0x6f: {  	v36 =	vld [tilespmem:s22+$0x70]  }
0x70: {  	v37 =	vld [tilespmem:s22+$0x0]  }
0x71: {  	v38 =	vld [tilespmem:s22+$0x10]  }
0x72: {  	v34 =	vld [tilespmem:s22+$0x20]  }
0x73: {  	v33 =	vld [tilespmem:s22+$0x30]  }
0x74: {  	v32 =	vld [tilespmem:s22+$0x40]  }
0x75: {  	v28 =	vmin.f32 v27, v36;
	v26 =	vmax.f32 v26, v36;
	v27 =	vmin.f32 v35, v37;
	v35 =	vld [tilespmem:s22+$0x50]  }
0x76: {  	s21 =	simm.s32 $0x80;
	s20 =	simm.s32 $0x400;
	v29 =	vmax.f32 v29, v37;
	v30 =	vmin.f32 v30, v38;
	v31 =	vmax.f32 v31, v38;
	v36 =	vld [tilespmem:s22+$0x60]  }
.LBB2_10:
0x77: {  	p0 =	sne.s32 s20, $0x1FE00;
	v37 =	vld [tilespmem:s21+$0x70];
	v25 =	vmin.f32 v25, v34;
	v22 =	vmax.f32 v22, v34  }
0x78: {  	v38 =	vld [tilespmem:s21+$0x0];
	v24 =	vmin.f32 v24, v33;
	v20 =	vmax.f32 v20, v33  }
0x79: {  	v39 =	vld [tilespmem:s21+$0x10];
	v23 =	vmin.f32 v23, v32;
	v18 =	vmax.f32 v18, v32  }
.Ltmp6:
0x7a: {  	v34 =	vld [tilespmem:s21+$0x20];
	v21 =	vmin.f32 v21, v35;
	v17 =	vmax.f32 v17, v35;
	(pc) =	sbr.rel @p0 .LBB2_10-.Ltmp6, $4  }
0x7b: {  	v33 =	vld [tilespmem:s21+$0x30];
	v19 =	vmin.f32 v19, v36;
	v16 =	vmax.f32 v16, v36  }
0x7c: {  	v32 =	vld [tilespmem:s21+$0x40];
	v28 =	vmin.f32 v28, v37;
	v26 =	vmax.f32 v26, v37  }
0x7d: {  	v27 =	vmin.f32 v27, v38;
	v29 =	vmax.f32 v29, v38;
	v35 =	vld [tilespmem:s21+$0x50]  }
0x7e: {  	v30 =	vmin.f32 v30, v39;
	v31 =	vmax.f32 v31, v39;
	v36 =	vld [tilespmem:s21+$0x60];
	s21 =	sshra.s32 s20, $0x2;
	s20 =	sadd.s32 $0x200, s20  }
0x7f: {  	v37 =	vld [tilespmem:s21+$0x70]  }
0x80: {  	v38 =	vld [tilespmem:s21+$0x0]  }
0x81: {  	v39 =	vld [tilespmem:s21+$0x10]  }
0x82: {  	v40 =	vld [tilespmem:s21+$0x20]  }
0x83: {  	v41 =	vld [tilespmem:s21+$0x30];
	s20 =	sshll.u32 s19, $0x10;
	p0 =	seq.s32 s19, $0x7  }
0x84: {  	v42 =	vld [tilespmem:s21+$0x40];
	s22 =	sadd.s32 @!p0 s20, s7  }
0x85: {  	v43 =	vld [tilespmem:s21+$0x50];
	s22 =	sshrl.u32 @!p0 s22, $0x3  }
0x86: {  	v44 =	vld [tilespmem:s21+$0x60];
	s21 =	sadd.s32 @!p0 s2, s22;
	s22 =	simm.s32 @!p0 $0x0  }
0x87: {  	[tilespmem:s22], [sflag:$0x1] =	stream.linear.gather @!p0 [hbm4b:s21+s22], $0x8000, $0x38;
	[tilespmem:$0x10080] =	vst v63  }
0x88: {  	v25 =	vmin.f32 v25, v34;
	v22 =	vmax.f32 v22, v34;
	_ =	swait.ge [sflag:s15], $0x8000  }
0x89: {  	v24 =	vmin.f32 v24, v33;
	v20 =	vmax.f32 v20, v33;
	v23 =	vmin.f32 v23, v32;
	[sflag:s15] =	ssyncset.done $0x0  }
0x8a: {  	s23 =	simm.s32 $0x0;
	v58 =	vmax.f32 v18, v32;
	v21 =	vmin.f32 v21, v35;
	v59 =	vmax.f32 v17, v35;
	[sflag:s15] =	ssyncadd.s32 $0xFFFF8000  }
0x8b: {  	v60 =	vmin.f32 v19, v36;
	v61 =	vmax.f32 v16, v36;
	v28 =	vmin.f32 v28, v37;
	v45 =	vld [tilespmem:s23+$0x8070]  }
0x8c: {  	v37 =	vmax.f32 v26, v37;
	v46 =	vmin.f32 v27, v38;
	v29 =	vmax.f32 v29, v38;
	v62 =	vld [tilespmem:s23+$0x8000]  }
0x8d: {  	v30 =	vmin.f32 v30, v39;
	v31 =	vmax.f32 v31, v39;
	v16 =	vmin.f32 v25, v40;
	v63 =	vld [tilespmem:s23+$0x8010]  }
0x8e: {  	v25 =	vmax.f32 v22, v40;
	v17 =	vmin.f32 v24, v41;
	v18 =	vmax.f32 v20, v41;
	v32 =	vld [tilespmem:s23+$0x8020]  }
0x8f: {  	v26 =	vmin.f32 v23, v42;
	v19 =	vmax.f32 v58, v42;
	v20 =	vmin.f32 v21, v43;
	v33 =	vld [tilespmem:s23+$0x8030]  }
0x90: {  	v27 =	vmax.f32 v59, v43;
	v21 =	vmin.f32 v60, v44;
	v22 =	vmax.f32 v61, v44;
	v34 =	vld [tilespmem:s23+$0x8040]  }
0x91: {  	v35 =	vld [tilespmem:s23+$0x8050];
	v28 =	vmin.f32 v28, v45;
	v23 =	vmax.f32 v37, v45;
	v24 =	vmin.f32 v46, v62  }
0x92: {  	s21 =	simm.s32 $0x80;
	s22 =	simm.s32 $0x400;
	v36 =	vld [tilespmem:s23+$0x8060];
	v29 =	vmax.f32 v29, v62;
	v30 =	vmin.f32 v30, v63;
	v31 =	vmax.f32 v31, v63  }
.LBB2_12:
0x93: {  	p1 =	sne.s32 s22, $0x1FE00;
	v37 =	vld [tilespmem:s21+$0x8070];
	v16 =	vmin.f32 v16, v32;
	v25 =	vmax.f32 v25, v32  }
0x94: {  	v38 =	vld [tilespmem:s21+$0x8000];
	v17 =	vmin.f32 v17, v33;
	v18 =	vmax.f32 v18, v33  }
0x95: {  	v39 =	vld [tilespmem:s21+$0x8010];
	v26 =	vmin.f32 v26, v34;
	v19 =	vmax.f32 v19, v34  }
.Ltmp7:
0x96: {  	v32 =	vld [tilespmem:s21+$0x8020];
	v20 =	vmin.f32 v20, v35;
	v27 =	vmax.f32 v27, v35;
	(pc) =	sbr.rel @p1 .LBB2_12-.Ltmp7, $4  }
0x97: {  	v33 =	vld [tilespmem:s21+$0x8030];
	v21 =	vmin.f32 v21, v36;
	v22 =	vmax.f32 v22, v36  }
0x98: {  	v34 =	vld [tilespmem:s21+$0x8040];
	v28 =	vmin.f32 v28, v37;
	v23 =	vmax.f32 v23, v37  }
0x99: {  	v24 =	vmin.f32 v24, v38;
	v29 =	vmax.f32 v29, v38;
	v35 =	vld [tilespmem:s21+$0x8050]  }
0x9a: {  	v30 =	vmin.f32 v30, v39;
	v31 =	vmax.f32 v31, v39;
	v36 =	vld [tilespmem:s21+$0x8060];
	s21 =	sshra.s32 s22, $0x2;
	s22 =	sadd.s32 $0x200, s22  }
0x9b: {  	v37 =	vld [tilespmem:s21+$0x8070]  }
0x9c: {  	v38 =	vld [tilespmem:s21+$0x8000]  }
0x9d: {  	v39 =	vld [tilespmem:s21+$0x8010]  }
0x9e: {  	v40 =	vld [tilespmem:s21+$0x8020]  }
0x9f: {  	v16 =	vmin.f32 v16, v32;
	v60 =	vmax.f32 v25, v32;
	v41 =	vld [tilespmem:s21+$0x8030]  }
0xa0: {  	v42 =	vld [tilespmem:s21+$0x8040];
	v17 =	vmin.f32 v17, v33;
	v18 =	vmax.f32 v18, v33;
	v61 =	vmin.f32 v26, v34  }
0xa1: {  	v44 =	vld [tilespmem:s21+$0x8050];
	v19 =	vmax.f32 v19, v34;
	v62 =	vmin.f32 v20, v35;
	v43 =	vmax.f32 v27, v35  }
0xa2: {  	v45 =	vmin.f32 v21, v36;
	v63 =	vmax.f32 v22, v36;
	v27 =	vmin.f32 v28, v37;
	v28 =	vld [tilespmem:s21+$0x8060]  }
.Ltmp8:
0xa3: {  	v26 =	vmax.f32 v23, v37;
	v35 =	vmin.f32 v24, v38;
	v29 =	vmax.f32 v29, v38;
	(pc) =	sbr.rel @p0 .LBB2_15-.Ltmp8, $4  }
0xa4: {  	v30 =	vmin.f32 v30, v39;
	v31 =	vmax.f32 v31, v39;
	v25 =	vmin.f32 v16, v40  }
0xa5: {  	v22 =	vmax.f32 v60, v40;
	v24 =	vmin.f32 v17, v41;
	v20 =	vmax.f32 v18, v41  }
0xa6: {  	v23 =	vmin.f32 v61, v42;
	v18 =	vmax.f32 v19, v42;
	v21 =	vmin.f32 v62, v44  }
0xa7: {  	v17 =	vmax.f32 v43, v44;
	v19 =	vmin.f32 v45, v28;
	v16 =	vmax.f32 v63, v28  }
.Ltmp9:
0xa8: {  	(pc) =	sbr.rel .LBB2_9-.Ltmp9, $4  }
0xa9: {  	s20 =	sadd.s32 s20, s8  }
0xaa: {  	s20 =	sshrl.u32 s20, $0x3  }
0xab: {  	s19 =	sadd.s32 $0x1, s19;
	s20 =	sadd.s32 s2, s20  }
0xac: {  	[tilespmem:s13], [sflag:$0x2] =	stream.linear.gather [hbm4b:s20+s4], $0x8000, $0x38;
	[tilespmem:$0x10080] =	vst v63  }
.LBB2_16:
0xad: {  	_ =	sfence.sel $0x180000  }
0xae: {  	[bflag:$0x0] =	sbarrier.arrive $0xFFFF  }
0xaf: {  	p0 =	sne.s32 s3, $0x0;
	_ =	strace $0x90000047  }
0xb0: {  	s0 =	sadd.s32 @!p0 $0x100000, s0;
	[bflag:$0x2] =	sbarrier.arrive $0xFFFF  }
0xb1: {  	[sflag:s0] =	ssyncadd.tile.s32 @!p0 $0x1;
	_ =	shalt  }
.Lfunc_end2:
_tile_overlayer_lowered:
.L_overlay_start_2:
0xb2: {  	(tag) =	ssettag $0x2  }
0xb3: {  	s0 =	rddreg [dreg:$0x0];
	s2 =	stileid.u32  }
0xb4: {  	s1 =	rddreg [dreg:$0x1];
	p0 =	sne.s32 s2, $0x0  }
0xb5: {  	s3 =	rddreg [dreg:$0x2];
	[bflag:$0x3] =	sbarrier.arrive $0xFFFF;
	s2 =	simm.s32 @!p0 $0x1C03  }
0xb6: {  	[timem:s3], [sflag:s2] =	dma.local @!p0 [hbm:s0], s1  }
0xb7: {  	s0 =	simm.s32 @!p0 $0x3  }
0xb8: {  	_ =	swait.ge @!p0 [sflag:s0], s1  }
0xb9: {  	s1 =	ssub.s32 @!p0 $0x0, s1;
	[sflag:s0] =	ssyncset.done @!p0 $0x0  }
0xba: {  	[sflag:s0] =	ssyncadd.s32 @!p0 s1  }
0xbb: {  	[bflag:$0x3] =	sbarrier.arrive $0xFFFF  }
0xbc: {  	_ =	shalt  }

// kernel: kernel.8.cloned.1.call-start
scs
__scs_entry_jumppad:
0x0: {  	(pc) =	sbr.rel $0x88, $3  }
0x1: {  	(tag) =	ssettag $0x0;
	lr =	simm.s32 $0x1  }
0x2: {  	[smem:$0x3F9F] =	sst lr;
	_ =	strace $0xD0000000  }
0x3: {  	_ = 	snop  }
0x4: {  	_ = 	snop  }
0x5: {  	_ = 	snop  }
0x6: {  	_ = 	snop  }
0x7: {  	_ = 	snop  }
__scs_overlays_trampoline_lowered:
0x8: {  	[smem:$0x3FAE] =	sst s0  }
0x9: {  	[smem:$0x3FAF] =	sst s1  }
0xa: {  	[smem:$0x3FB0] =	sst s2  }
0xb: {  	[smem:$0x3FB1] =	sst s3  }
0xc: {  	[smem:$0x3FB2] =	sst s4  }
0xd: {  	[smem:$0x3FB3] =	sst s5  }
0xe: {  	[smem:$0x3FB4] =	sst s6  }
0xf: {  	[smem:$0x3FB5] =	sst s7  }
0x10: {  	[smem:$0x3FB6] =	sst s8  }
0x11: {  	[smem:$0x3FB7] =	sst s9;
	s0 =	simm.s32 @!p0 $0x0  }
0x12: {  	s1 =	sld [smem:$0x3F9D];
	s0 =	simm.s32 @p0 $0x1  }
0x13: {  	[smem:$0x3FB8] =	sst s0;
	s0 =	simm.s32 @!p1 $0x0  }
0x14: {  	s2 =	sld [smem:$0x3F9C];
	s0 =	simm.s32 @p1 $0x1  }
0x15: {  	[smem:$0x3FB9] =	sst s0;
	s0 =	simm.s32 @!p2 $0x0  }
0x16: {  	s3 =	sld [smem:$0x3FDB];
	s0 =	simm.s32 @p2 $0x1  }
0x17: {  	s4 =	simm.s32 $0x1BF5;
	[smem:$0x3FBB] =	sst s0  }
0x18: {  	s0 =	sld [smem:$0x3F9E];
	_ =	swait.ge [sflag:s4], $0x0  }
0x19: {  	s7 =	sld [smem:$0x3F9F]  }
0x1a: {  	s8 =	sadd.s32 $0xFFFFE003, lr  }
0x1b: {  	s9 =	sadd.s32 $0xFFFFFEF7, lr;
	s5 =	simm.s32 $0xFFFFFFFF;
	p2 =	slt.u32 s8, $0xFFFFF086  }
0x1c: {  	p1 =	slt.u32 s9, $0xF7A;
	s5 =	simm.s32 @!p2 $0x0  }
0x1d: {  	s5 =	simm.s32 @p1 $0x1;
	p0 =	seq.s32 s7, s2  }
0x1e: {  	s7 =	smul.u32 @!p0 $0xF7A, s2;
	p2 =	seq.s32 @!p0 s5, $0x0  }
0x1f: {  	s9 =	smul.u32 $0xF7A, s1;
	s8 =	simm.s32 @!p0 $0x1BF5;
	p2 =	por !p2, p0  }
0x20: {  	[sflag:s8] =	ssyncset.s32 @!p0 $0xFFFFF086;
	s6 =	sadd.s32 @!p0 s3, s7;
	s7 =	simm.s32 @!p0 $0x108  }
0x21: {  	s3 =	sadd.s32 s3, s9;
	s6 =	sadd.s32 @!p0 $0x88, s6;
	s7 =	simm.s32 @p2 $0x1082  }
0x22: {  	[simem:s7], [sflag:s8] =	dma.local @!p0 [hbm:s6], $0xF7A  }
0x23: {  	s9 =	sor.u32 $0xD0000000, s2;
	s6 =	simm.s32 $0x108;
	_ =	swait.ge @!p0 [sflag:s8], $0x0  }
0x24: {  	s3 =	sadd.s32 $0x88, s3;
	s6 =	simm.s32 @!p1 $0x1082;
	[sflag:s4] =	ssyncset.s32 $0xFFFFF086  }
0x25: {  	[simem:s6], [sflag:s4] =	dma.local [hbm:s3], $0xF7A  }
0x26: {  	[smem:$0x3F9F] =	sst s1;
	(tag) =	ssettag s2;
	_ =	strace s9  }
0x27: {  	s1 =	sld [smem:$0x3FAF]  }
0x28: {  	s2 =	sld [smem:$0x3FB0]  }
0x29: {  	s4 =	sld [smem:$0x3FB2]  }
0x2a: {  	p0 =	seq.s32 s5, $0x0;
	s5 =	sld [smem:$0x3FB3]  }
0x2b: {  	s6 =	sld [smem:$0x3FB4]  }
0x2c: {  	s7 =	sld [smem:$0x3FB5]  }
0x2d: {  	s3 =	simm.s32 $0x108;
	s8 =	sld [smem:$0x3FB6]  }
0x2e: {  	s3 =	simm.s32 @!p0 $0x1082;
	s9 =	sld [smem:$0x3FB7]  }
0x2f: {  	lr =	sadd.s32 s0, s3;
	s0 =	sld [smem:$0x3FAE]  }
0x30: {  	s3 =	sld [smem:$0x3FB1]  }
0x31: {  	[smem:$0x3FBA] =	sst s10  }
0x32: {  	s10 =	sld [smem:$0x3FB8];
	_ =	sdelay $0x3  }
0x33: {  	p0 =	seq.s32 s10, $0x1;
	s10 =	sld [smem:$0x3FBA];
	_ =	sdelay $0x3  }
0x34: {  	[smem:$0x3FBA] =	sst s10  }
0x35: {  	s10 =	sld [smem:$0x3FB9];
	_ =	sdelay $0x3  }
0x36: {  	p1 =	seq.s32 s10, $0x1;
	s10 =	sld [smem:$0x3FBA];
	_ =	sdelay $0x3  }
0x37: {  	[smem:$0x3FBA] =	sst s10  }
0x38: {  	s10 =	sld [smem:$0x3FBB]  }
0x39: {  	_ = 	snop;
	(pc) =	sbr.ind lr, $3  }
0x3a: {  	_ = 	snop  }
0x3b: {  	_ = 	snop  }
0x3c: {  	p2 =	seq.s32 s10, $0x1;
	s10 =	sld [smem:$0x3FBA]  }
0x3d: {  	_ =	shalt  }
0x3e: {  	_ =	shalt  }
0x3f: {  	_ =	shalt  }
0x40: {  	_ =	shalt  }
0x41: {  	_ =	shalt  }
0x42: {  	_ =	shalt  }
0x43: {  	_ =	shalt  }
0x44: {  	_ =	shalt  }
0x45: {  	_ =	shalt  }
0x46: {  	_ =	shalt  }
0x47: {  	_ =	shalt  }
0x48: {  	_ =	shalt  }
0x49: {  	_ =	shalt  }
0x4a: {  	_ =	shalt  }
0x4b: {  	_ =	shalt  }
0x4c: {  	_ =	shalt  }
0x4d: {  	_ =	shalt  }
0x4e: {  	_ =	shalt  }
0x4f: {  	_ =	shalt  }
0x50: {  	_ =	shalt  }
0x51: {  	_ =	shalt  }
0x52: {  	_ =	shalt  }
0x53: {  	_ =	shalt  }
0x54: {  	_ =	shalt  }
0x55: {  	_ =	shalt  }
0x56: {  	_ =	shalt  }
0x57: {  	_ =	shalt  }
0x58: {  	_ =	shalt  }
0x59: {  	_ =	shalt  }
0x5a: {  	_ =	shalt  }
0x5b: {  	_ =	shalt  }
0x5c: {  	_ =	shalt  }
0x5d: {  	_ =	shalt  }
0x5e: {  	_ =	shalt  }
0x5f: {  	_ =	shalt  }
0x60: {  	_ =	shalt  }
0x61: {  	_ =	shalt  }
0x62: {  	_ =	shalt  }
0x63: {  	_ =	shalt  }
0x64: {  	_ =	shalt  }
0x65: {  	_ =	shalt  }
0x66: {  	_ =	shalt  }
0x67: {  	_ =	shalt  }
0x68: {  	_ =	shalt  }
0x69: {  	_ =	shalt  }
0x6a: {  	_ =	shalt  }
0x6b: {  	_ =	shalt  }
0x6c: {  	_ =	shalt  }
0x6d: {  	_ =	shalt  }
0x6e: {  	_ =	shalt  }
0x6f: {  	_ =	shalt  }
0x70: {  	_ =	shalt  }
0x71: {  	_ =	shalt  }
0x72: {  	_ =	shalt  }
0x73: {  	_ =	shalt  }
0x74: {  	_ =	shalt  }
0x75: {  	_ =	shalt  }
0x76: {  	_ =	shalt  }
0x77: {  	_ =	shalt  }
0x78: {  	_ =	shalt  }
0x79: {  	_ =	shalt  }
0x7a: {  	_ =	shalt  }
0x7b: {  	_ =	shalt  }
0x7c: {  	_ =	shalt  }
0x7d: {  	_ =	shalt  }
0x7e: {  	_ =	shalt  }
0x7f: {  	_ =	shalt  }
0x80: {  	_ =	shalt  }
0x81: {  	_ =	shalt  }
0x82: {  	_ =	shalt  }
0x83: {  	_ =	shalt  }
0x84: {  	_ =	shalt  }
0x85: {  	_ =	shalt  }
0x86: {  	_ =	shalt  }
0x87: {  	_ =	shalt  }
.Lfunc_end0:
.L_simem_size_0:
called_computation.1_lowered:
.L_overlay_start_0:
0x88: {  	s2 =	sld [smem:$0x3FD9]  }
0x89: {  	s3 =	sld [smem:$0x3FFE];
	_ =	sdelay $0x1  }
0x8a: {  	s1 =	srdreg.scid  }
0x8b: {  	s0 =	sand.u32 $0x1, s1  }
0x8c: {  	s17 =	sshll.u32 s0, $0xA;
	s2 =	sadd.s32 s3, s2  }
0x8d: {  	s2 =	sadd.s32 s2, s17  }
0x8e: {  	[smem:$0x3FC6] =	sst s2  }
0x8f: {  	_ = 	snop  }
0x90: {  	s2 =	sld [smem:$0x3FC9]  }
0x91: {  	s18 =	sld [smem:$0x3FC8];
	(tm) =	ssettm $0x1  }
0x92: {  	s4 =	sld [smem:$0x3FFB];
	_ =	sdelay $0x3  }
0x93: {  	_ =	strace s4  }
0x94: {  	s4 =	sld [smem:$0x3FFC];
	_ =	sdelay $0x3  }
0x95: {  	_ =	strace s4  }
0x96: {  	s4 =	sld [smem:$0x3FFD];
	_ =	sdelay $0x3  }
0x97: {  	_ =	strace s4  }
0x98: {  	_ =	strace $0x8FFFFFFF  }
0x99: {  	s19 =	sld [smem:$0x3FDB];
	_ =	sdelay $0x1  }
0x9a: {  	s5 =	simm.s32 $_scs_section_size  }
0x9b: {  	s6 =	simm.s32 $_size__tile_overlayer_lowered;
	s7 =	simm.s32 $_tile_overlayer_lowered  }
0x9c: {  	s22 =	simm.s32 $0x1BFF;
	s21 =	sshll.u32 s7, $0x1;
	s4 =	sadd.s32 s5, s19  }
0x9d: {  	s8 =	simm.s32 $0x0;
	s20 =	sshll.u32 s6, $0x1;
	s6 =	sadd.s32 s21, s4  }
0x9e: {  	[timem:s8], [sflag:s22] =	dma.local [hbm:s6], s20  }
0x9f: {  	_ =	swait.ge [sflag:s22], s20  }
0xa0: {  	s5 =	ssub.s32 $0x0, s20;
	[sflag:s22] =	ssyncset.done $0x0  }
0xa1: {  	[sflag:s22] =	ssyncadd.s32 s5;
	_ =	sdelay $0x1  }
0xa2: {  	s23 =	simm.s32 $0x1B8B  }
0xa3: {  	_ =	swait.ge [sflag:s23], $0x1  }
0xa4: {  	[sflag:s23] =	ssyncset.done $0x0  }
0xa5: {  	s25 =	simm.s32 $0x1B8E;
	s24 =	sld [smem:$0x3FFE];
	[sflag:s23] =	ssyncadd.s32 $0xFFFFFFFF  }
0xa6: {  	s26 =	simm.s32 $execute0_lowered;
	[smem:$0x3FD2] =	sst s25  }
0xa7: {  	s6 =	sshll.u32 s26, $0x1;
	_ =	strace $0x80000049;
	[dreg:$0x1] =	wrdreg $0xFFFFFFFF  }
0xa8: {  	s28 =	simm.s32 $_size_execute0_lowered;
	s4 =	sadd.s32 s4, s6;
	[dreg:$0x0] =	wrdreg $0x0  }
0xa9: {  	s6 =	sshll.u32 s28, $0x1;
	[dreg:$0x2] =	wrdreg s4  }
0xaa: {  	[dreg:$0x3] =	wrdreg s6  }
0xab: {  	[dreg:$0x4] =	wrdreg $0xC0  }
0xac: {  	_ =	task [dreg:s8], $0x5FFFF  }
0xad: {  	[dreg:$0x1] =	wrdreg $0xFFFFFFFF  }
0xae: {  	[dreg:$0x0] =	wrdreg $0x60  }
0xaf: {  	[dreg:$0x2] =	wrdreg s2  }
0xb0: {  	[dreg:$0x3] =	wrdreg s18  }
0xb1: {  	[dreg:$0x4] =	wrdreg s24  }
0xb2: {  	[dreg:$0x5] =	wrdreg $0x9  }
0xb3: {  	_ =	task.clear_ibuf [dreg:s8], $0x6FFFF;
	_ =	strace $0x90000049  }
0xb4: {  	s29 =	simm.s32 $0x9;
	_ =	strace $0x8000004B  }
0xb5: {  	_ =	swait.ge [sflag:s29], $0x1  }
0xb6: {  	[sflag:s29] =	ssyncadd.s32 $0xFFFFFFFF  }
0xb7: {  	_ =	strace $0x9000004B  }
0xb8: {  	_ =	sfence  }
0xb9: {  	s30 =	sld [smem:$0x0];
	_ =	sdelay $0x2  }
0xba: {  	s31 =	sshll.u32 s1, $0xD;
	s1 =	sshrl.u32 s1, $0x2  }
0xbb: {  	s3 =	sand.u32 $0x4000, s31;
	s1 =	sadd.s32 s1, s30  }
0xbc: {  	s0 =	sor.u32 s3, s0;
	s1 =	sshll.u32 s1, $0x11  }
0xbd: {  	s0 =	sor.u32 s1, s0  }
0xbe: {  	s0 =	sadd.s32 $0x8F2B, s0  }
0xbf: {  	[sflag:s0] =	ssyncadd.remote.s32 $0x1  }
0xc0: {  	_ =	sfence.sel $0xFFFF  }
0xc1: {  	[dreg:$0x0] =	wrdreg $0xFFFFFFFF;
	(pc) =	sbr.abs _section_cstart, $3  }
0xc2: {  	[dreg:$0x1] =	wrdreg $0xFFFFFFFF  }
0xc3: {  	_ =	task.clear_ibuf [dreg:s8], $0x2FFFF;
	_ =	strace $0x9FFFFFFF  }
0xc4: {  	(tm) =	ssettm $0x7FFFFFFF  }
0xc5: {  	_ =	shalt  }
tec
execute0_lowered:
.L_overlay_start_1:
0x0: {  	(tag) =	ssettag $0x1  }
0x1: {  	s1 =	rddreg [dreg:$0x0]  }
0x2: {  	s2 =	rddreg [dreg:$0x1]  }
0x3: {  	s6 =	rddreg [dreg:$0x2];
	s4 =	simm.s32 $0x0  }
0x4: {  	[smem:$0x7FF] =	sst s4  }
0x5: {  	s0 =	rddreg [dreg:$0x3];
	v0 =	vimm.f32 $2.000000000e+03;
	_ =	strace $0x8000004A  }
0x6: {  	s5 =	srdreg.scid;
	s3 =	stileid.u32;
	s14 =	simm.s32 $0x18000;
	(erf) = vrcp.f32 v0  }
0x7: {  	s15 =	simm.s32 $0x3;
	s16 =	simm.s32 $0x4000;
	s17 =	simm.s32 $0x1  }
0x8: {  	s18 =	simm.s32 $0x8000;
	s7 =	sand.u32 $0x1, s5;
	s29 =	sshll.u32 s3, $0x1  }
0x9: {  	s19 =	simm.s32 $0x2;
	s20 =	simm.s32 $0x0;
	s8 =	sor.u32 s7, s29  }
0xa: {  	s5 =	sadd.s32 $0xC00, s6;
	s7 =	ssub.s32 $0x2, s7;
	s9 =	sshll.u32 s8, $0xD  }
.Ltmp0:
0xb: {  	s30 =	sshrl.u32 s7, $0x1;
	s10 =	sshll.u32 s8, $0x10;
	(pc) =	sbr.rel .LBB2_1-.Ltmp0, $4  }
0xc: {  	s31 =	sshll.u32 s8, $0x13;
	s12 =	sadd.s32 s9, s6;
	s13 =	ssub.s32 s7, s30  }
0xd: {  	s11 =	sor.u32 $0x800, s10;
	s6 =	sadd.s32 s1, s10;
	s8 =	sor.u32 $0x8000, s31  }
0xe: {  	v0 =	vlaneseq.u32;
	s9 =	sor.u32 $0xC000, s31;
	s10 =	sadd.s32 s2, s10;
	s7 =	sadd.s32 s1, s11  }
0xf: {  	v2 =	vimm.f32 $0.0e+00;
	v3 =	vimm.f32 $1.000000000e+00;
	v4 =	vor.u32 $0x8000, v0;
	s11 =	sadd.s32 s2, s11;
	s12 =	sadd.s32 $0xE00, s12;
	s13 =	smax.u32 s13, $0x1;
	v1 =	vpop (erf)  }
.LBB2_19:
0x10: {  	s20 =	sadd.s32 $0x1, s20  }
0x11: {  	p0 =	sne.s32 s20, s13  }
.Ltmp1:
0x12: {  	_ = 	snop;
	(pc) =	sbr.rel @!p0 .LBB2_20-.Ltmp1, $4  }
0x13: {  	[hbm4b:s12+s4] =	stream.linear.scatter [tilespmem:s18], [sflag:$0x3], $0x10000, $0x38;
	[tilespmem:$0x18800] =	vst v63  }
0x14: {  	_ =	swait.ge [sflag:s15], $0x10000  }
0x15: {  	[sflag:s15] =	ssyncset.done $0x0  }
0x16: {  	[sflag:s15] =	ssyncadd.s32 $0xFFFF0000  }
.LBB2_1:
0x17: {  	[tilespmem:s14], [sflag:$0x3] =	stream.linear.gather [hbm4b:s5+s4], $0x800, $0x38;
	[tilespmem:$0x18800] =	vst v63  }
0x18: {  	_ =	swait.ge [sflag:s15], $0x800  }
0x19: {  	[sflag:s15] =	ssyncset.done $0x0  }
0x1a: {  	s22 =	simm.s32 $0x0;
	[sflag:s15] =	ssyncadd.s32 $0xFFFFF800  }
0x1b: {  	v5 =	vld [tilespmem:s22+$0x18030]  }
0x1c: {  	v7 =	vld [tilespmem:s22+$0x18000]  }
0x1d: {  	v6 =	vimm.f32 $+Inf;
	v9 =	vld [tilespmem:s22+$0x18010]  }
0x1e: {  	v8 =	vimm.f32 $-Inf;
	s21 =	simm.s32 $0x100;
	v10 =	vimm.f32 $-Inf;
	v11 =	vimm.f32 $+Inf;
	v12 =	vld [tilespmem:s22+$0x18020]  }
.LBB2_2:
0x1f: {  	p0 =	sne.s32 s21, $0x1F00  }
.Ltmp2:
0x20: {  	s22 =	sshra.s32 s21, $0x2;
	s21 =	sadd.s32 $0x100, s21;
	v8 =	vmax.f32 v8, v5;
	(pc) =	sbr.rel @p0 .LBB2_2-.Ltmp2, $4  }
0x21: {  	v5 =	vld [tilespmem:s22+$0x18030];
	v6 =	vmin.f32 v6, v7  }
0x22: {  	v7 =	vld [tilespmem:s22+$0x18000];
	v10 =	vmax.f32 v10, v9  }
0x23: {  	v9 =	vld [tilespmem:s22+$0x18010];
	v11 =	vmin.f32 v11, v12  }
0x24: {  	v12 =	vld [tilespmem:s22+$0x18020]  }
0x25: {  	_ =	sdelay $0x2  }
0x26: {  	v5 =	vmax.f32 v8, v5  }
0x27: {  	s22 =	simm.s32 $0x40;
	s21 =	simm.s32 $0x0;
	v8 =	vmin.f32 v6, v7;
	v7 =	vmax.f32 v10, v9;
	v6 =	vmin.f32 v11, v12  }
.LBB2_4:
0x28: {  	p0 =	sne.s32 s22, $0x3FFC0;
	[tilespmem:s21+$0x8000] =	vst v2;
	s21 =	smov.u32 s22;
	s22 =	sadd.s32 $0x40, s22  }
.Ltmp3:
0x29: {  	(pc) =	sbr.rel @p0 .LBB2_4-.Ltmp3, $2  }
0x2a: {  	_ =	sdelay $0x2  }
0x2b: {  	s21 =	sshra.s32 s21, $0x2  }
0x2c: {  	(v2sf) =	vpush v8, $0x0  }
0x2d: {  	(v2sf) =	vpush v8, $0x1  }
0x2e: {  	(v2sf) =	vpush v8, $0x2  }
0x2f: {  	(v2sf) =	vpush v8, $0x3  }
0x30: {  	(v2sf) =	vpush v8, $0x4  }
0x31: {  	(v2sf) =	vpush v8, $0x5  }
0x32: {  	(v2sf) =	vpush v8, $0x6  }
0x33: {  	(v2sf) =	vpush v8, $0x7  }
0x34: {  	(v2sf) =	vpush v8, $0x8  }
0x35: {  	(v2sf) =	vpush v8, $0x9  }
0x36: {  	(v2sf) =	vpush v8, $0xA  }
0x37: {  	(v2sf) =	vpush v8, $0xB  }
0x38: {  	(v2sf) =	vpush v8, $0xC  }
0x39: {  	(v2sf) =	vpush v8, $0xD  }
0x3a: {  	(v2sf) =	vpush v8, $0xE  }
0x3b: {  	s22 =	spop (v2sf);
	(v2sf) =	vpush v8, $0xF  }
0x3c: {  	s23 =	spop (v2sf);
	(v2sf) =	vpush v7, $0x0  }
0x3d: {  	s24 =	spop (v2sf);
	(v2sf) =	vpush v7, $0x1  }
0x3e: {  	s25 =	spop (v2sf);
	(v2sf) =	vpush v7, $0x2  }
0x3f: {  	s22 =	smin.f32 s22, s23;
	s30 =	spop (v2sf);
	(v2sf) =	vpush v7, $0x3  }
0x40: {  	s22 =	smin.f32 s22, s24;
	s31 =	spop (v2sf);
	(v2sf) =	vpush v7, $0x4  }
0x41: {  	s22 =	smin.f32 s22, s25;
	s26 =	spop (v2sf);
	(v2sf) =	vpush v7, $0x5  }
0x42: {  	s22 =	smin.f32 s22, s30;
	s28 =	spop (v2sf);
	(v2sf) =	vpush v7, $0x6  }
0x43: {  	s22 =	smin.f32 s22, s31;
	s29 =	spop (v2sf);
	(v2sf) =	vpush v7, $0x7  }
0x44: {  	s22 =	smin.f32 s22, s26;
	s30 =	spop (v2sf);
	(v2sf) =	vpush v7, $0x8  }
0x45: {  	s22 =	smin.f32 s22, s28;
	s31 =	spop (v2sf);
	(v2sf) =	vpush v7, $0x9  }
0x46: {  	s22 =	smin.f32 s22, s29;
	s26 =	spop (v2sf);
	(v2sf) =	vpush v7, $0xA  }
0x47: {  	s22 =	smin.f32 s22, s30;
	s28 =	spop (v2sf);
	(v2sf) =	vpush v7, $0xB  }
0x48: {  	s22 =	smin.f32 s22, s31;
	s29 =	spop (v2sf);
	(v2sf) =	vpush v7, $0xC  }
0x49: {  	s22 =	smin.f32 s22, s26;
	s30 =	spop (v2sf);
	(v2sf) =	vpush v7, $0xD  }
0x4a: {  	s22 =	smin.f32 s22, s28;
	s25 =	spop (v2sf);
	(v2sf) =	vpush v7, $0xE  }
0x4b: {  	s22 =	smin.f32 s22, s29;
	s31 =	spop (v2sf);
	(v2sf) =	vpush v7, $0xF  }
0x4c: {  	s22 =	smin.f32 s22, s30;
	s26 =	spop (v2sf)  }
0x4d: {  	s23 =	smax.f32 s31, s26;
	s28 =	spop (v2sf)  }
0x4e: {  	s23 =	smax.f32 s23, s28;
	s29 =	spop (v2sf)  }
0x4f: {  	s23 =	smax.f32 s23, s29;
	s30 =	spop (v2sf)  }
0x50: {  	s23 =	smax.f32 s23, s30;
	s31 =	spop (v2sf)  }
0x51: {  	s23 =	smax.f32 s23, s31;
	s26 =	spop (v2sf)  }
0x52: {  	s23 =	smax.f32 s23, s26;
	s28 =	spop (v2sf)  }
0x53: {  	s23 =	smax.f32 s23, s28;
	s29 =	spop (v2sf)  }
0x54: {  	s23 =	smax.f32 s23, s29;
	s30 =	spop (v2sf)  }
0x55: {  	s23 =	smax.f32 s23, s30;
	s31 =	spop (v2sf)  }
0x56: {  	s23 =	smax.f32 s23, s31;
	s26 =	spop (v2sf)  }
0x57: {  	s23 =	smax.f32 s23, s26;
	s28 =	spop (v2sf)  }
0x58: {  	s23 =	smax.f32 s23, s28;
	s29 =	spop (v2sf)  }
0x59: {  	s23 =	smax.f32 s23, s29;
	s30 =	spop (v2sf)  }
0x5a: {  	s23 =	smax.f32 s23, s30;
	s31 =	spop (v2sf)  }
0x5b: {  	s22 =	smin.f32 s22, s25;
	s23 =	smax.f32 s23, s31  }
0x5c: {  	s23 =	ssub.f32 s23, s22;
	_ =	sdelay $0x1  }
0x5d: {  	v7 =	vmul.f32 s23, v1;
	_ =	sdelay $0x1  }
0x5e: {  	(erf) = vrcp.f32 v7;
	_ =	sdelay $0x8  }
0x5f: {  	[tilespmem:s21+$0x8000] =	vst v2;
	s21 =	simm.s32 $0x0;
	v7 =	vpop (erf)  }
0x60: {  	[tilespmem:s21], [sflag:$0x1] =	stream.linear.gather [hbm4b:s6+s21], $0x4000, $0x38;
	v8 =	vmul.f32 s22, v7;
	[tilespmem:$0x18800] =	vst v63  }
0x61: {  	_ = 	snop  }
0x62: {  	[tilespmem:s16], [sflag:$0x2] =	stream.linear.gather [hbm4b:s7+s21], $0x4000, $0x38;
	v8 =	vsub.f32 $2.048000000e+03, v8;
	[tilespmem:$0x18800] =	vst v63  }
.LBB2_6:
0x63: {  	_ =	swait.ge [sflag:s17], $0x4000  }
0x64: {  	[sflag:s17] =	ssyncset.done $0x0  }
0x65: {  	s22 =	simm.s32 $0x40;
	[sflag:s17] =	ssyncadd.s32 $0xFFFFC000  }
0x66: {  	v9 =	vld [tilespmem:s22+$0xFFFFFFC0]  }
0x67: {  	v10 =	vld [tilespmem:s22+$0x30]  }
0x68: {  	v11 =	vld [tilespmem:s22+$0xFFFFFFD0]  }
0x69: {  	v12 =	vld [tilespmem:s22+$0x20]  }
0x6a: {  	v13 =	vld [tilespmem:s22+$0x10]  }
0x6b: {  	v14 =	vld [tilespmem:s22+$0x0]  }
0x6c: {  	v15 =	vld [tilespmem:s22+$0xFFFFFFE0];
	v9 =	vmul.f32 v9, v7  }
0x6d: {  	v16 =	vld [tilespmem:s22+$0xFFFFFFF0];
	s22 =	simm.s32 $0xC0  }
0x6e: {  	v17 =	vld [tilespmem:s22+$0xFFFFFFD0];
	v9 =	vadd.f32 v9, v8  }
0x6f: {  	v18 =	vld [tilespmem:s22+$0xFFFFFFC0]  }
0x70: {  	v10 =	vmul.f32 v10, v7;
	v11 =	vmul.f32 v11, v7;
	v9 =	vshrl.u32 v9, $0x8  }
0x71: {  	v12 =	vmul.f32 v12, v7;
	v13 =	vmul.f32 v13, v7;
	v9 =	vand.u32 $0x7FF0, v9  }
0x72: {  	v14 =	vmul.f32 v14, v7;
	v10 =	vadd.f32 v10, v8;
	v9 =	vor.u32 v0, v9  }
0x73: {  	v15 =	vmul.f32 v15, v7;
	v17 =	vmul.f32 v17, v7;
	v12 =	vadd.f32 v12, v8  }
0x74: {  	v18 =	vmul.f32 v18, v7;
	v11 =	vadd.f32 v11, v8;
	v10 =	vshrl.u32 v10, $0x8  }
0x75: {  	v13 =	vadd.f32 v13, v8;
	v12 =	vshrl.u32 v12, $0x8;
	v10 =	vand.u32 $0x7FF0, v10  }
0x76: {  	v14 =	vadd.f32 v14, v8;
	v12 =	vand.u32 $0x7FF0, v12;
	v10 =	vor.u32 v0, v10  }
0x77: {  	v15 =	vadd.f32 v15, v8;
	v13 =	vshrl.u32 v13, $0x8;
	v12 =	vor.u32 v0, v12;
	[tilespmem:v9+s18+$0x0] =	vst.idx.add.f32.msk $0xffff, v3  }
0x78: {  	v11 =	vshrl.u32 v11, $0x8;
	v13 =	vand.u32 $0x7FF0, v13;
	v9 =	vmul.f32 v16, v7;
	v16 =	vld [tilespmem:s22+$0x30]  }
0x79: {  	v19 =	vld [tilespmem:s22+$0x20];
	v14 =	vshrl.u32 v14, $0x8;
	v15 =	vshrl.u32 v15, $0x8;
	v13 =	vor.u32 v0, v13  }
0x7a: {  	v20 =	vld [tilespmem:s22+$0x10];
	v11 =	vand.u32 $0x7FF0, v11;
	v14 =	vand.u32 $0x7FF0, v14;
	v9 =	vadd.f32 v9, v8  }
0x7b: {  	v21 =	vor.u32 v0, v14;
	v14 =	vand.u32 $0x7FF0, v15;
	[tilespmem:v10+s18+$0x0] =	vst.idx.add.f32.msk $0xffff, v3;
	v10 =	vor.u32 v0, v11  }
0x7c: {  	[tilespmem:v12+s18+$0x0] =	vst.idx.add.f32.msk $0xffff, v3;
	v12 =	vadd.f32 v18, v8;
	v18 =	vor.u32 v0, v14;
	v9 =	vshrl.u32 v9, $0x8  }
0x7d: {  	v11 =	vadd.f32 v17, v8;
	v17 =	vld [tilespmem:s22+$0xFFFFFFE0];
	v9 =	vand.u32 $0x7FF0, v9;
	v15 =	vmul.f32 v16, v7  }
0x7e: {  	[tilespmem:v13+s18+$0x0] =	vst.idx.add.f32.msk $0xffff, v3;
	v13 =	vmul.f32 v19, v7;
	v16 =	vor.u32 v0, v9  }
0x7f: {  	v14 =	vld [tilespmem:s22+$0x0];
	v12 =	vshrl.u32 v12, $0x8;
	v15 =	vadd.f32 v15, v8  }
0x80: {  	v19 =	vmul.f32 v20, v7;
	[tilespmem:v21+s18+$0x0] =	vst.idx.add.f32.msk $0xffff, v3;
	v63 =	vadd.f32 v13, v8;
	v12 =	vand.u32 $0x7FF0, v12  }
0x81: {  	v13 =	vor.u32 v0, v12;
	[tilespmem:v18+s18+$0x0] =	vst.idx.add.f32.msk $0xffff, v3;
	v9 =	vshrl.u32 v11, $0x8;
	v22 =	vshrl.u32 v15, $0x8  }
0x82: {  	v17 =	vmul.f32 v17, v7;
	v11 =	vld [tilespmem:s22+$0xFFFFFFF0];
	v9 =	vand.u32 $0x7FF0, v9;
	v12 =	vand.u32 $0x7FF0, v22  }
0x83: {  	s23 =	simm.s32 $0x8;
	v15 =	vadd.f32 v19, v8;
	[tilespmem:v16+s18+$0x0] =	vst.idx.add.f32.msk $0xffff, v3;
	v16 =	vshrl.u32 v63, $0x8;
	v12 =	vor.u32 v0, v12  }
.LBB2_7:
0x84: {  	s23 =	sadd.s32 $0x8, s23;
	s22 =	sadd.s32 $0x80, s22;
	[tilespmem:v10+s18+$0x0] =	vst.idx.add.f32.msk $0xffff, v3  }
0x85: {  	v10 =	vld [tilespmem:s22+$0xFFFFFFD0];
	p0 =	slt.u32 s23, $0x3F8;
	v17 =	vadd.f32 v17, v8;
	v14 =	vmul.f32 v14, v7  }
0x86: {  	v15 =	vshrl.u32 v15, $0x8;
	v16 =	vand.u32 $0x7FF0, v16;
	v18 =	vld [tilespmem:s22+$0xFFFFFFC0]  }
0x87: {  	v11 =	vmul.f32 v11, v7;
	[tilespmem:v13+s18+$0x0] =	vst.idx.add.f32.msk $0xffff, v3;
	v13 =	vadd.f32 v14, v8;
	v14 =	vand.u32 $0x7FF0, v15  }
0x88: {  	v16 =	vor.u32 v0, v16;
	v17 =	vshrl.u32 v17, $0x8;
	v15 =	vld [tilespmem:s22+$0x30];
	v14 =	vor.u32 v0, v14  }
0x89: {  	v11 =	vadd.f32 v11, v8;
	v17 =	vand.u32 $0x7FF0, v17;
	v13 =	vshrl.u32 v13, $0x8;
	[tilespmem:v12+s18+$0x0] =	vst.idx.add.f32.msk $0xffff, v3  }
0x8a: {  	v12 =	vmul.f32 v10, v7;
	v19 =	vld [tilespmem:s22+$0x20];
	v13 =	vand.u32 $0x7FF0, v13  }
0x8b: {  	v10 =	vor.u32 v0, v9;
	v9 =	vshrl.u32 v11, $0x8;
	v18 =	vmul.f32 v18, v7;
	v20 =	vld [tilespmem:s22+$0x10]  }
0x8c: {  	v9 =	vand.u32 $0x7FF0, v9;
	v13 =	vor.u32 v0, v13;
	v11 =	vadd.f32 v12, v8;
	v12 =	vld [tilespmem:s22+$0xFFFFFFE0]  }
0x8d: {  	v21 =	vor.u32 v0, v9;
	v15 =	vmul.f32 v15, v7;
	[tilespmem:v16+s18+$0x0] =	vst.idx.add.f32.msk $0xffff, v3  }
0x8e: {  	v16 =	vadd.f32 v18, v8;
	v18 =	vor.u32 v0, v17;
	v9 =	vshrl.u32 v11, $0x8;
	[tilespmem:v14+s18+$0x0] =	vst.idx.add.f32.msk $0xffff, v3  }
.Ltmp4:
0x8f: {  	v9 =	vand.u32 $0x7FF0, v9;
	v11 =	vld [tilespmem:s22+$0xFFFFFFF0];
	v17 =	vmul.f32 v19, v7;
	v15 =	vadd.f32 v15, v8;
	(pc) =	sbr.rel @p0 .LBB2_7-.Ltmp4, $4  }
0x90: {  	v16 =	vshrl.u32 v16, $0x8;
	v14 =	vld [tilespmem:s22+$0x0];
	v19 =	vmul.f32 v20, v7  }
0x91: {  	v16 =	vand.u32 $0x7FF0, v16;
	v20 =	vadd.f32 v17, v8;
	v17 =	vshrl.u32 v15, $0x8;
	[tilespmem:v13+s18+$0x0] =	vst.idx.add.f32.msk $0xffff, v3  }
0x92: {  	v13 =	vor.u32 v0, v16;
	v15 =	vadd.f32 v19, v8;
	v19 =	vand.u32 $0x7FF0, v17;
	[tilespmem:v21+s18+$0x0] =	vst.idx.add.f32.msk $0xffff, v3  }
0x93: {  	v17 =	vmul.f32 v12, v7;
	v16 =	vshrl.u32 v20, $0x8;
	v12 =	vor.u32 v0, v19;
	[tilespmem:v18+s18+$0x0] =	vst.idx.add.f32.msk $0xffff, v3  }
0x94: {  	_ = 	snop  }
0x95: {  	v11 =	vmul.f32 v11, v7;
	v15 =	vshrl.u32 v15, $0x8  }
0x96: {  	v16 =	vand.u32 $0x7FF0, v16;
	v14 =	vmul.f32 v14, v7;
	v17 =	vadd.f32 v17, v8  }
0x97: {  	v9 =	vor.u32 v0, v9;
	v15 =	vand.u32 $0x7FF0, v15;
	v11 =	vadd.f32 v11, v8  }
0x98: {  	[tilespmem:v10+s18+$0x0] =	vst.idx.add.f32.msk $0xffff, v3;
	v16 =	vor.u32 v0, v16;
	v14 =	vadd.f32 v14, v8;
	v10 =	vshrl.u32 v17, $0x8  }
0x99: {  	v15 =	vor.u32 v0, v15;
	v11 =	vshrl.u32 v11, $0x8;
	v10 =	vand.u32 $0x7FF0, v10  }
0x9a: {  	[tilespmem:v13+s18+$0x0] =	vst.idx.add.f32.msk $0xffff, v3;
	v14 =	vshrl.u32 v14, $0x8;
	v11 =	vand.u32 $0x7FF0, v11;
	v10 =	vor.u32 v0, v10  }
0x9b: {  	[tilespmem:v12+s18+$0x0] =	vst.idx.add.f32.msk $0xffff, v3;
	v14 =	vand.u32 $0x7FF0, v14;
	v11 =	vor.u32 v0, v11  }
0x9c: {  	[tilespmem:v9+s18+$0x0] =	vst.idx.add.f32.msk $0xffff, v3;
	v14 =	vor.u32 v0, v14  }
0x9d: {  	[tilespmem:v16+s18+$0x0] =	vst.idx.add.f32.msk $0xffff, v3  }
0x9e: {  	s22 =	sshll.u32 s21, $0xF;
	p0 =	seq.s32 s21, $0xF;
	[tilespmem:v15+s18+$0x0] =	vst.idx.add.f32.msk $0xffff, v3  }
0x9f: {  	s23 =	sadd.s32 @!p0 s22, s8;
	[tilespmem:v10+s18+$0x0] =	vst.idx.add.f32.msk $0xffff, v3  }
0xa0: {  	s23 =	sshrl.u32 @!p0 s23, $0x3;
	[tilespmem:v11+s18+$0x0] =	vst.idx.add.f32.msk $0xffff, v3  }
0xa1: {  	s24 =	simm.s32 @!p0 $0x0;
	s23 =	sadd.s32 @!p0 s1, s23;
	[tilespmem:v14+s18+$0x0] =	vst.idx.add.f32.msk $0xffff, v3  }
0xa2: {  	[tilespmem:s24], [sflag:$0x1] =	stream.linear.gather @!p0 [hbm4b:s23+s24], $0x4000, $0x38;
	[tilespmem:$0x18800] =	vst v63  }
0xa3: {  	_ =	swait.ge [sflag:s19], $0x4000  }
0xa4: {  	[sflag:s19] =	ssyncset.done $0x0  }
0xa5: {  	s31 =	simm.s32 $0x4040;
	[sflag:s19] =	ssyncadd.s32 $0xFFFFC000  }
0xa6: {  	v9 =	vld [tilespmem:s31+$0xFFFFFFC0]  }
0xa7: {  	v10 =	vld [tilespmem:s31+$0x30]  }
0xa8: {  	v11 =	vld [tilespmem:s31+$0xFFFFFFD0]  }
0xa9: {  	v12 =	vld [tilespmem:s31+$0x20]  }
0xaa: {  	v13 =	vld [tilespmem:s31+$0x10]  }
0xab: {  	v14 =	vld [tilespmem:s31+$0x0];
	v9 =	vmul.f32 v9, v7  }
0xac: {  	s23 =	simm.s32 $0x40C0;
	v15 =	vld [tilespmem:s31+$0xFFFFFFE0]  }
0xad: {  	v17 =	vld [tilespmem:s23+$0xFFFFFFD0];
	v9 =	vadd.f32 v9, v8  }
0xae: {  	v18 =	vld [tilespmem:s23+$0xFFFFFFC0]  }
0xaf: {  	v10 =	vmul.f32 v10, v7;
	v11 =	vmul.f32 v11, v7;
	v9 =	vshrl.u32 v9, $0x8  }
0xb0: {  	v12 =	vmul.f32 v12, v7;
	v13 =	vmul.f32 v13, v7;
	v9 =	vand.u32 $0x7FF0, v9  }
0xb1: {  	v14 =	vmul.f32 v14, v7;
	v10 =	vadd.f32 v10, v8;
	v9 =	vor.u32 v0, v9  }
0xb2: {  	v16 =	vld [tilespmem:s31+$0xFFFFFFF0];
	v15 =	vmul.f32 v15, v7;
	v17 =	vmul.f32 v17, v7;
	v12 =	vadd.f32 v12, v8  }
0xb3: {  	v18 =	vmul.f32 v18, v7;
	v11 =	vadd.f32 v11, v8;
	v10 =	vshrl.u32 v10, $0x8  }
0xb4: {  	v13 =	vadd.f32 v13, v8;
	v12 =	vshrl.u32 v12, $0x8;
	v10 =	vand.u32 $0x7FF0, v10  }
0xb5: {  	v14 =	vadd.f32 v14, v8;
	v12 =	vand.u32 $0x7FF0, v12;
	v10 =	vor.u32 v0, v10  }
0xb6: {  	v15 =	vadd.f32 v15, v8;
	v13 =	vshrl.u32 v13, $0x8;
	v12 =	vor.u32 v0, v12;
	[tilespmem:v9+s18+$0x0] =	vst.idx.add.f32.msk $0xffff, v3  }
0xb7: {  	v11 =	vshrl.u32 v11, $0x8;
	v13 =	vand.u32 $0x7FF0, v13;
	v9 =	vmul.f32 v16, v7;
	v16 =	vld [tilespmem:s23+$0x30]  }
0xb8: {  	v19 =	vld [tilespmem:s23+$0x20];
	v14 =	vshrl.u32 v14, $0x8;
	v15 =	vshrl.u32 v15, $0x8;
	v13 =	vor.u32 v0, v13  }
0xb9: {  	v20 =	vld [tilespmem:s23+$0x10];
	v11 =	vand.u32 $0x7FF0, v11;
	v14 =	vand.u32 $0x7FF0, v14;
	v9 =	vadd.f32 v9, v8  }
0xba: {  	v21 =	vor.u32 v0, v14;
	v14 =	vand.u32 $0x7FF0, v15;
	[tilespmem:v10+s18+$0x0] =	vst.idx.add.f32.msk $0xffff, v3;
	v10 =	vor.u32 v0, v11  }
0xbb: {  	[tilespmem:v12+s18+$0x0] =	vst.idx.add.f32.msk $0xffff, v3;
	v12 =	vadd.f32 v18, v8;
	v18 =	vor.u32 v0, v14;
	v9 =	vshrl.u32 v9, $0x8  }
0xbc: {  	v11 =	vadd.f32 v17, v8;
	v17 =	vld [tilespmem:s23+$0xFFFFFFE0];
	v9 =	vand.u32 $0x7FF0, v9;
	v15 =	vmul.f32 v16, v7  }
0xbd: {  	[tilespmem:v13+s18+$0x0] =	vst.idx.add.f32.msk $0xffff, v3;
	v13 =	vmul.f32 v19, v7;
	v16 =	vor.u32 v0, v9  }
0xbe: {  	v14 =	vld [tilespmem:s23+$0x0];
	v12 =	vshrl.u32 v12, $0x8;
	v15 =	vadd.f32 v15, v8  }
0xbf: {  	v19 =	vmul.f32 v20, v7;
	[tilespmem:v21+s18+$0x0] =	vst.idx.add.f32.msk $0xffff, v3;
	v63 =	vadd.f32 v13, v8;
	v12 =	vand.u32 $0x7FF0, v12  }
0xc0: {  	v13 =	vor.u32 v0, v12;
	[tilespmem:v18+s18+$0x0] =	vst.idx.add.f32.msk $0xffff, v3;
	v9 =	vshrl.u32 v11, $0x8;
	v22 =	vshrl.u32 v15, $0x8  }
0xc1: {  	v17 =	vmul.f32 v17, v7;
	v11 =	vld [tilespmem:s23+$0xFFFFFFF0];
	v9 =	vand.u32 $0x7FF0, v9;
	v12 =	vand.u32 $0x7FF0, v22  }
0xc2: {  	s24 =	simm.s32 $0x8;
	v15 =	vadd.f32 v19, v8;
	[tilespmem:v16+s18+$0x0] =	vst.idx.add.f32.msk $0xffff, v3;
	v16 =	vshrl.u32 v63, $0x8;
	v12 =	vor.u32 v0, v12  }
.LBB2_9:
0xc3: {  	s24 =	sadd.s32 $0x8, s24;
	s23 =	sadd.s32 $0x80, s23;
	[tilespmem:v10+s18+$0x0] =	vst.idx.add.f32.msk $0xffff, v3  }
0xc4: {  	v10 =	vld [tilespmem:s23+$0xFFFFFFD0];
	p1 =	slt.u32 s24, $0x3F8;
	v17 =	vadd.f32 v17, v8;
	v14 =	vmul.f32 v14, v7  }
0xc5: {  	v15 =	vshrl.u32 v15, $0x8;
	v16 =	vand.u32 $0x7FF0, v16;
	v18 =	vld [tilespmem:s23+$0xFFFFFFC0]  }
0xc6: {  	v11 =	vmul.f32 v11, v7;
	[tilespmem:v13+s18+$0x0] =	vst.idx.add.f32.msk $0xffff, v3;
	v13 =	vadd.f32 v14, v8;
	v14 =	vand.u32 $0x7FF0, v15  }
0xc7: {  	v16 =	vor.u32 v0, v16;
	v17 =	vshrl.u32 v17, $0x8;
	v15 =	vld [tilespmem:s23+$0x30];
	v14 =	vor.u32 v0, v14  }
0xc8: {  	v11 =	vadd.f32 v11, v8;
	v17 =	vand.u32 $0x7FF0, v17;
	v13 =	vshrl.u32 v13, $0x8;
	[tilespmem:v12+s18+$0x0] =	vst.idx.add.f32.msk $0xffff, v3  }
0xc9: {  	v12 =	vmul.f32 v10, v7;
	v19 =	vld [tilespmem:s23+$0x20];
	v13 =	vand.u32 $0x7FF0, v13  }
0xca: {  	v10 =	vor.u32 v0, v9;
	v9 =	vshrl.u32 v11, $0x8;
	v18 =	vmul.f32 v18, v7;
	v20 =	vld [tilespmem:s23+$0x10]  }
0xcb: {  	v9 =	vand.u32 $0x7FF0, v9;
	v13 =	vor.u32 v0, v13;
	v11 =	vadd.f32 v12, v8;
	v12 =	vld [tilespmem:s23+$0xFFFFFFE0]  }
0xcc: {  	v21 =	vor.u32 v0, v9;
	v15 =	vmul.f32 v15, v7;
	[tilespmem:v16+s18+$0x0] =	vst.idx.add.f32.msk $0xffff, v3  }
0xcd: {  	v16 =	vadd.f32 v18, v8;
	v18 =	vor.u32 v0, v17;
	v9 =	vshrl.u32 v11, $0x8;
	[tilespmem:v14+s18+$0x0] =	vst.idx.add.f32.msk $0xffff, v3  }
.Ltmp5:
0xce: {  	v9 =	vand.u32 $0x7FF0, v9;
	v11 =	vld [tilespmem:s23+$0xFFFFFFF0];
	v17 =	vmul.f32 v19, v7;
	v15 =	vadd.f32 v15, v8;
	(pc) =	sbr.rel @p1 .LBB2_9-.Ltmp5, $4  }
0xcf: {  	v16 =	vshrl.u32 v16, $0x8;
	v14 =	vld [tilespmem:s23+$0x0];
	v19 =	vmul.f32 v20, v7  }
0xd0: {  	v16 =	vand.u32 $0x7FF0, v16;
	v20 =	vadd.f32 v17, v8;
	v17 =	vshrl.u32 v15, $0x8;
	[tilespmem:v13+s18+$0x0] =	vst.idx.add.f32.msk $0xffff, v3  }
0xd1: {  	v13 =	vor.u32 v0, v16;
	v15 =	vadd.f32 v19, v8;
	v19 =	vand.u32 $0x7FF0, v17;
	[tilespmem:v21+s18+$0x0] =	vst.idx.add.f32.msk $0xffff, v3  }
0xd2: {  	v17 =	vmul.f32 v12, v7;
	v16 =	vshrl.u32 v20, $0x8;
	v12 =	vor.u32 v0, v19;
	[tilespmem:v18+s18+$0x0] =	vst.idx.add.f32.msk $0xffff, v3  }
0xd3: {  	_ = 	snop  }
0xd4: {  	v11 =	vmul.f32 v11, v7;
	v15 =	vshrl.u32 v15, $0x8  }
0xd5: {  	v16 =	vand.u32 $0x7FF0, v16;
	v14 =	vmul.f32 v14, v7;
	v17 =	vadd.f32 v17, v8  }
0xd6: {  	v9 =	vor.u32 v0, v9;
	v15 =	vand.u32 $0x7FF0, v15;
	v11 =	vadd.f32 v11, v8  }
0xd7: {  	[tilespmem:v10+s18+$0x0] =	vst.idx.add.f32.msk $0xffff, v3;
	v16 =	vor.u32 v0, v16;
	v14 =	vadd.f32 v14, v8;
	v10 =	vshrl.u32 v17, $0x8  }
0xd8: {  	v15 =	vor.u32 v0, v15;
	v11 =	vshrl.u32 v11, $0x8;
	v10 =	vand.u32 $0x7FF0, v10  }
0xd9: {  	[tilespmem:v13+s18+$0x0] =	vst.idx.add.f32.msk $0xffff, v3;
	v14 =	vshrl.u32 v14, $0x8;
	v11 =	vand.u32 $0x7FF0, v11;
	v10 =	vor.u32 v0, v10  }
0xda: {  	[tilespmem:v12+s18+$0x0] =	vst.idx.add.f32.msk $0xffff, v3;
	v14 =	vand.u32 $0x7FF0, v14;
	v11 =	vor.u32 v0, v11  }
0xdb: {  	[tilespmem:v9+s18+$0x0] =	vst.idx.add.f32.msk $0xffff, v3;
	v14 =	vor.u32 v0, v14  }
.Ltmp6:
0xdc: {  	[tilespmem:v16+s18+$0x0] =	vst.idx.add.f32.msk $0xffff, v3;
	(pc) =	sbr.rel @p0 .LBB2_12-.Ltmp6, $4  }
0xdd: {  	[tilespmem:v15+s18+$0x0] =	vst.idx.add.f32.msk $0xffff, v3  }
0xde: {  	[tilespmem:v10+s18+$0x0] =	vst.idx.add.f32.msk $0xffff, v3  }
0xdf: {  	[tilespmem:v11+s18+$0x0] =	vst.idx.add.f32.msk $0xffff, v3  }
0xe0: {  	[tilespmem:v14+s18+$0x0] =	vst.idx.add.f32.msk $0xffff, v3  }
.Ltmp7:
0xe1: {  	(pc) =	sbr.rel .LBB2_6-.Ltmp7, $4  }
0xe2: {  	s22 =	sadd.s32 s22, s9  }
0xe3: {  	s22 =	sshrl.u32 s22, $0x3  }
0xe4: {  	s21 =	sadd.s32 $0x1, s21;
	s22 =	sadd.s32 s1, s22  }
0xe5: {  	[tilespmem:s16], [sflag:$0x2] =	stream.linear.gather [hbm4b:s22+s4], $0x4000, $0x38;
	[tilespmem:$0x18800] =	vst v63  }
.LBB2_12:
0xe6: {  	(v2sf) =	vpush v6, $0x0  }
0xe7: {  	(v2sf) =	vpush v6, $0x1  }
0xe8: {  	(v2sf) =	vpush v6, $0x2  }
0xe9: {  	(v2sf) =	vpush v6, $0x3  }
0xea: {  	(v2sf) =	vpush v6, $0x4  }
0xeb: {  	(v2sf) =	vpush v6, $0x5  }
0xec: {  	(v2sf) =	vpush v6, $0x6  }
0xed: {  	(v2sf) =	vpush v6, $0x7  }
0xee: {  	(v2sf) =	vpush v6, $0x8  }
0xef: {  	(v2sf) =	vpush v6, $0x9  }
0xf0: {  	(v2sf) =	vpush v6, $0xA  }
0xf1: {  	(v2sf) =	vpush v6, $0xB  }
0xf2: {  	(v2sf) =	vpush v6, $0xC  }
0xf3: {  	(v2sf) =	vpush v6, $0xD  }
0xf4: {  	(v2sf) =	vpush v6, $0xE  }
0xf5: {  	s21 =	spop (v2sf);
	(v2sf) =	vpush v6, $0xF  }
0xf6: {  	s22 =	spop (v2sf);
	(v2sf) =	vpush v5, $0x0  }
0xf7: {  	s23 =	spop (v2sf);
	(v2sf) =	vpush v5, $0x1  }
0xf8: {  	s24 =	spop (v2sf);
	(v2sf) =	vpush v5, $0x2  }
0xf9: {  	s21 =	smin.f32 s21, s22;
	s28 =	spop (v2sf);
	(v2sf) =	vpush v5, $0x3  }
0xfa: {  	s21 =	smin.f32 s21, s23;
	s29 =	spop (v2sf);
	(v2sf) =	vpush v5, $0x4  }
0xfb: {  	s21 =	smin.f32 s21, s24;
	s30 =	spop (v2sf);
	(v2sf) =	vpush v5, $0x5  }
0xfc: {  	s21 =	smin.f32 s21, s28;
	s31 =	spop (v2sf);
	(v2sf) =	vpush v5, $0x6  }
0xfd: {  	s21 =	smin.f32 s21, s29;
	s25 =	spop (v2sf);
	(v2sf) =	vpush v5, $0x7  }
0xfe: {  	s21 =	smin.f32 s21, s30;
	s26 =	spop (v2sf);
	(v2sf) =	vpush v5, $0x8  }
0xff: {  	s21 =	smin.f32 s21, s31;
	s28 =	spop (v2sf);
	(v2sf) =	vpush v5, $0x9  }
0x100: {  	s21 =	smin.f32 s21, s25;
	s29 =	spop (v2sf);
	(v2sf) =	vpush v5, $0xA  }
0x101: {  	s21 =	smin.f32 s21, s26;
	s30 =	spop (v2sf);
	(v2sf) =	vpush v5, $0xB  }
0x102: {  	s21 =	smin.f32 s21, s28;
	s31 =	spop (v2sf);
	(v2sf) =	vpush v5, $0xC  }
0x103: {  	s21 =	smin.f32 s21, s29;
	s25 =	spop (v2sf);
	(v2sf) =	vpush v5, $0xD  }
0x104: {  	s21 =	smin.f32 s21, s30;
	s24 =	spop (v2sf);
	(v2sf) =	vpush v5, $0xE  }
0x105: {  	s21 =	smin.f32 s21, s31;
	s26 =	spop (v2sf);
	(v2sf) =	vpush v5, $0xF  }
0x106: {  	s21 =	smin.f32 s21, s25;
	s28 =	spop (v2sf)  }
0x107: {  	s22 =	smax.f32 s26, s28;
	s29 =	spop (v2sf)  }
0x108: {  	s22 =	smax.f32 s22, s29;
	s30 =	spop (v2sf)  }
0x109: {  	s22 =	smax.f32 s22, s30;
	s31 =	spop (v2sf)  }
0x10a: {  	s22 =	smax.f32 s22, s31;
	s25 =	spop (v2sf)  }
0x10b: {  	s22 =	smax.f32 s22, s25;
	s26 =	spop (v2sf)  }
0x10c: {  	s22 =	smax.f32 s22, s26;
	s28 =	spop (v2sf)  }
0x10d: {  	s22 =	smax.f32 s22, s28;
	s29 =	spop (v2sf)  }
0x10e: {  	s22 =	smax.f32 s22, s29;
	s30 =	spop (v2sf)  }
0x10f: {  	s22 =	smax.f32 s22, s30;
	s31 =	spop (v2sf)  }
0x110: {  	s22 =	smax.f32 s22, s31;
	s25 =	spop (v2sf)  }
0x111: {  	s22 =	smax.f32 s22, s25;
	s26 =	spop (v2sf)  }
0x112: {  	s22 =	smax.f32 s22, s26;
	s28 =	spop (v2sf)  }
0x113: {  	s22 =	smax.f32 s22, s28;
	s29 =	spop (v2sf)  }
0x114: {  	s22 =	smax.f32 s22, s29;
	s30 =	spop (v2sf)  }
0x115: {  	s24 =	smin.f32 s21, s24;
	s31 =	smax.f32 s22, s30  }
0x116: {  	s21 =	ssub.f32 s31, s24;
	_ =	sdelay $0x1  }
0x117: {  	v5 =	vmul.f32 s21, v1;
	_ =	sdelay $0x1  }
0x118: {  	(erf) = vrcp.f32 v5;
	_ =	sdelay $0x8  }
0x119: {  	s21 =	simm.s32 $0x0;
	v5 =	vpop (erf)  }
0x11a: {  	[tilespmem:s21], [sflag:$0x1] =	stream.linear.gather [hbm4b:s10+s21], $0x4000, $0x38;
	v6 =	vmul.f32 s24, v5;
	[tilespmem:$0x18800] =	vst v63  }
0x11b: {  	_ = 	snop  }
0x11c: {  	[tilespmem:s16], [sflag:$0x2] =	stream.linear.gather [hbm4b:s11+s21], $0x4000, $0x38;
	v6 =	vsub.f32 $2.048000000e+03, v6;
	[tilespmem:$0x18800] =	vst v63  }
.LBB2_13:
0x11d: {  	_ =	swait.ge [sflag:s17], $0x4000  }
0x11e: {  	[sflag:s17] =	ssyncset.done $0x0  }
0x11f: {  	s22 =	simm.s32 $0x40;
	[sflag:s17] =	ssyncadd.s32 $0xFFFFC000  }
0x120: {  	v7 =	vld [tilespmem:s22+$0xFFFFFFC0]  }
0x121: {  	v8 =	vld [tilespmem:s22+$0x30]  }
0x122: {  	v9 =	vld [tilespmem:s22+$0xFFFFFFD0]  }
0x123: {  	v10 =	vld [tilespmem:s22+$0x20]  }
0x124: {  	v11 =	vld [tilespmem:s22+$0x10]  }
0x125: {  	v12 =	vld [tilespmem:s22+$0x0]  }
0x126: {  	v13 =	vld [tilespmem:s22+$0xFFFFFFE0];
	v7 =	vmul.f32 v7, v5  }
0x127: {  	v14 =	vld [tilespmem:s22+$0xFFFFFFF0];
	s22 =	simm.s32 $0xC0  }
0x128: {  	v15 =	vld [tilespmem:s22+$0xFFFFFFD0];
	v7 =	vadd.f32 v7, v6  }
0x129: {  	v16 =	vld [tilespmem:s22+$0xFFFFFFC0]  }
0x12a: {  	v8 =	vmul.f32 v8, v5;
	v9 =	vmul.f32 v9, v5;
	v7 =	vshrl.u32 v7, $0x8  }
0x12b: {  	v10 =	vmul.f32 v10, v5;
	v11 =	vmul.f32 v11, v5;
	v7 =	vand.u32 $0x7FF0, v7  }
0x12c: {  	v12 =	vmul.f32 v12, v5;
	v8 =	vadd.f32 v8, v6;
	v7 =	vor.u32 v4, v7  }
0x12d: {  	v13 =	vmul.f32 v13, v5;
	v15 =	vmul.f32 v15, v5;
	v10 =	vadd.f32 v10, v6  }
0x12e: {  	v16 =	vmul.f32 v16, v5;
	v9 =	vadd.f32 v9, v6;
	v8 =	vshrl.u32 v8, $0x8  }
0x12f: {  	v11 =	vadd.f32 v11, v6;
	v10 =	vshrl.u32 v10, $0x8;
	v8 =	vand.u32 $0x7FF0, v8  }
0x130: {  	v12 =	vadd.f32 v12, v6;
	v10 =	vand.u32 $0x7FF0, v10;
	v8 =	vor.u32 v4, v8  }
0x131: {  	v13 =	vadd.f32 v13, v6;
	v11 =	vshrl.u32 v11, $0x8;
	v10 =	vor.u32 v4, v10;
	[tilespmem:v7+s18+$0x0] =	vst.idx.add.f32.msk $0xffff, v3  }
0x132: {  	v9 =	vshrl.u32 v9, $0x8;
	v11 =	vand.u32 $0x7FF0, v11;
	v7 =	vmul.f32 v14, v5;
	v14 =	vld [tilespmem:s22+$0x30]  }
0x133: {  	v17 =	vld [tilespmem:s22+$0x20];
	v12 =	vshrl.u32 v12, $0x8;
	v13 =	vshrl.u32 v13, $0x8;
	v11 =	vor.u32 v4, v11  }
0x134: {  	v18 =	vld [tilespmem:s22+$0x10];
	v9 =	vand.u32 $0x7FF0, v9;
	v12 =	vand.u32 $0x7FF0, v12;
	v7 =	vadd.f32 v7, v6  }
0x135: {  	v19 =	vor.u32 v4, v12;
	v12 =	vand.u32 $0x7FF0, v13;
	[tilespmem:v8+s18+$0x0] =	vst.idx.add.f32.msk $0xffff, v3;
	v8 =	vor.u32 v4, v9  }
0x136: {  	[tilespmem:v10+s18+$0x0] =	vst.idx.add.f32.msk $0xffff, v3;
	v10 =	vadd.f32 v16, v6;
	v16 =	vor.u32 v4, v12;
	v7 =	vshrl.u32 v7, $0x8  }
0x137: {  	v9 =	vadd.f32 v15, v6;
	v15 =	vld [tilespmem:s22+$0xFFFFFFE0];
	v7 =	vand.u32 $0x7FF0, v7;
	v13 =	vmul.f32 v14, v5  }
0x138: {  	[tilespmem:v11+s18+$0x0] =	vst.idx.add.f32.msk $0xffff, v3;
	v11 =	vmul.f32 v17, v5;
	v14 =	vor.u32 v4, v7  }
0x139: {  	v12 =	vld [tilespmem:s22+$0x0];
	v10 =	vshrl.u32 v10, $0x8;
	v13 =	vadd.f32 v13, v6  }
0x13a: {  	v17 =	vmul.f32 v18, v5;
	[tilespmem:v19+s18+$0x0] =	vst.idx.add.f32.msk $0xffff, v3;
	v63 =	vadd.f32 v11, v6;
	v10 =	vand.u32 $0x7FF0, v10  }
0x13b: {  	v11 =	vor.u32 v4, v10;
	[tilespmem:v16+s18+$0x0] =	vst.idx.add.f32.msk $0xffff, v3;
	v7 =	vshrl.u32 v9, $0x8;
	v20 =	vshrl.u32 v13, $0x8  }
0x13c: {  	v15 =	vmul.f32 v15, v5;
	v9 =	vld [tilespmem:s22+$0xFFFFFFF0];
	v7 =	vand.u32 $0x7FF0, v7;
	v10 =	vand.u32 $0x7FF0, v20  }
0x13d: {  	s23 =	simm.s32 $0x8;
	v13 =	vadd.f32 v17, v6;
	[tilespmem:v14+s18+$0x0] =	vst.idx.add.f32.msk $0xffff, v3;
	v14 =	vshrl.u32 v63, $0x8;
	v10 =	vor.u32 v4, v10  }
.LBB2_14:
0x13e: {  	s23 =	sadd.s32 $0x8, s23;
	s22 =	sadd.s32 $0x80, s22;
	[tilespmem:v8+s18+$0x0] =	vst.idx.add.f32.msk $0xffff, v3  }
0x13f: {  	v8 =	vld [tilespmem:s22+$0xFFFFFFD0];
	p0 =	slt.u32 s23, $0x3F8;
	v15 =	vadd.f32 v15, v6;
	v12 =	vmul.f32 v12, v5  }
0x140: {  	v13 =	vshrl.u32 v13, $0x8;
	v14 =	vand.u32 $0x7FF0, v14;
	v16 =	vld [tilespmem:s22+$0xFFFFFFC0]  }
0x141: {  	v9 =	vmul.f32 v9, v5;
	[tilespmem:v11+s18+$0x0] =	vst.idx.add.f32.msk $0xffff, v3;
	v11 =	vadd.f32 v12, v6;
	v12 =	vand.u32 $0x7FF0, v13  }
0x142: {  	v14 =	vor.u32 v4, v14;
	v15 =	vshrl.u32 v15, $0x8;
	v13 =	vld [tilespmem:s22+$0x30];
	v12 =	vor.u32 v4, v12  }
0x143: {  	v9 =	vadd.f32 v9, v6;
	v15 =	vand.u32 $0x7FF0, v15;
	v11 =	vshrl.u32 v11, $0x8;
	[tilespmem:v10+s18+$0x0] =	vst.idx.add.f32.msk $0xffff, v3  }
0x144: {  	v10 =	vmul.f32 v8, v5;
	v17 =	vld [tilespmem:s22+$0x20];
	v11 =	vand.u32 $0x7FF0, v11  }
0x145: {  	v8 =	vor.u32 v4, v7;
	v7 =	vshrl.u32 v9, $0x8;
	v16 =	vmul.f32 v16, v5;
	v18 =	vld [tilespmem:s22+$0x10]  }
0x146: {  	v7 =	vand.u32 $0x7FF0, v7;
	v11 =	vor.u32 v4, v11;
	v9 =	vadd.f32 v10, v6;
	v10 =	vld [tilespmem:s22+$0xFFFFFFE0]  }
0x147: {  	v19 =	vor.u32 v4, v7;
	v13 =	vmul.f32 v13, v5;
	[tilespmem:v14+s18+$0x0] =	vst.idx.add.f32.msk $0xffff, v3  }
0x148: {  	v14 =	vadd.f32 v16, v6;
	v16 =	vor.u32 v4, v15;
	v7 =	vshrl.u32 v9, $0x8;
	[tilespmem:v12+s18+$0x0] =	vst.idx.add.f32.msk $0xffff, v3  }
.Ltmp8:
0x149: {  	v7 =	vand.u32 $0x7FF0, v7;
	v9 =	vld [tilespmem:s22+$0xFFFFFFF0];
	v15 =	vmul.f32 v17, v5;
	v13 =	vadd.f32 v13, v6;
	(pc) =	sbr.rel @p0 .LBB2_14-.Ltmp8, $4  }
0x14a: {  	v14 =	vshrl.u32 v14, $0x8;
	v12 =	vld [tilespmem:s22+$0x0];
	v17 =	vmul.f32 v18, v5  }
0x14b: {  	v14 =	vand.u32 $0x7FF0, v14;
	v18 =	vadd.f32 v15, v6;
	v15 =	vshrl.u32 v13, $0x8;
	[tilespmem:v11+s18+$0x0] =	vst.idx.add.f32.msk $0xffff, v3  }
0x14c: {  	v11 =	vor.u32 v4, v14;
	v13 =	vadd.f32 v17, v6;
	v17 =	vand.u32 $0x7FF0, v15;
	[tilespmem:v19+s18+$0x0] =	vst.idx.add.f32.msk $0xffff, v3  }
0x14d: {  	v15 =	vmul.f32 v10, v5;
	v14 =	vshrl.u32 v18, $0x8;
	v10 =	vor.u32 v4, v17;
	[tilespmem:v16+s18+$0x0] =	vst.idx.add.f32.msk $0xffff, v3  }
0x14e: {  	_ = 	snop  }
0x14f: {  	v9 =	vmul.f32 v9, v5;
	v13 =	vshrl.u32 v13, $0x8  }
0x150: {  	v14 =	vand.u32 $0x7FF0, v14;
	v12 =	vmul.f32 v12, v5;
	v15 =	vadd.f32 v15, v6  }
0x151: {  	v7 =	vor.u32 v4, v7;
	v13 =	vand.u32 $0x7FF0, v13;
	v9 =	vadd.f32 v9, v6  }
0x152: {  	[tilespmem:v8+s18+$0x0] =	vst.idx.add.f32.msk $0xffff, v3;
	v14 =	vor.u32 v4, v14;
	v12 =	vadd.f32 v12, v6;
	v8 =	vshrl.u32 v15, $0x8  }
0x153: {  	v13 =	vor.u32 v4, v13;
	v9 =	vshrl.u32 v9, $0x8;
	v8 =	vand.u32 $0x7FF0, v8  }
0x154: {  	[tilespmem:v11+s18+$0x0] =	vst.idx.add.f32.msk $0xffff, v3;
	v12 =	vshrl.u32 v12, $0x8;
	v9 =	vand.u32 $0x7FF0, v9;
	v8 =	vor.u32 v4, v8  }
0x155: {  	[tilespmem:v10+s18+$0x0] =	vst.idx.add.f32.msk $0xffff, v3;
	v12 =	vand.u32 $0x7FF0, v12;
	v9 =	vor.u32 v4, v9  }
0x156: {  	[tilespmem:v7+s18+$0x0] =	vst.idx.add.f32.msk $0xffff, v3;
	v12 =	vor.u32 v4, v12  }
0x157: {  	[tilespmem:v14+s18+$0x0] =	vst.idx.add.f32.msk $0xffff, v3  }
0x158: {  	s22 =	sshll.u32 s21, $0xF;
	p0 =	seq.s32 s21, $0xF;
	[tilespmem:v13+s18+$0x0] =	vst.idx.add.f32.msk $0xffff, v3  }
0x159: {  	s23 =	sadd.s32 @!p0 s22, s8;
	[tilespmem:v8+s18+$0x0] =	vst.idx.add.f32.msk $0xffff, v3  }
0x15a: {  	s23 =	sshrl.u32 @!p0 s23, $0x3;
	[tilespmem:v9+s18+$0x0] =	vst.idx.add.f32.msk $0xffff, v3  }
0x15b: {  	s24 =	simm.s32 @!p0 $0x0;
	s23 =	sadd.s32 @!p0 s2, s23;
	[tilespmem:v12+s18+$0x0] =	vst.idx.add.f32.msk $0xffff, v3  }
0x15c: {  	[tilespmem:s24], [sflag:$0x1] =	stream.linear.gather @!p0 [hbm4b:s23+s24], $0x4000, $0x38;
	[tilespmem:$0x18800] =	vst v63  }
0x15d: {  	_ =	swait.ge [sflag:s19], $0x4000  }
0x15e: {  	[sflag:s19] =	ssyncset.done $0x0  }
0x15f: {  	s31 =	simm.s32 $0x4040;
	[sflag:s19] =	ssyncadd.s32 $0xFFFFC000  }
0x160: {  	v7 =	vld [tilespmem:s31+$0xFFFFFFC0]  }
0x161: {  	v8 =	vld [tilespmem:s31+$0x30]  }
0x162: {  	v9 =	vld [tilespmem:s31+$0xFFFFFFD0]  }
0x163: {  	v10 =	vld [tilespmem:s31+$0x20]  }
0x164: {  	v11 =	vld [tilespmem:s31+$0x10]  }
0x165: {  	v12 =	vld [tilespmem:s31+$0x0];
	v7 =	vmul.f32 v7, v5  }
0x166: {  	s23 =	simm.s32 $0x40C0;
	v13 =	vld [tilespmem:s31+$0xFFFFFFE0]  }
0x167: {  	v15 =	vld [tilespmem:s23+$0xFFFFFFD0];
	v7 =	vadd.f32 v7, v6  }
0x168: {  	v16 =	vld [tilespmem:s23+$0xFFFFFFC0]  }
0x169: {  	v8 =	vmul.f32 v8, v5;
	v9 =	vmul.f32 v9, v5;
	v7 =	vshrl.u32 v7, $0x8  }
0x16a: {  	v10 =	vmul.f32 v10, v5;
	v11 =	vmul.f32 v11, v5;
	v7 =	vand.u32 $0x7FF0, v7  }
0x16b: {  	v12 =	vmul.f32 v12, v5;
	v8 =	vadd.f32 v8, v6;
	v7 =	vor.u32 v4, v7  }
0x16c: {  	v14 =	vld [tilespmem:s31+$0xFFFFFFF0];
	v13 =	vmul.f32 v13, v5;
	v15 =	vmul.f32 v15, v5;
	v10 =	vadd.f32 v10, v6  }
0x16d: {  	v16 =	vmul.f32 v16, v5;
	v9 =	vadd.f32 v9, v6;
	v8 =	vshrl.u32 v8, $0x8  }
0x16e: {  	v11 =	vadd.f32 v11, v6;
	v10 =	vshrl.u32 v10, $0x8;
	v8 =	vand.u32 $0x7FF0, v8  }
0x16f: {  	v12 =	vadd.f32 v12, v6;
	v10 =	vand.u32 $0x7FF0, v10;
	v8 =	vor.u32 v4, v8  }
0x170: {  	v13 =	vadd.f32 v13, v6;
	v11 =	vshrl.u32 v11, $0x8;
	v10 =	vor.u32 v4, v10;
	[tilespmem:v7+s18+$0x0] =	vst.idx.add.f32.msk $0xffff, v3  }
0x171: {  	v9 =	vshrl.u32 v9, $0x8;
	v11 =	vand.u32 $0x7FF0, v11;
	v7 =	vmul.f32 v14, v5;
	v14 =	vld [tilespmem:s23+$0x30]  }
0x172: {  	v17 =	vld [tilespmem:s23+$0x20];
	v12 =	vshrl.u32 v12, $0x8;
	v13 =	vshrl.u32 v13, $0x8;
	v11 =	vor.u32 v4, v11  }
0x173: {  	v18 =	vld [tilespmem:s23+$0x10];
	v9 =	vand.u32 $0x7FF0, v9;
	v12 =	vand.u32 $0x7FF0, v12;
	v7 =	vadd.f32 v7, v6  }
0x174: {  	v19 =	vor.u32 v4, v12;
	v12 =	vand.u32 $0x7FF0, v13;
	[tilespmem:v8+s18+$0x0] =	vst.idx.add.f32.msk $0xffff, v3;
	v8 =	vor.u32 v4, v9  }
0x175: {  	[tilespmem:v10+s18+$0x0] =	vst.idx.add.f32.msk $0xffff, v3;
	v10 =	vadd.f32 v16, v6;
	v16 =	vor.u32 v4, v12;
	v7 =	vshrl.u32 v7, $0x8  }
0x176: {  	v9 =	vadd.f32 v15, v6;
	v15 =	vld [tilespmem:s23+$0xFFFFFFE0];
	v7 =	vand.u32 $0x7FF0, v7;
	v13 =	vmul.f32 v14, v5  }
0x177: {  	[tilespmem:v11+s18+$0x0] =	vst.idx.add.f32.msk $0xffff, v3;
	v11 =	vmul.f32 v17, v5;
	v14 =	vor.u32 v4, v7  }
0x178: {  	v12 =	vld [tilespmem:s23+$0x0];
	v10 =	vshrl.u32 v10, $0x8;
	v13 =	vadd.f32 v13, v6  }
0x179: {  	v17 =	vmul.f32 v18, v5;
	[tilespmem:v19+s18+$0x0] =	vst.idx.add.f32.msk $0xffff, v3;
	v63 =	vadd.f32 v11, v6;
	v10 =	vand.u32 $0x7FF0, v10  }
0x17a: {  	v11 =	vor.u32 v4, v10;
	[tilespmem:v16+s18+$0x0] =	vst.idx.add.f32.msk $0xffff, v3;
	v7 =	vshrl.u32 v9, $0x8;
	v20 =	vshrl.u32 v13, $0x8  }
0x17b: {  	v15 =	vmul.f32 v15, v5;
	v9 =	vld [tilespmem:s23+$0xFFFFFFF0];
	v7 =	vand.u32 $0x7FF0, v7;
	v10 =	vand.u32 $0x7FF0, v20  }
0x17c: {  	s24 =	simm.s32 $0x8;
	v13 =	vadd.f32 v17, v6;
	[tilespmem:v14+s18+$0x0] =	vst.idx.add.f32.msk $0xffff, v3;
	v14 =	vshrl.u32 v63, $0x8;
	v10 =	vor.u32 v4, v10  }
.LBB2_16:
0x17d: {  	s24 =	sadd.s32 $0x8, s24;
	s23 =	sadd.s32 $0x80, s23;
	[tilespmem:v8+s18+$0x0] =	vst.idx.add.f32.msk $0xffff, v3  }
0x17e: {  	v8 =	vld [tilespmem:s23+$0xFFFFFFD0];
	p1 =	slt.u32 s24, $0x3F8;
	v15 =	vadd.f32 v15, v6;
	v12 =	vmul.f32 v12, v5  }
0x17f: {  	v13 =	vshrl.u32 v13, $0x8;
	v14 =	vand.u32 $0x7FF0, v14;
	v16 =	vld [tilespmem:s23+$0xFFFFFFC0]  }
0x180: {  	v9 =	vmul.f32 v9, v5;
	[tilespmem:v11+s18+$0x0] =	vst.idx.add.f32.msk $0xffff, v3;
	v11 =	vadd.f32 v12, v6;
	v12 =	vand.u32 $0x7FF0, v13  }
0x181: {  	v14 =	vor.u32 v4, v14;
	v15 =	vshrl.u32 v15, $0x8;
	v13 =	vld [tilespmem:s23+$0x30];
	v12 =	vor.u32 v4, v12  }
0x182: {  	v9 =	vadd.f32 v9, v6;
	v15 =	vand.u32 $0x7FF0, v15;
	v11 =	vshrl.u32 v11, $0x8;
	[tilespmem:v10+s18+$0x0] =	vst.idx.add.f32.msk $0xffff, v3  }
0x183: {  	v10 =	vmul.f32 v8, v5;
	v17 =	vld [tilespmem:s23+$0x20];
	v11 =	vand.u32 $0x7FF0, v11  }
0x184: {  	v8 =	vor.u32 v4, v7;
	v7 =	vshrl.u32 v9, $0x8;
	v16 =	vmul.f32 v16, v5;
	v18 =	vld [tilespmem:s23+$0x10]  }
0x185: {  	v7 =	vand.u32 $0x7FF0, v7;
	v11 =	vor.u32 v4, v11;
	v9 =	vadd.f32 v10, v6;
	v10 =	vld [tilespmem:s23+$0xFFFFFFE0]  }
0x186: {  	v19 =	vor.u32 v4, v7;
	v13 =	vmul.f32 v13, v5;
	[tilespmem:v14+s18+$0x0] =	vst.idx.add.f32.msk $0xffff, v3  }
0x187: {  	v14 =	vadd.f32 v16, v6;
	v16 =	vor.u32 v4, v15;
	v7 =	vshrl.u32 v9, $0x8;
	[tilespmem:v12+s18+$0x0] =	vst.idx.add.f32.msk $0xffff, v3  }
.Ltmp9:
0x188: {  	v7 =	vand.u32 $0x7FF0, v7;
	v9 =	vld [tilespmem:s23+$0xFFFFFFF0];
	v15 =	vmul.f32 v17, v5;
	v13 =	vadd.f32 v13, v6;
	(pc) =	sbr.rel @p1 .LBB2_16-.Ltmp9, $4  }
0x189: {  	v14 =	vshrl.u32 v14, $0x8;
	v12 =	vld [tilespmem:s23+$0x0];
	v17 =	vmul.f32 v18, v5  }
0x18a: {  	v14 =	vand.u32 $0x7FF0, v14;
	v18 =	vadd.f32 v15, v6;
	v15 =	vshrl.u32 v13, $0x8;
	[tilespmem:v11+s18+$0x0] =	vst.idx.add.f32.msk $0xffff, v3  }
0x18b: {  	v11 =	vor.u32 v4, v14;
	v13 =	vadd.f32 v17, v6;
	v17 =	vand.u32 $0x7FF0, v15;
	[tilespmem:v19+s18+$0x0] =	vst.idx.add.f32.msk $0xffff, v3  }
0x18c: {  	v15 =	vmul.f32 v10, v5;
	v14 =	vshrl.u32 v18, $0x8;
	v10 =	vor.u32 v4, v17;
	[tilespmem:v16+s18+$0x0] =	vst.idx.add.f32.msk $0xffff, v3  }
0x18d: {  	_ = 	snop  }
0x18e: {  	v9 =	vmul.f32 v9, v5;
	v13 =	vshrl.u32 v13, $0x8  }
0x18f: {  	v14 =	vand.u32 $0x7FF0, v14;
	v12 =	vmul.f32 v12, v5;
	v15 =	vadd.f32 v15, v6  }
0x190: {  	v7 =	vor.u32 v4, v7;
	v13 =	vand.u32 $0x7FF0, v13;
	v9 =	vadd.f32 v9, v6  }
0x191: {  	[tilespmem:v8+s18+$0x0] =	vst.idx.add.f32.msk $0xffff, v3;
	v14 =	vor.u32 v4, v14;
	v12 =	vadd.f32 v12, v6;
	v8 =	vshrl.u32 v15, $0x8  }
0x192: {  	v13 =	vor.u32 v4, v13;
	v9 =	vshrl.u32 v9, $0x8;
	v8 =	vand.u32 $0x7FF0, v8  }
0x193: {  	[tilespmem:v11+s18+$0x0] =	vst.idx.add.f32.msk $0xffff, v3;
	v12 =	vshrl.u32 v12, $0x8;
	v9 =	vand.u32 $0x7FF0, v9;
	v8 =	vor.u32 v4, v8  }
0x194: {  	[tilespmem:v10+s18+$0x0] =	vst.idx.add.f32.msk $0xffff, v3;
	v12 =	vand.u32 $0x7FF0, v12;
	v9 =	vor.u32 v4, v9  }
0x195: {  	[tilespmem:v7+s18+$0x0] =	vst.idx.add.f32.msk $0xffff, v3;
	v12 =	vor.u32 v4, v12  }
.Ltmp10:
0x196: {  	[tilespmem:v14+s18+$0x0] =	vst.idx.add.f32.msk $0xffff, v3;
	(pc) =	sbr.rel @p0 .LBB2_19-.Ltmp10, $4  }
0x197: {  	[tilespmem:v13+s18+$0x0] =	vst.idx.add.f32.msk $0xffff, v3  }
0x198: {  	[tilespmem:v8+s18+$0x0] =	vst.idx.add.f32.msk $0xffff, v3  }
0x199: {  	[tilespmem:v9+s18+$0x0] =	vst.idx.add.f32.msk $0xffff, v3  }
0x19a: {  	[tilespmem:v12+s18+$0x0] =	vst.idx.add.f32.msk $0xffff, v3  }
.Ltmp11:
0x19b: {  	(pc) =	sbr.rel .LBB2_13-.Ltmp11, $4  }
0x19c: {  	s22 =	sadd.s32 s22, s9  }
0x19d: {  	s22 =	sshrl.u32 s22, $0x3  }
0x19e: {  	s21 =	sadd.s32 $0x1, s21;
	s22 =	sadd.s32 s2, s22  }
0x19f: {  	[tilespmem:s16], [sflag:$0x2] =	stream.linear.gather [hbm4b:s22+s4], $0x4000, $0x38;
	[tilespmem:$0x18800] =	vst v63  }
.LBB2_20:
0x1a0: {  	_ =	sfence.sel $0x180000  }
0x1a1: {  	[bflag:$0x0] =	sbarrier.arrive $0xFFFF  }
0x1a2: {  	p0 =	sne.s32 s3, $0x0;
	_ =	strace $0x9000004A  }
0x1a3: {  	s0 =	sadd.s32 @!p0 $0x100000, s0;
	[bflag:$0x2] =	sbarrier.arrive $0xFFFF  }
0x1a4: {  	[sflag:s0] =	ssyncadd.tile.s32 @!p0 $0x1;
	_ =	shalt  }
.Lfunc_end2:
_tile_overlayer_lowered:
.L_overlay_start_2:
0x1a5: {  	(tag) =	ssettag $0x2  }
0x1a6: {  	s0 =	rddreg [dreg:$0x0];
	s2 =	stileid.u32  }
0x1a7: {  	s1 =	rddreg [dreg:$0x1];
	p0 =	sne.s32 s2, $0x0  }
0x1a8: {  	s3 =	rddreg [dreg:$0x2];
	[bflag:$0x3] =	sbarrier.arrive $0xFFFF;
	s2 =	simm.s32 @!p0 $0x1C03  }
0x1a9: {  	[timem:s3], [sflag:s2] =	dma.local @!p0 [hbm:s0], s1  }
0x1aa: {  	s0 =	simm.s32 @!p0 $0x3  }
0x1ab: {  	_ =	swait.ge @!p0 [sflag:s0], s1  }
0x1ac: {  	s1 =	ssub.s32 @!p0 $0x0, s1;
	[sflag:s0] =	ssyncset.done @!p0 $0x0  }
0x1ad: {  	[sflag:s0] =	ssyncadd.s32 @!p0 s1  }
0x1ae: {  	[bflag:$0x3] =	sbarrier.arrive $0xFFFF  }
0x1af: {  	_ =	shalt  }

</sc_bundles>
